<compile_context>
chip_gen: v7x
topology: tpu7x:2x2x1
jax: 0.10.2.dev20260603
libtpu: 0.0.44.dev20260713+nightly
codegen_flags: <defaults>
</compile_context>

<pallas_src>
import functools

import jax
import jax.numpy as jnp
from jax import lax
from jax.experimental import pallas as pl
from jax.experimental.pallas import tpu as pltpu
from jax.experimental.pallas import tpu_sc as plsc

L = 16
N = 256
NCHUNK = N // L
NC = 2
B = 16
BIG = 1 << 30


def _argmax16(load_chunk):
    lane = lax.iota(jnp.int32, L)
    pairs = [(load_chunk(j), jnp.full((L,), jnp.int32(j * L)))
             for j in range(NCHUNK)]
    while len(pairs) > 1:
        nxt = []
        for k in range(0, len(pairs), 2):
            (va, ia), (vb, ib) = pairs[k], pairs[k + 1]
            take_b = vb > va
            nxt.append((jnp.where(take_b, vb, va),
                        jnp.where(take_b, ib, ia)))
        pairs = nxt
    vmax, vbase = pairs[0]
    m = jnp.max(vmax)
    cand = jnp.where(vmax == m, vbase + lane, BIG)
    idx = jnp.min(cand)
    return m, idx


def _make_kernel():
    mesh = plsc.VectorSubcoreMesh(core_axis_name="c", subcore_axis_name="s")

    @functools.partial(
        pl.kernel,
        mesh=mesh,
        out_type=jax.ShapeDtypeStruct((B, N, N), jnp.float32),
        compiler_params=pltpu.CompilerParams(needs_layout_passes=False),
        scratch_types=[
            pltpu.VMEM((N, N), jnp.float32),
            pltpu.VMEM((N,), jnp.float32),
            pltpu.VMEM((N,), jnp.int32),
            pltpu.VMEM((N,), jnp.int32),
        ],
    )
    def greedy(s_hbm, out_hbm, st, cached, picks_r, picks_c):
        wid = lax.axis_index("s") * NC + lax.axis_index("c")

        @pl.when(wid < B)
        def _body():
            lane = lax.iota(jnp.int32, L)
            lane0 = lane == 0
            zero = jnp.zeros((L,), jnp.float32)
            ones = jnp.ones((L,), jnp.float32)

            pltpu.sync_copy(s_hbm.at[wid], st)

            def set1(ref, i, val):
                plsc.store_scatter(ref, [jnp.broadcast_to(i, (L,))],
                                   jnp.broadcast_to(val, (L,)), mask=lane0)

            def init_row(rr, carry):
                vmax = st[rr, pl.ds(0, L)]
                for j in range(1, NCHUNK):
                    vmax = jnp.maximum(vmax, st[rr, pl.ds(j * L, L)])
                set1(cached, rr, jnp.max(vmax))
                return carry
            lax.fori_loop(0, N, init_row, 0)

            def setv(vt, i, val):
                return tuple(
                    jnp.where(lane == jnp.broadcast_to(i - k * L, (L,)),
                              val, vt[k])
                    for k in range(NCHUNK))

            def pick(ca, cm):
                def rescan(rr):
                    return _argmax16(
                        lambda j: st[rr, pl.ds(j * L, L)] * cm[j])

                m, r = _argmax16(lambda j: ca[j])
                tm, c = rescan(r)

                def stale(cy):
                    return cy[0] != cy[1]

                def fix(cy):
                    m_, tm_, r_, _, ca_ = cy
                    ca2 = setv(ca_, r_, tm_)
                    m2, r2 = _argmax16(lambda j: ca2[j])
                    tm2, c2 = rescan(r2)
                    return (m2, tm2, r2, c2, ca2)

                m, tm, r, c, ca = lax.while_loop(
                    stale, fix, (m, tm, r, c, ca))
                return m, r, c, ca

            def commit(i, r, c, ca, cm):
                for j in range(NCHUNK):
                    st[r, pl.ds(j * L, L)] = zero
                set1(picks_r, i, r)
                set1(picks_c, i, c)
                return setv(ca, r, jnp.float32(0.0)), \
                    setv(cm, c, jnp.float32(0.0))

            ca0 = tuple(cached[pl.ds(j * L, L)] for j in range(NCHUNK))
            cm0 = tuple(ones for _ in range(NCHUNK))
            m0, r0, c0, ca0 = pick(ca0, cm0)

            def step(i, carry):
                r_p, c_p, ca, cm, dirty = carry
                ca, cm = commit(i - 1, r_p, c_p, ca, cm)
                m, r, c, ca = pick(ca, cm)
                dirty = jnp.where(m == 0.0, jnp.int32(1), dirty)
                return (r, c, ca, cm, dirty)

            r_l, c_l, ca_l, cm_l, dirty = lax.fori_loop(
                1, N, step,
                (r0, c0, ca0, cm0,
                 jnp.where(m0 == 0.0, jnp.int32(1), jnp.int32(0))))
            commit(jnp.int32(N - 1), r_l, c_l, ca_l, cm_l)

            @pl.when(dirty == 1)
            def _clear():
                def clear_row(rr, carry):
                    for j in range(NCHUNK):
                        st[rr, pl.ds(j * L, L)] = zero
                    return carry
                lax.fori_loop(0, N, clear_row, 0)

            for j in range(NCHUNK):
                plsc.store_scatter(
                    st, [picks_r[pl.ds(j * L, L)], picks_c[pl.ds(j * L, L)]],
                    ones)

            pltpu.sync_copy(st, out_hbm.at[wid])

    return greedy


_greedy_kernel = _make_kernel()


@jax.jit
def kernel(s):
    return _greedy_kernel(s)

# --- scband reference (transcript-rebuilt; emitter-appended) ---
"""Pipeline reference for scband-binary-80788334837979 (READ-ONLY COPY).

The authoritative reference and input builder live on the scoring server;
editing this copy changes nothing except your own understanding.
"""

import jax, jax.numpy as jnp
import numpy as np


def setup_inputs(seed: int = 0) -> dict:
    key = jax.random.key(seed)
    s = jax.random.uniform(key, (16, 256, 256), dtype=jnp.float32)
    return {"s": s}


def reference(s):
    # Faithful translation of Binary.forward with n1=None, n2=None (square case).
    # Greedy: repeat N times: global argmax of remaining matrix, set perm[r,c]=1,
    # zero out row r and column c. Note: original torch code computes
    # rowindex = index // n1b and colindex = index % n1b; for square matrices
    # (n1b == n2b == N) this equals the standard row-major decode, which we keep.
    B, N1, N2 = s.shape
    s_tmp = s  # clone is implicit (functional)
    perm0 = jnp.zeros_like(s)
    batch_idx = jnp.arange(B)

    def body(carry, _):
        st, perm = carry
        flat = st.reshape(B, N1 * N2)
        idx = jnp.argmax(flat, axis=1)
        row = idx // N1
        col = idx % N1
        st = st.at[batch_idx, row, :].set(0.0)
        st = st.at[batch_idx, :, col].set(0.0)
        perm = perm.at[batch_idx, row, col].set(1.0)
        return (st, perm), None

    (_, perm_mat), _ = jax.lax.scan(body, (s_tmp, perm0), None, length=N1)
    return perm_mat

if __name__ == "__main__":
    import jax
    _d = setup_inputs()
    print(jax.jit(kernel)(*tuple(_d.values())))

</pallas_src>

<mosaic_0001>
#map = affine_map<(d0, d1) -> (0, 0, 0)>
module attributes {stable_mosaic.version = 14 : i64} {
  func.func @greedy(%arg0: i32, %arg1: i32, %arg2: memref<16x256x256xf32, #tpu.memory_space<hbm>>, %arg3: memref<16x256x256xf32, #tpu.memory_space<hbm>>, %arg4: memref<256x256xf32, #tpu.memory_space<vmem>>, %arg5: memref<256xf32, #tpu.memory_space<vmem>>, %arg6: memref<256xi32, #tpu.memory_space<vmem>>, %arg7: memref<256xi32, #tpu.memory_space<vmem>>) attributes {dimension_semantics = [#tpu.dimension_semantics<core_parallel>, #tpu.dimension_semantics<subcore_parallel>], iteration_bounds = array<i64: 2, 16>, scalar_prefetch = 0 : i64, scratch_operands = 4 : i64, tpu.core_type = #tpu.core_type<sc_vector_subcore>, window_params = [{transform_indices = #map}, {transform_indices = #map}]} {
    %mul3A = arith.constant 2 : i32
    %mul3A_0 = arith.muli %arg1, %mul3A : i32
    %add3A = arith.addi %mul3A_0, %arg0 : i32
    %lt3A = arith.constant 16 : i32
    %lt3A_1 = arith.cmpi slt, %add3A, %lt3A : i32
    %convert_element_type3A = arith.extui %lt3A_1 : i1 to i32
    %cond3A = arith.constant 0 : i32
    %cond3A_2 = arith.cmpi ne, %convert_element_type3A, %cond3A : i32
    scf.if %cond3A_2 {
      %iota3A = tpu.iota {dimensions = array<i32: 0>} : vector<16xi32>
      %eq3A = arith.constant 0 : i32
      %eq3A_3 = vector.broadcast %eq3A : i32 to vector<16xi32>
      %eq3A_4 = arith.cmpi eq, %iota3A, %eq3A_3 : vector<16xi32>
      %broadcast_in_dim3A = arith.constant 0.000000e+00 : f32
      %broadcast_in_dim3A_5 = vector.broadcast %broadcast_in_dim3A : f32 to vector<16xf32>
      %broadcast_in_dim3A_6 = arith.constant 1.000000e+00 : f32
      %broadcast_in_dim3A_7 = vector.broadcast %broadcast_in_dim3A_6 : f32 to vector<16xf32>
      "tpu.region"() ({
        %run_scoped3A = tpu.sem_alloc : memref<!tpu.dma_semaphore, #tpu.memory_space<semaphore_mem>>
        %dma_start3A = arith.constant 0 : i32
        %dma_start3A_651 = arith.constant 0 : i32
        %dma_start3A_652 = tpu.memref_slice %arg2[%add3A, %dma_start3A, %dma_start3A_651] : memref<16x256x256xf32, #tpu.memory_space<hbm>> -> memref<1x256x256xf32, #tpu.memory_space<hbm>>
        %dma_start3A_653 = tpu.memref_squeeze %dma_start3A_652 : memref<1x256x256xf32, #tpu.memory_space<hbm>> -> memref<256x256xf32, #tpu.memory_space<hbm>>
        %dma_start3A_654 = arith.constant 0 : i32
        %dma_start3A_655 = arith.constant 0 : i32
        %dma_start3A_656 = tpu.memref_slice %arg2[%add3A, %dma_start3A_654, %dma_start3A_655] : memref<16x256x256xf32, #tpu.memory_space<hbm>> -> memref<1x256x256xf32, #tpu.memory_space<hbm>>
        %dma_start3A_657 = tpu.memref_squeeze %dma_start3A_656 : memref<1x256x256xf32, #tpu.memory_space<hbm>> -> memref<256x256xf32, #tpu.memory_space<hbm>>
        tpu.enqueue_dma source(%dma_start3A_657 : memref<256x256xf32, #tpu.memory_space<hbm>>) target(%arg4 : memref<256x256xf32, #tpu.memory_space<vmem>>) target_semaphore(%run_scoped3A : memref<!tpu.dma_semaphore, #tpu.memory_space<semaphore_mem>>)
        %dma_wait3A = arith.constant 0 : i32
        %dma_wait3A_658 = arith.constant 0 : i32
        %dma_wait3A_659 = tpu.memref_slice %arg2[%add3A, %dma_wait3A, %dma_wait3A_658] : memref<16x256x256xf32, #tpu.memory_space<hbm>> -> memref<1x256x256xf32, #tpu.memory_space<hbm>>
        %dma_wait3A_660 = tpu.memref_squeeze %dma_wait3A_659 : memref<1x256x256xf32, #tpu.memory_space<hbm>> -> memref<256x256xf32, #tpu.memory_space<hbm>>
        %dma_wait3A_661 = arith.constant 0 : i32
        %dma_wait3A_662 = arith.constant 0 : i32
        %dma_wait3A_663 = tpu.memref_slice %arg2[%add3A, %dma_wait3A_661, %dma_wait3A_662] : memref<16x256x256xf32, #tpu.memory_space<hbm>> -> memref<1x256x256xf32, #tpu.memory_space<hbm>>
        %dma_wait3A_664 = tpu.memref_squeeze %dma_wait3A_663 : memref<1x256x256xf32, #tpu.memory_space<hbm>> -> memref<256x256xf32, #tpu.memory_space<hbm>>
        tpu.wait_dma2 semaphore(%run_scoped3A : memref<!tpu.dma_semaphore, #tpu.memory_space<semaphore_mem>>) src(%dma_wait3A_664 : memref<256x256xf32, #tpu.memory_space<hbm>>) dst(%arg4 : memref<256x256xf32, #tpu.memory_space<vmem>>)
        tpu.yield
      }) : () -> ()
      %scan3A = arith.constant 0 : i32
      %scan3A_8 = arith.constant 0 : i32
      %scan3A_9 = arith.constant 256 : i32
      %scan3A_10 = arith.addi %scan3A_8, %scan3A_9 : i32
      %scan3A_11 = arith.constant 1 : i32
      scf.for %scan3A_651 = %scan3A_8 to %scan3A_10 step %scan3A_11  : i32 {
        %get3A_652 = arith.index_cast %scan3A_651 : i32 to index
        %get3A_653 = arith.constant 0 : index
        %get3A_654 = tpu.vector_load %arg4[%get3A_652, %get3A_653] {strides = array<i32>} : memref<256x256xf32, #tpu.memory_space<vmem>>, vector<16xf32>,
        %get3A_655 = arith.index_cast %scan3A_651 : i32 to index
        %get3A_656 = arith.constant 16 : index
        %get3A_657 = tpu.vector_load %arg4[%get3A_655, %get3A_656] {strides = array<i32>} : memref<256x256xf32, #tpu.memory_space<vmem>>, vector<16xf32>,
        %max3A = arith.maximumf %get3A_654, %get3A_657 : vector<16xf32>
        %get3A_658 = arith.index_cast %scan3A_651 : i32 to index
        %get3A_659 = arith.constant 32 : index
        %get3A_660 = tpu.vector_load %arg4[%get3A_658, %get3A_659] {strides = array<i32>} : memref<256x256xf32, #tpu.memory_space<vmem>>, vector<16xf32>,
        %max3A_661 = arith.maximumf %max3A, %get3A_660 : vector<16xf32>
        %get3A_662 = arith.index_cast %scan3A_651 : i32 to index
        %get3A_663 = arith.constant 48 : index
        %get3A_664 = tpu.vector_load %arg4[%get3A_662, %get3A_663] {strides = array<i32>} : memref<256x256xf32, #tpu.memory_space<vmem>>, vector<16xf32>,
        %max3A_665 = arith.maximumf %max3A_661, %get3A_664 : vector<16xf32>
        %get3A_666 = arith.index_cast %scan3A_651 : i32 to index
        %get3A_667 = arith.constant 64 : index
        %get3A_668 = tpu.vector_load %arg4[%get3A_666, %get3A_667] {strides = array<i32>} : memref<256x256xf32, #tpu.memory_space<vmem>>, vector<16xf32>,
        %max3A_669 = arith.maximumf %max3A_665, %get3A_668 : vector<16xf32>
        %get3A_670 = arith.index_cast %scan3A_651 : i32 to index
        %get3A_671 = arith.constant 80 : index
        %get3A_672 = tpu.vector_load %arg4[%get3A_670, %get3A_671] {strides = array<i32>} : memref<256x256xf32, #tpu.memory_space<vmem>>, vector<16xf32>,
        %max3A_673 = arith.maximumf %max3A_669, %get3A_672 : vector<16xf32>
        %get3A_674 = arith.index_cast %scan3A_651 : i32 to index
        %get3A_675 = arith.constant 96 : index
        %get3A_676 = tpu.vector_load %arg4[%get3A_674, %get3A_675] {strides = array<i32>} : memref<256x256xf32, #tpu.memory_space<vmem>>, vector<16xf32>,
        %max3A_677 = arith.maximumf %max3A_673, %get3A_676 : vector<16xf32>
        %get3A_678 = arith.index_cast %scan3A_651 : i32 to index
        %get3A_679 = arith.constant 112 : index
        %get3A_680 = tpu.vector_load %arg4[%get3A_678, %get3A_679] {strides = array<i32>} : memref<256x256xf32, #tpu.memory_space<vmem>>, vector<16xf32>,
        %max3A_681 = arith.maximumf %max3A_677, %get3A_680 : vector<16xf32>
        %get3A_682 = arith.index_cast %scan3A_651 : i32 to index
        %get3A_683 = arith.constant 128 : index
        %get3A_684 = tpu.vector_load %arg4[%get3A_682, %get3A_683] {strides = array<i32>} : memref<256x256xf32, #tpu.memory_space<vmem>>, vector<16xf32>,
        %max3A_685 = arith.maximumf %max3A_681, %get3A_684 : vector<16xf32>
        %get3A_686 = arith.index_cast %scan3A_651 : i32 to index
        %get3A_687 = arith.constant 144 : index
        %get3A_688 = tpu.vector_load %arg4[%get3A_686, %get3A_687] {strides = array<i32>} : memref<256x256xf32, #tpu.memory_space<vmem>>, vector<16xf32>,
        %max3A_689 = arith.maximumf %max3A_685, %get3A_688 : vector<16xf32>
        %get3A_690 = arith.index_cast %scan3A_651 : i32 to index
        %get3A_691 = arith.constant 160 : index
        %get3A_692 = tpu.vector_load %arg4[%get3A_690, %get3A_691] {strides = array<i32>} : memref<256x256xf32, #tpu.memory_space<vmem>>, vector<16xf32>,
        %max3A_693 = arith.maximumf %max3A_689, %get3A_692 : vector<16xf32>
        %get3A_694 = arith.index_cast %scan3A_651 : i32 to index
        %get3A_695 = arith.constant 176 : index
        %get3A_696 = tpu.vector_load %arg4[%get3A_694, %get3A_695] {strides = array<i32>} : memref<256x256xf32, #tpu.memory_space<vmem>>, vector<16xf32>,
        %max3A_697 = arith.maximumf %max3A_693, %get3A_696 : vector<16xf32>
        %get3A_698 = arith.index_cast %scan3A_651 : i32 to index
        %get3A_699 = arith.constant 192 : index
        %get3A_700 = tpu.vector_load %arg4[%get3A_698, %get3A_699] {strides = array<i32>} : memref<256x256xf32, #tpu.memory_space<vmem>>, vector<16xf32>,
        %max3A_701 = arith.maximumf %max3A_697, %get3A_700 : vector<16xf32>
        %get3A_702 = arith.index_cast %scan3A_651 : i32 to index
        %get3A_703 = arith.constant 208 : index
        %get3A_704 = tpu.vector_load %arg4[%get3A_702, %get3A_703] {strides = array<i32>} : memref<256x256xf32, #tpu.memory_space<vmem>>, vector<16xf32>,
        %max3A_705 = arith.maximumf %max3A_701, %get3A_704 : vector<16xf32>
        %get3A_706 = arith.index_cast %scan3A_651 : i32 to index
        %get3A_707 = arith.constant 224 : index
        %get3A_708 = tpu.vector_load %arg4[%get3A_706, %get3A_707] {strides = array<i32>} : memref<256x256xf32, #tpu.memory_space<vmem>>, vector<16xf32>,
        %max3A_709 = arith.maximumf %max3A_705, %get3A_708 : vector<16xf32>
        %get3A_710 = arith.index_cast %scan3A_651 : i32 to index
        %get3A_711 = arith.constant 240 : index
        %get3A_712 = tpu.vector_load %arg4[%get3A_710, %get3A_711] {strides = array<i32>} : memref<256x256xf32, #tpu.memory_space<vmem>>, vector<16xf32>,
        %max3A_713 = arith.maximumf %max3A_709, %get3A_712 : vector<16xf32>
        %reduce_max3A_714 = arith.constant true
        %reduce_max3A_715 = vector.broadcast %reduce_max3A_714 : i1 to vector<16xi1>
        %reduce_max3A_716 = tpu.scan <max>, %max3A_713 masked %reduce_max3A_715 : vector<16xf32>, vector<16xi1> -> vector<16xf32>
        %reduce_max3A_717 = vector.extract %reduce_max3A_716[15] : f32 from vector<16xf32>
        %broadcast_in_dim3A_718 = vector.broadcast %scan3A_651 : i32 to vector<16xi32>
        %broadcast_in_dim3A_719 = vector.broadcast %reduce_max3A_717 : f32 to vector<16xf32>
        tpu.vector_store_idx %arg5[%broadcast_in_dim3A_718], %broadcast_in_dim3A_719 masked %eq3A_4 : memref<256xf32, #tpu.memory_space<vmem>>[vector<16xi32>], vector<16xf32>, vector<16xi1>
      }
      %scan3A_12 = arith.constant 256 : i32
      %get3A = arith.constant 0 : index
      %get3A_13 = tpu.vector_load %arg5[%get3A] {strides = array<i32>} : memref<256xf32, #tpu.memory_space<vmem>>, vector<16xf32>,
      %get3A_14 = arith.constant 16 : index
      %get3A_15 = tpu.vector_load %arg5[%get3A_14] {strides = array<i32>} : memref<256xf32, #tpu.memory_space<vmem>>, vector<16xf32>,
      %get3A_16 = arith.constant 32 : index
      %get3A_17 = tpu.vector_load %arg5[%get3A_16] {strides = array<i32>} : memref<256xf32, #tpu.memory_space<vmem>>, vector<16xf32>,
      %get3A_18 = arith.constant 48 : index
      %get3A_19 = tpu.vector_load %arg5[%get3A_18] {strides = array<i32>} : memref<256xf32, #tpu.memory_space<vmem>>, vector<16xf32>,
      %get3A_20 = arith.constant 64 : index
      %get3A_21 = tpu.vector_load %arg5[%get3A_20] {strides = array<i32>} : memref<256xf32, #tpu.memory_space<vmem>>, vector<16xf32>,
      %get3A_22 = arith.constant 80 : index
      %get3A_23 = tpu.vector_load %arg5[%get3A_22] {strides = array<i32>} : memref<256xf32, #tpu.memory_space<vmem>>, vector<16xf32>,
      %get3A_24 = arith.constant 96 : index
      %get3A_25 = tpu.vector_load %arg5[%get3A_24] {strides = array<i32>} : memref<256xf32, #tpu.memory_space<vmem>>, vector<16xf32>,
      %get3A_26 = arith.constant 112 : index
      %get3A_27 = tpu.vector_load %arg5[%get3A_26] {strides = array<i32>} : memref<256xf32, #tpu.memory_space<vmem>>, vector<16xf32>,
      %get3A_28 = arith.constant 128 : index
      %get3A_29 = tpu.vector_load %arg5[%get3A_28] {strides = array<i32>} : memref<256xf32, #tpu.memory_space<vmem>>, vector<16xf32>,
      %get3A_30 = arith.constant 144 : index
      %get3A_31 = tpu.vector_load %arg5[%get3A_30] {strides = array<i32>} : memref<256xf32, #tpu.memory_space<vmem>>, vector<16xf32>,
      %get3A_32 = arith.constant 160 : index
      %get3A_33 = tpu.vector_load %arg5[%get3A_32] {strides = array<i32>} : memref<256xf32, #tpu.memory_space<vmem>>, vector<16xf32>,
      %get3A_34 = arith.constant 176 : index
      %get3A_35 = tpu.vector_load %arg5[%get3A_34] {strides = array<i32>} : memref<256xf32, #tpu.memory_space<vmem>>, vector<16xf32>,
      %get3A_36 = arith.constant 192 : index
      %get3A_37 = tpu.vector_load %arg5[%get3A_36] {strides = array<i32>} : memref<256xf32, #tpu.memory_space<vmem>>, vector<16xf32>,
      %get3A_38 = arith.constant 208 : index
      %get3A_39 = tpu.vector_load %arg5[%get3A_38] {strides = array<i32>} : memref<256xf32, #tpu.memory_space<vmem>>, vector<16xf32>,
      %get3A_40 = arith.constant 224 : index
      %get3A_41 = tpu.vector_load %arg5[%get3A_40] {strides = array<i32>} : memref<256xf32, #tpu.memory_space<vmem>>, vector<16xf32>,
      %get3A_42 = arith.constant 240 : index
      %get3A_43 = tpu.vector_load %arg5[%get3A_42] {strides = array<i32>} : memref<256xf32, #tpu.memory_space<vmem>>, vector<16xf32>,
      %iota3A_44 = tpu.iota {dimensions = array<i32: 0>} : vector<16xi32>
      %broadcast_in_dim3A_45 = arith.constant 0 : i32
      %broadcast_in_dim3A_46 = vector.broadcast %broadcast_in_dim3A_45 : i32 to vector<16xi32>
      %broadcast_in_dim3A_47 = arith.constant 16 : i32
      %broadcast_in_dim3A_48 = vector.broadcast %broadcast_in_dim3A_47 : i32 to vector<16xi32>
      %broadcast_in_dim3A_49 = arith.constant 32 : i32
      %broadcast_in_dim3A_50 = vector.broadcast %broadcast_in_dim3A_49 : i32 to vector<16xi32>
      %broadcast_in_dim3A_51 = arith.constant 48 : i32
      %broadcast_in_dim3A_52 = vector.broadcast %broadcast_in_dim3A_51 : i32 to vector<16xi32>
      %broadcast_in_dim3A_53 = arith.constant 64 : i32
      %broadcast_in_dim3A_54 = vector.broadcast %broadcast_in_dim3A_53 : i32 to vector<16xi32>
      %broadcast_in_dim3A_55 = arith.constant 80 : i32
      %broadcast_in_dim3A_56 = vector.broadcast %broadcast_in_dim3A_55 : i32 to vector<16xi32>
      %broadcast_in_dim3A_57 = arith.constant 96 : i32
      %broadcast_in_dim3A_58 = vector.broadcast %broadcast_in_dim3A_57 : i32 to vector<16xi32>
      %broadcast_in_dim3A_59 = arith.constant 112 : i32
      %broadcast_in_dim3A_60 = vector.broadcast %broadcast_in_dim3A_59 : i32 to vector<16xi32>
      %broadcast_in_dim3A_61 = arith.constant 128 : i32
      %broadcast_in_dim3A_62 = vector.broadcast %broadcast_in_dim3A_61 : i32 to vector<16xi32>
      %broadcast_in_dim3A_63 = arith.constant 144 : i32
      %broadcast_in_dim3A_64 = vector.broadcast %broadcast_in_dim3A_63 : i32 to vector<16xi32>
      %broadcast_in_dim3A_65 = arith.constant 160 : i32
      %broadcast_in_dim3A_66 = vector.broadcast %broadcast_in_dim3A_65 : i32 to vector<16xi32>
      %broadcast_in_dim3A_67 = arith.constant 176 : i32
      %broadcast_in_dim3A_68 = vector.broadcast %broadcast_in_dim3A_67 : i32 to vector<16xi32>
      %broadcast_in_dim3A_69 = arith.constant 192 : i32
      %broadcast_in_dim3A_70 = vector.broadcast %broadcast_in_dim3A_69 : i32 to vector<16xi32>
      %broadcast_in_dim3A_71 = arith.constant 208 : i32
      %broadcast_in_dim3A_72 = vector.broadcast %broadcast_in_dim3A_71 : i32 to vector<16xi32>
      %broadcast_in_dim3A_73 = arith.constant 224 : i32
      %broadcast_in_dim3A_74 = vector.broadcast %broadcast_in_dim3A_73 : i32 to vector<16xi32>
      %broadcast_in_dim3A_75 = arith.constant 240 : i32
      %broadcast_in_dim3A_76 = vector.broadcast %broadcast_in_dim3A_75 : i32 to vector<16xi32>
      %gt3A = arith.cmpf ogt, %get3A_15, %get3A_13 : vector<16xf32>
      %select_n3A = arith.select %gt3A, %get3A_15, %get3A_13 : vector<16xi1>, vector<16xf32>
      %select_n3A_77 = arith.select %gt3A, %broadcast_in_dim3A_48, %broadcast_in_dim3A_46 : vector<16xi1>, vector<16xi32>
      %gt3A_78 = arith.cmpf ogt, %get3A_19, %get3A_17 : vector<16xf32>
      %select_n3A_79 = arith.select %gt3A_78, %get3A_19, %get3A_17 : vector<16xi1>, vector<16xf32>
      %select_n3A_80 = arith.select %gt3A_78, %broadcast_in_dim3A_52, %broadcast_in_dim3A_50 : vector<16xi1>, vector<16xi32>
      %gt3A_81 = arith.cmpf ogt, %get3A_23, %get3A_21 : vector<16xf32>
      %select_n3A_82 = arith.select %gt3A_81, %get3A_23, %get3A_21 : vector<16xi1>, vector<16xf32>
      %select_n3A_83 = arith.select %gt3A_81, %broadcast_in_dim3A_56, %broadcast_in_dim3A_54 : vector<16xi1>, vector<16xi32>
      %gt3A_84 = arith.cmpf ogt, %get3A_27, %get3A_25 : vector<16xf32>
      %select_n3A_85 = arith.select %gt3A_84, %get3A_27, %get3A_25 : vector<16xi1>, vector<16xf32>
      %select_n3A_86 = arith.select %gt3A_84, %broadcast_in_dim3A_60, %broadcast_in_dim3A_58 : vector<16xi1>, vector<16xi32>
      %gt3A_87 = arith.cmpf ogt, %get3A_31, %get3A_29 : vector<16xf32>
      %select_n3A_88 = arith.select %gt3A_87, %get3A_31, %get3A_29 : vector<16xi1>, vector<16xf32>
      %select_n3A_89 = arith.select %gt3A_87, %broadcast_in_dim3A_64, %broadcast_in_dim3A_62 : vector<16xi1>, vector<16xi32>
      %gt3A_90 = arith.cmpf ogt, %get3A_35, %get3A_33 : vector<16xf32>
      %select_n3A_91 = arith.select %gt3A_90, %get3A_35, %get3A_33 : vector<16xi1>, vector<16xf32>
      %select_n3A_92 = arith.select %gt3A_90, %broadcast_in_dim3A_68, %broadcast_in_dim3A_66 : vector<16xi1>, vector<16xi32>
      %gt3A_93 = arith.cmpf ogt, %get3A_39, %get3A_37 : vector<16xf32>
      %select_n3A_94 = arith.select %gt3A_93, %get3A_39, %get3A_37 : vector<16xi1>, vector<16xf32>
      %select_n3A_95 = arith.select %gt3A_93, %broadcast_in_dim3A_72, %broadcast_in_dim3A_70 : vector<16xi1>, vector<16xi32>
      %gt3A_96 = arith.cmpf ogt, %get3A_43, %get3A_41 : vector<16xf32>
      %select_n3A_97 = arith.select %gt3A_96, %get3A_43, %get3A_41 : vector<16xi1>, vector<16xf32>
      %select_n3A_98 = arith.select %gt3A_96, %broadcast_in_dim3A_76, %broadcast_in_dim3A_74 : vector<16xi1>, vector<16xi32>
      %gt3A_99 = arith.cmpf ogt, %select_n3A_79, %select_n3A : vector<16xf32>
      %select_n3A_100 = arith.select %gt3A_99, %select_n3A_79, %select_n3A : vector<16xi1>, vector<16xf32>
      %select_n3A_101 = arith.select %gt3A_99, %select_n3A_80, %select_n3A_77 : vector<16xi1>, vector<16xi32>
      %gt3A_102 = arith.cmpf ogt, %select_n3A_85, %select_n3A_82 : vector<16xf32>
      %select_n3A_103 = arith.select %gt3A_102, %select_n3A_85, %select_n3A_82 : vector<16xi1>, vector<16xf32>
      %select_n3A_104 = arith.select %gt3A_102, %select_n3A_86, %select_n3A_83 : vector<16xi1>, vector<16xi32>
      %gt3A_105 = arith.cmpf ogt, %select_n3A_91, %select_n3A_88 : vector<16xf32>
      %select_n3A_106 = arith.select %gt3A_105, %select_n3A_91, %select_n3A_88 : vector<16xi1>, vector<16xf32>
      %select_n3A_107 = arith.select %gt3A_105, %select_n3A_92, %select_n3A_89 : vector<16xi1>, vector<16xi32>
      %gt3A_108 = arith.cmpf ogt, %select_n3A_97, %select_n3A_94 : vector<16xf32>
      %select_n3A_109 = arith.select %gt3A_108, %select_n3A_97, %select_n3A_94 : vector<16xi1>, vector<16xf32>
      %select_n3A_110 = arith.select %gt3A_108, %select_n3A_98, %select_n3A_95 : vector<16xi1>, vector<16xi32>
      %gt3A_111 = arith.cmpf ogt, %select_n3A_103, %select_n3A_100 : vector<16xf32>
      %select_n3A_112 = arith.select %gt3A_111, %select_n3A_103, %select_n3A_100 : vector<16xi1>, vector<16xf32>
      %select_n3A_113 = arith.select %gt3A_111, %select_n3A_104, %select_n3A_101 : vector<16xi1>, vector<16xi32>
      %gt3A_114 = arith.cmpf ogt, %select_n3A_109, %select_n3A_106 : vector<16xf32>
      %select_n3A_115 = arith.select %gt3A_114, %select_n3A_109, %select_n3A_106 : vector<16xi1>, vector<16xf32>
      %select_n3A_116 = arith.select %gt3A_114, %select_n3A_110, %select_n3A_107 : vector<16xi1>, vector<16xi32>
      %gt3A_117 = arith.cmpf ogt, %select_n3A_115, %select_n3A_112 : vector<16xf32>
      %select_n3A_118 = arith.select %gt3A_117, %select_n3A_115, %select_n3A_112 : vector<16xi1>, vector<16xf32>
      %select_n3A_119 = arith.select %gt3A_117, %select_n3A_116, %select_n3A_113 : vector<16xi1>, vector<16xi32>
      %reduce_max3A = arith.constant true
      %reduce_max3A_120 = vector.broadcast %reduce_max3A : i1 to vector<16xi1>
      %reduce_max3A_121 = tpu.scan <max>, %select_n3A_118 masked %reduce_max3A_120 : vector<16xf32>, vector<16xi1> -> vector<16xf32>
      %reduce_max3A_122 = vector.extract %reduce_max3A_121[15] : f32 from vector<16xf32>
      %eq3A_123 = vector.broadcast %reduce_max3A_122 : f32 to vector<16xf32>
      %eq3A_124 = arith.cmpf oeq, %select_n3A_118, %eq3A_123 : vector<16xf32>
      %add3A_125 = arith.addi %select_n3A_119, %iota3A_44 : vector<16xi32>
      %jit3A = arith.constant 1073741824 : i32
      %broadcast_in_dim3A_126 = vector.broadcast %jit3A : i32 to vector<16xi32>
      %select_n3A_127 = arith.select %eq3A_124, %add3A_125, %broadcast_in_dim3A_126 : vector<16xi1>, vector<16xi32>
      %reduce_min3A = arith.constant true
      %reduce_min3A_128 = vector.broadcast %reduce_min3A : i1 to vector<16xi1>
      %reduce_min3A_129 = arith.constant -2147483648 : i32
      %reduce_min3A_130 = vector.broadcast %reduce_min3A_129 : i32 to vector<16xi32>
      %reduce_min3A_131 = arith.xori %select_n3A_127, %reduce_min3A_130 : vector<16xi32>
      %reduce_min3A_132 = tpu.scan <min>, %reduce_min3A_131 masked %reduce_min3A_128 : vector<16xi32>, vector<16xi1> -> vector<16xi32>
      %reduce_min3A_133 = arith.xori %reduce_min3A_132, %reduce_min3A_130 : vector<16xi32>
      %reduce_min3A_134 = vector.extract %reduce_min3A_133[15] : i32 from vector<16xi32>
      %iota3A_135 = tpu.iota {dimensions = array<i32: 0>} : vector<16xi32>
      %get3A_136 = arith.index_cast %reduce_min3A_134 : i32 to index
      %get3A_137 = arith.constant 0 : index
      %get3A_138 = tpu.vector_load %arg4[%get3A_136, %get3A_137] {strides = array<i32>} : memref<256x256xf32, #tpu.memory_space<vmem>>, vector<16xf32>,
      %mul3A_139 = arith.mulf %get3A_138, %broadcast_in_dim3A_7 : vector<16xf32>
      %broadcast_in_dim3A_140 = arith.constant 0 : i32
      %broadcast_in_dim3A_141 = vector.broadcast %broadcast_in_dim3A_140 : i32 to vector<16xi32>
      %get3A_142 = arith.index_cast %reduce_min3A_134 : i32 to index
      %get3A_143 = arith.constant 16 : index
      %get3A_144 = tpu.vector_load %arg4[%get3A_142, %get3A_143] {strides = array<i32>} : memref<256x256xf32, #tpu.memory_space<vmem>>, vector<16xf32>,
      %mul3A_145 = arith.mulf %get3A_144, %broadcast_in_dim3A_7 : vector<16xf32>
      %broadcast_in_dim3A_146 = arith.constant 16 : i32
      %broadcast_in_dim3A_147 = vector.broadcast %broadcast_in_dim3A_146 : i32 to vector<16xi32>
      %get3A_148 = arith.index_cast %reduce_min3A_134 : i32 to index
      %get3A_149 = arith.constant 32 : index
      %get3A_150 = tpu.vector_load %arg4[%get3A_148, %get3A_149] {strides = array<i32>} : memref<256x256xf32, #tpu.memory_space<vmem>>, vector<16xf32>,
      %mul3A_151 = arith.mulf %get3A_150, %broadcast_in_dim3A_7 : vector<16xf32>
      %broadcast_in_dim3A_152 = arith.constant 32 : i32
      %broadcast_in_dim3A_153 = vector.broadcast %broadcast_in_dim3A_152 : i32 to vector<16xi32>
      %get3A_154 = arith.index_cast %reduce_min3A_134 : i32 to index
      %get3A_155 = arith.constant 48 : index
      %get3A_156 = tpu.vector_load %arg4[%get3A_154, %get3A_155] {strides = array<i32>} : memref<256x256xf32, #tpu.memory_space<vmem>>, vector<16xf32>,
      %mul3A_157 = arith.mulf %get3A_156, %broadcast_in_dim3A_7 : vector<16xf32>
      %broadcast_in_dim3A_158 = arith.constant 48 : i32
      %broadcast_in_dim3A_159 = vector.broadcast %broadcast_in_dim3A_158 : i32 to vector<16xi32>
      %get3A_160 = arith.index_cast %reduce_min3A_134 : i32 to index
      %get3A_161 = arith.constant 64 : index
      %get3A_162 = tpu.vector_load %arg4[%get3A_160, %get3A_161] {strides = array<i32>} : memref<256x256xf32, #tpu.memory_space<vmem>>, vector<16xf32>,
      %mul3A_163 = arith.mulf %get3A_162, %broadcast_in_dim3A_7 : vector<16xf32>
      %broadcast_in_dim3A_164 = arith.constant 64 : i32
      %broadcast_in_dim3A_165 = vector.broadcast %broadcast_in_dim3A_164 : i32 to vector<16xi32>
      %get3A_166 = arith.index_cast %reduce_min3A_134 : i32 to index
      %get3A_167 = arith.constant 80 : index
      %get3A_168 = tpu.vector_load %arg4[%get3A_166, %get3A_167] {strides = array<i32>} : memref<256x256xf32, #tpu.memory_space<vmem>>, vector<16xf32>,
      %mul3A_169 = arith.mulf %get3A_168, %broadcast_in_dim3A_7 : vector<16xf32>
      %broadcast_in_dim3A_170 = arith.constant 80 : i32
      %broadcast_in_dim3A_171 = vector.broadcast %broadcast_in_dim3A_170 : i32 to vector<16xi32>
      %get3A_172 = arith.index_cast %reduce_min3A_134 : i32 to index
      %get3A_173 = arith.constant 96 : index
      %get3A_174 = tpu.vector_load %arg4[%get3A_172, %get3A_173] {strides = array<i32>} : memref<256x256xf32, #tpu.memory_space<vmem>>, vector<16xf32>,
      %mul3A_175 = arith.mulf %get3A_174, %broadcast_in_dim3A_7 : vector<16xf32>
      %broadcast_in_dim3A_176 = arith.constant 96 : i32
      %broadcast_in_dim3A_177 = vector.broadcast %broadcast_in_dim3A_176 : i32 to vector<16xi32>
      %get3A_178 = arith.index_cast %reduce_min3A_134 : i32 to index
      %get3A_179 = arith.constant 112 : index
      %get3A_180 = tpu.vector_load %arg4[%get3A_178, %get3A_179] {strides = array<i32>} : memref<256x256xf32, #tpu.memory_space<vmem>>, vector<16xf32>,
      %mul3A_181 = arith.mulf %get3A_180, %broadcast_in_dim3A_7 : vector<16xf32>
      %broadcast_in_dim3A_182 = arith.constant 112 : i32
      %broadcast_in_dim3A_183 = vector.broadcast %broadcast_in_dim3A_182 : i32 to vector<16xi32>
      %get3A_184 = arith.index_cast %reduce_min3A_134 : i32 to index
      %get3A_185 = arith.constant 128 : index
      %get3A_186 = tpu.vector_load %arg4[%get3A_184, %get3A_185] {strides = array<i32>} : memref<256x256xf32, #tpu.memory_space<vmem>>, vector<16xf32>,
      %mul3A_187 = arith.mulf %get3A_186, %broadcast_in_dim3A_7 : vector<16xf32>
      %broadcast_in_dim3A_188 = arith.constant 128 : i32
      %broadcast_in_dim3A_189 = vector.broadcast %broadcast_in_dim3A_188 : i32 to vector<16xi32>
      %get3A_190 = arith.index_cast %reduce_min3A_134 : i32 to index
      %get3A_191 = arith.constant 144 : index
      %get3A_192 = tpu.vector_load %arg4[%get3A_190, %get3A_191] {strides = array<i32>} : memref<256x256xf32, #tpu.memory_space<vmem>>, vector<16xf32>,
      %mul3A_193 = arith.mulf %get3A_192, %broadcast_in_dim3A_7 : vector<16xf32>
      %broadcast_in_dim3A_194 = arith.constant 144 : i32
      %broadcast_in_dim3A_195 = vector.broadcast %broadcast_in_dim3A_194 : i32 to vector<16xi32>
      %get3A_196 = arith.index_cast %reduce_min3A_134 : i32 to index
      %get3A_197 = arith.constant 160 : index
      %get3A_198 = tpu.vector_load %arg4[%get3A_196, %get3A_197] {strides = array<i32>} : memref<256x256xf32, #tpu.memory_space<vmem>>, vector<16xf32>,
      %mul3A_199 = arith.mulf %get3A_198, %broadcast_in_dim3A_7 : vector<16xf32>
      %broadcast_in_dim3A_200 = arith.constant 160 : i32
      %broadcast_in_dim3A_201 = vector.broadcast %broadcast_in_dim3A_200 : i32 to vector<16xi32>
      %get3A_202 = arith.index_cast %reduce_min3A_134 : i32 to index
      %get3A_203 = arith.constant 176 : index
      %get3A_204 = tpu.vector_load %arg4[%get3A_202, %get3A_203] {strides = array<i32>} : memref<256x256xf32, #tpu.memory_space<vmem>>, vector<16xf32>,
      %mul3A_205 = arith.mulf %get3A_204, %broadcast_in_dim3A_7 : vector<16xf32>
      %broadcast_in_dim3A_206 = arith.constant 176 : i32
      %broadcast_in_dim3A_207 = vector.broadcast %broadcast_in_dim3A_206 : i32 to vector<16xi32>
      %get3A_208 = arith.index_cast %reduce_min3A_134 : i32 to index
      %get3A_209 = arith.constant 192 : index
      %get3A_210 = tpu.vector_load %arg4[%get3A_208, %get3A_209] {strides = array<i32>} : memref<256x256xf32, #tpu.memory_space<vmem>>, vector<16xf32>,
      %mul3A_211 = arith.mulf %get3A_210, %broadcast_in_dim3A_7 : vector<16xf32>
      %broadcast_in_dim3A_212 = arith.constant 192 : i32
      %broadcast_in_dim3A_213 = vector.broadcast %broadcast_in_dim3A_212 : i32 to vector<16xi32>
      %get3A_214 = arith.index_cast %reduce_min3A_134 : i32 to index
      %get3A_215 = arith.constant 208 : index
      %get3A_216 = tpu.vector_load %arg4[%get3A_214, %get3A_215] {strides = array<i32>} : memref<256x256xf32, #tpu.memory_space<vmem>>, vector<16xf32>,
      %mul3A_217 = arith.mulf %get3A_216, %broadcast_in_dim3A_7 : vector<16xf32>
      %broadcast_in_dim3A_218 = arith.constant 208 : i32
      %broadcast_in_dim3A_219 = vector.broadcast %broadcast_in_dim3A_218 : i32 to vector<16xi32>
      %get3A_220 = arith.index_cast %reduce_min3A_134 : i32 to index
      %get3A_221 = arith.constant 224 : index
      %get3A_222 = tpu.vector_load %arg4[%get3A_220, %get3A_221] {strides = array<i32>} : memref<256x256xf32, #tpu.memory_space<vmem>>, vector<16xf32>,
      %mul3A_223 = arith.mulf %get3A_222, %broadcast_in_dim3A_7 : vector<16xf32>
      %broadcast_in_dim3A_224 = arith.constant 224 : i32
      %broadcast_in_dim3A_225 = vector.broadcast %broadcast_in_dim3A_224 : i32 to vector<16xi32>
      %get3A_226 = arith.index_cast %reduce_min3A_134 : i32 to index
      %get3A_227 = arith.constant 240 : index
      %get3A_228 = tpu.vector_load %arg4[%get3A_226, %get3A_227] {strides = array<i32>} : memref<256x256xf32, #tpu.memory_space<vmem>>, vector<16xf32>,
      %mul3A_229 = arith.mulf %get3A_228, %broadcast_in_dim3A_7 : vector<16xf32>
      %broadcast_in_dim3A_230 = arith.constant 240 : i32
      %broadcast_in_dim3A_231 = vector.broadcast %broadcast_in_dim3A_230 : i32 to vector<16xi32>
      %gt3A_232 = arith.cmpf ogt, %mul3A_145, %mul3A_139 : vector<16xf32>
      %select_n3A_233 = arith.select %gt3A_232, %mul3A_145, %mul3A_139 : vector<16xi1>, vector<16xf32>
      %select_n3A_234 = arith.select %gt3A_232, %broadcast_in_dim3A_147, %broadcast_in_dim3A_141 : vector<16xi1>, vector<16xi32>
      %gt3A_235 = arith.cmpf ogt, %mul3A_157, %mul3A_151 : vector<16xf32>
      %select_n3A_236 = arith.select %gt3A_235, %mul3A_157, %mul3A_151 : vector<16xi1>, vector<16xf32>
      %select_n3A_237 = arith.select %gt3A_235, %broadcast_in_dim3A_159, %broadcast_in_dim3A_153 : vector<16xi1>, vector<16xi32>
      %gt3A_238 = arith.cmpf ogt, %mul3A_169, %mul3A_163 : vector<16xf32>
      %select_n3A_239 = arith.select %gt3A_238, %mul3A_169, %mul3A_163 : vector<16xi1>, vector<16xf32>
      %select_n3A_240 = arith.select %gt3A_238, %broadcast_in_dim3A_171, %broadcast_in_dim3A_165 : vector<16xi1>, vector<16xi32>
      %gt3A_241 = arith.cmpf ogt, %mul3A_181, %mul3A_175 : vector<16xf32>
      %select_n3A_242 = arith.select %gt3A_241, %mul3A_181, %mul3A_175 : vector<16xi1>, vector<16xf32>
      %select_n3A_243 = arith.select %gt3A_241, %broadcast_in_dim3A_183, %broadcast_in_dim3A_177 : vector<16xi1>, vector<16xi32>
      %gt3A_244 = arith.cmpf ogt, %mul3A_193, %mul3A_187 : vector<16xf32>
      %select_n3A_245 = arith.select %gt3A_244, %mul3A_193, %mul3A_187 : vector<16xi1>, vector<16xf32>
      %select_n3A_246 = arith.select %gt3A_244, %broadcast_in_dim3A_195, %broadcast_in_dim3A_189 : vector<16xi1>, vector<16xi32>
      %gt3A_247 = arith.cmpf ogt, %mul3A_205, %mul3A_199 : vector<16xf32>
      %select_n3A_248 = arith.select %gt3A_247, %mul3A_205, %mul3A_199 : vector<16xi1>, vector<16xf32>
      %select_n3A_249 = arith.select %gt3A_247, %broadcast_in_dim3A_207, %broadcast_in_dim3A_201 : vector<16xi1>, vector<16xi32>
      %gt3A_250 = arith.cmpf ogt, %mul3A_217, %mul3A_211 : vector<16xf32>
      %select_n3A_251 = arith.select %gt3A_250, %mul3A_217, %mul3A_211 : vector<16xi1>, vector<16xf32>
      %select_n3A_252 = arith.select %gt3A_250, %broadcast_in_dim3A_219, %broadcast_in_dim3A_213 : vector<16xi1>, vector<16xi32>
      %gt3A_253 = arith.cmpf ogt, %mul3A_229, %mul3A_223 : vector<16xf32>
      %select_n3A_254 = arith.select %gt3A_253, %mul3A_229, %mul3A_223 : vector<16xi1>, vector<16xf32>
      %select_n3A_255 = arith.select %gt3A_253, %broadcast_in_dim3A_231, %broadcast_in_dim3A_225 : vector<16xi1>, vector<16xi32>
      %gt3A_256 = arith.cmpf ogt, %select_n3A_236, %select_n3A_233 : vector<16xf32>
      %select_n3A_257 = arith.select %gt3A_256, %select_n3A_236, %select_n3A_233 : vector<16xi1>, vector<16xf32>
      %select_n3A_258 = arith.select %gt3A_256, %select_n3A_237, %select_n3A_234 : vector<16xi1>, vector<16xi32>
      %gt3A_259 = arith.cmpf ogt, %select_n3A_242, %select_n3A_239 : vector<16xf32>
      %select_n3A_260 = arith.select %gt3A_259, %select_n3A_242, %select_n3A_239 : vector<16xi1>, vector<16xf32>
      %select_n3A_261 = arith.select %gt3A_259, %select_n3A_243, %select_n3A_240 : vector<16xi1>, vector<16xi32>
      %gt3A_262 = arith.cmpf ogt, %select_n3A_248, %select_n3A_245 : vector<16xf32>
      %select_n3A_263 = arith.select %gt3A_262, %select_n3A_248, %select_n3A_245 : vector<16xi1>, vector<16xf32>
      %select_n3A_264 = arith.select %gt3A_262, %select_n3A_249, %select_n3A_246 : vector<16xi1>, vector<16xi32>
      %gt3A_265 = arith.cmpf ogt, %select_n3A_254, %select_n3A_251 : vector<16xf32>
      %select_n3A_266 = arith.select %gt3A_265, %select_n3A_254, %select_n3A_251 : vector<16xi1>, vector<16xf32>
      %select_n3A_267 = arith.select %gt3A_265, %select_n3A_255, %select_n3A_252 : vector<16xi1>, vector<16xi32>
      %gt3A_268 = arith.cmpf ogt, %select_n3A_260, %select_n3A_257 : vector<16xf32>
      %select_n3A_269 = arith.select %gt3A_268, %select_n3A_260, %select_n3A_257 : vector<16xi1>, vector<16xf32>
      %select_n3A_270 = arith.select %gt3A_268, %select_n3A_261, %select_n3A_258 : vector<16xi1>, vector<16xi32>
      %gt3A_271 = arith.cmpf ogt, %select_n3A_266, %select_n3A_263 : vector<16xf32>
      %select_n3A_272 = arith.select %gt3A_271, %select_n3A_266, %select_n3A_263 : vector<16xi1>, vector<16xf32>
      %select_n3A_273 = arith.select %gt3A_271, %select_n3A_267, %select_n3A_264 : vector<16xi1>, vector<16xi32>
      %gt3A_274 = arith.cmpf ogt, %select_n3A_272, %select_n3A_269 : vector<16xf32>
      %select_n3A_275 = arith.select %gt3A_274, %select_n3A_272, %select_n3A_269 : vector<16xi1>, vector<16xf32>
      %select_n3A_276 = arith.select %gt3A_274, %select_n3A_273, %select_n3A_270 : vector<16xi1>, vector<16xi32>
      %reduce_max3A_277 = arith.constant true
      %reduce_max3A_278 = vector.broadcast %reduce_max3A_277 : i1 to vector<16xi1>
      %reduce_max3A_279 = tpu.scan <max>, %select_n3A_275 masked %reduce_max3A_278 : vector<16xf32>, vector<16xi1> -> vector<16xf32>
      %reduce_max3A_280 = vector.extract %reduce_max3A_279[15] : f32 from vector<16xf32>
      %eq3A_281 = vector.broadcast %reduce_max3A_280 : f32 to vector<16xf32>
      %eq3A_282 = arith.cmpf oeq, %select_n3A_275, %eq3A_281 : vector<16xf32>
      %add3A_283 = arith.addi %select_n3A_276, %iota3A_135 : vector<16xi32>
      %jit3A_284 = arith.constant 1073741824 : i32
      %broadcast_in_dim3A_285 = vector.broadcast %jit3A_284 : i32 to vector<16xi32>
      %select_n3A_286 = arith.select %eq3A_282, %add3A_283, %broadcast_in_dim3A_285 : vector<16xi1>, vector<16xi32>
      %reduce_min3A_287 = arith.constant true
      %reduce_min3A_288 = vector.broadcast %reduce_min3A_287 : i1 to vector<16xi1>
      %reduce_min3A_289 = arith.constant -2147483648 : i32
      %reduce_min3A_290 = vector.broadcast %reduce_min3A_289 : i32 to vector<16xi32>
      %reduce_min3A_291 = arith.xori %select_n3A_286, %reduce_min3A_290 : vector<16xi32>
      %reduce_min3A_292 = tpu.scan <min>, %reduce_min3A_291 masked %reduce_min3A_288 : vector<16xi32>, vector<16xi1> -> vector<16xi32>
      %reduce_min3A_293 = arith.xori %reduce_min3A_292, %reduce_min3A_290 : vector<16xi32>
      %reduce_min3A_294 = vector.extract %reduce_min3A_293[15] : i32 from vector<16xi32>
      %while3A:20 = scf.while (%while3A_651 = %reduce_max3A_122, %while3A_652 = %reduce_max3A_280, %while3A_653 = %reduce_min3A_134, %while3A_654 = %reduce_min3A_294, %while3A_655 = %get3A_13, %while3A_656 = %get3A_15, %while3A_657 = %get3A_17, %while3A_658 = %get3A_19, %while3A_659 = %get3A_21, %while3A_660 = %get3A_23, %while3A_661 = %get3A_25, %while3A_662 = %get3A_27, %while3A_663 = %get3A_29, %while3A_664 = %get3A_31, %while3A_665 = %get3A_33, %while3A_666 = %get3A_35, %while3A_667 = %get3A_37, %while3A_668 = %get3A_39, %while3A_669 = %get3A_41, %while3A_670 = %get3A_43) : (f32, f32, i32, i32, vector<16xf32>, vector<16xf32>, vector<16xf32>, vector<16xf32>, vector<16xf32>, vector<16xf32>, vector<16xf32>, vector<16xf32>, vector<16xf32>, vector<16xf32>, vector<16xf32>, vector<16xf32>, vector<16xf32>, vector<16xf32>, vector<16xf32>, vector<16xf32>) -> (f32, f32, i32, i32, vector<16xf32>, vector<16xf32>, vector<16xf32>, vector<16xf32>, vector<16xf32>, vector<16xf32>, vector<16xf32>, vector<16xf32>, vector<16xf32>, vector<16xf32>, vector<16xf32>, vector<16xf32>, vector<16xf32>, vector<16xf32>, vector<16xf32>, vector<16xf32>) {
        %ne3A = arith.cmpf one, %while3A_651, %while3A_652 : f32
        scf.condition(%ne3A) %while3A_651, %while3A_652, %while3A_653, %while3A_654, %while3A_655, %while3A_656, %while3A_657, %while3A_658, %while3A_659, %while3A_660, %while3A_661, %while3A_662, %while3A_663, %while3A_664, %while3A_665, %while3A_666, %while3A_667, %while3A_668, %while3A_669, %while3A_670 : f32, f32, i32, i32, vector<16xf32>, vector<16xf32>, vector<16xf32>, vector<16xf32>, vector<16xf32>, vector<16xf32>, vector<16xf32>, vector<16xf32>, vector<16xf32>, vector<16xf32>, vector<16xf32>, vector<16xf32>, vector<16xf32>, vector<16xf32>, vector<16xf32>, vector<16xf32>
      } do {
      ^bb0(%while3A_651: f32, %while3A_652: f32, %while3A_653: i32, %while3A_654: i32, %while3A_655: vector<16xf32>, %while3A_656: vector<16xf32>, %while3A_657: vector<16xf32>, %while3A_658: vector<16xf32>, %while3A_659: vector<16xf32>, %while3A_660: vector<16xf32>, %while3A_661: vector<16xf32>, %while3A_662: vector<16xf32>, %while3A_663: vector<16xf32>, %while3A_664: vector<16xf32>, %while3A_665: vector<16xf32>, %while3A_666: vector<16xf32>, %while3A_667: vector<16xf32>, %while3A_668: vector<16xf32>, %while3A_669: vector<16xf32>, %while3A_670: vector<16xf32>):
        %sub3A_671 = arith.constant 0 : i32
        %sub3A_672 = arith.subi %while3A_653, %sub3A_671 : i32
        %broadcast_in_dim3A_673 = vector.broadcast %sub3A_672 : i32 to vector<16xi32>
        %eq3A_674 = arith.cmpi eq, %iota3A, %broadcast_in_dim3A_673 : vector<16xi32>
        %broadcast_in_dim3A_675 = vector.broadcast %while3A_652 : f32 to vector<16xf32>
        %select_n3A_676 = arith.select %eq3A_674, %broadcast_in_dim3A_675, %while3A_655 : vector<16xi1>, vector<16xf32>
        %sub3A_677 = arith.constant 16 : i32
        %sub3A_678 = arith.subi %while3A_653, %sub3A_677 : i32
        %broadcast_in_dim3A_679 = vector.broadcast %sub3A_678 : i32 to vector<16xi32>
        %eq3A_680 = arith.cmpi eq, %iota3A, %broadcast_in_dim3A_679 : vector<16xi32>
        %broadcast_in_dim3A_681 = vector.broadcast %while3A_652 : f32 to vector<16xf32>
        %select_n3A_682 = arith.select %eq3A_680, %broadcast_in_dim3A_681, %while3A_656 : vector<16xi1>, vector<16xf32>
        %sub3A_683 = arith.constant 32 : i32
        %sub3A_684 = arith.subi %while3A_653, %sub3A_683 : i32
        %broadcast_in_dim3A_685 = vector.broadcast %sub3A_684 : i32 to vector<16xi32>
        %eq3A_686 = arith.cmpi eq, %iota3A, %broadcast_in_dim3A_685 : vector<16xi32>
        %broadcast_in_dim3A_687 = vector.broadcast %while3A_652 : f32 to vector<16xf32>
        %select_n3A_688 = arith.select %eq3A_686, %broadcast_in_dim3A_687, %while3A_657 : vector<16xi1>, vector<16xf32>
        %sub3A_689 = arith.constant 48 : i32
        %sub3A_690 = arith.subi %while3A_653, %sub3A_689 : i32
        %broadcast_in_dim3A_691 = vector.broadcast %sub3A_690 : i32 to vector<16xi32>
        %eq3A_692 = arith.cmpi eq, %iota3A, %broadcast_in_dim3A_691 : vector<16xi32>
        %broadcast_in_dim3A_693 = vector.broadcast %while3A_652 : f32 to vector<16xf32>
        %select_n3A_694 = arith.select %eq3A_692, %broadcast_in_dim3A_693, %while3A_658 : vector<16xi1>, vector<16xf32>
        %sub3A_695 = arith.constant 64 : i32
        %sub3A_696 = arith.subi %while3A_653, %sub3A_695 : i32
        %broadcast_in_dim3A_697 = vector.broadcast %sub3A_696 : i32 to vector<16xi32>
        %eq3A_698 = arith.cmpi eq, %iota3A, %broadcast_in_dim3A_697 : vector<16xi32>
        %broadcast_in_dim3A_699 = vector.broadcast %while3A_652 : f32 to vector<16xf32>
        %select_n3A_700 = arith.select %eq3A_698, %broadcast_in_dim3A_699, %while3A_659 : vector<16xi1>, vector<16xf32>
        %sub3A_701 = arith.constant 80 : i32
        %sub3A_702 = arith.subi %while3A_653, %sub3A_701 : i32
        %broadcast_in_dim3A_703 = vector.broadcast %sub3A_702 : i32 to vector<16xi32>
        %eq3A_704 = arith.cmpi eq, %iota3A, %broadcast_in_dim3A_703 : vector<16xi32>
        %broadcast_in_dim3A_705 = vector.broadcast %while3A_652 : f32 to vector<16xf32>
        %select_n3A_706 = arith.select %eq3A_704, %broadcast_in_dim3A_705, %while3A_660 : vector<16xi1>, vector<16xf32>
        %sub3A_707 = arith.constant 96 : i32
        %sub3A_708 = arith.subi %while3A_653, %sub3A_707 : i32
        %broadcast_in_dim3A_709 = vector.broadcast %sub3A_708 : i32 to vector<16xi32>
        %eq3A_710 = arith.cmpi eq, %iota3A, %broadcast_in_dim3A_709 : vector<16xi32>
        %broadcast_in_dim3A_711 = vector.broadcast %while3A_652 : f32 to vector<16xf32>
        %select_n3A_712 = arith.select %eq3A_710, %broadcast_in_dim3A_711, %while3A_661 : vector<16xi1>, vector<16xf32>
        %sub3A_713 = arith.constant 112 : i32
        %sub3A_714 = arith.subi %while3A_653, %sub3A_713 : i32
        %broadcast_in_dim3A_715 = vector.broadcast %sub3A_714 : i32 to vector<16xi32>
        %eq3A_716 = arith.cmpi eq, %iota3A, %broadcast_in_dim3A_715 : vector<16xi32>
        %broadcast_in_dim3A_717 = vector.broadcast %while3A_652 : f32 to vector<16xf32>
        %select_n3A_718 = arith.select %eq3A_716, %broadcast_in_dim3A_717, %while3A_662 : vector<16xi1>, vector<16xf32>
        %sub3A_719 = arith.constant 128 : i32
        %sub3A_720 = arith.subi %while3A_653, %sub3A_719 : i32
        %broadcast_in_dim3A_721 = vector.broadcast %sub3A_720 : i32 to vector<16xi32>
        %eq3A_722 = arith.cmpi eq, %iota3A, %broadcast_in_dim3A_721 : vector<16xi32>
        %broadcast_in_dim3A_723 = vector.broadcast %while3A_652 : f32 to vector<16xf32>
        %select_n3A_724 = arith.select %eq3A_722, %broadcast_in_dim3A_723, %while3A_663 : vector<16xi1>, vector<16xf32>
        %sub3A_725 = arith.constant 144 : i32
        %sub3A_726 = arith.subi %while3A_653, %sub3A_725 : i32
        %broadcast_in_dim3A_727 = vector.broadcast %sub3A_726 : i32 to vector<16xi32>
        %eq3A_728 = arith.cmpi eq, %iota3A, %broadcast_in_dim3A_727 : vector<16xi32>
        %broadcast_in_dim3A_729 = vector.broadcast %while3A_652 : f32 to vector<16xf32>
        %select_n3A_730 = arith.select %eq3A_728, %broadcast_in_dim3A_729, %while3A_664 : vector<16xi1>, vector<16xf32>
        %sub3A_731 = arith.constant 160 : i32
        %sub3A_732 = arith.subi %while3A_653, %sub3A_731 : i32
        %broadcast_in_dim3A_733 = vector.broadcast %sub3A_732 : i32 to vector<16xi32>
        %eq3A_734 = arith.cmpi eq, %iota3A, %broadcast_in_dim3A_733 : vector<16xi32>
        %broadcast_in_dim3A_735 = vector.broadcast %while3A_652 : f32 to vector<16xf32>
        %select_n3A_736 = arith.select %eq3A_734, %broadcast_in_dim3A_735, %while3A_665 : vector<16xi1>, vector<16xf32>
        %sub3A_737 = arith.constant 176 : i32
        %sub3A_738 = arith.subi %while3A_653, %sub3A_737 : i32
        %broadcast_in_dim3A_739 = vector.broadcast %sub3A_738 : i32 to vector<16xi32>
        %eq3A_740 = arith.cmpi eq, %iota3A, %broadcast_in_dim3A_739 : vector<16xi32>
        %broadcast_in_dim3A_741 = vector.broadcast %while3A_652 : f32 to vector<16xf32>
        %select_n3A_742 = arith.select %eq3A_740, %broadcast_in_dim3A_741, %while3A_666 : vector<16xi1>, vector<16xf32>
        %sub3A_743 = arith.constant 192 : i32
        %sub3A_744 = arith.subi %while3A_653, %sub3A_743 : i32
        %broadcast_in_dim3A_745 = vector.broadcast %sub3A_744 : i32 to vector<16xi32>
        %eq3A_746 = arith.cmpi eq, %iota3A, %broadcast_in_dim3A_745 : vector<16xi32>
        %broadcast_in_dim3A_747 = vector.broadcast %while3A_652 : f32 to vector<16xf32>
        %select_n3A_748 = arith.select %eq3A_746, %broadcast_in_dim3A_747, %while3A_667 : vector<16xi1>, vector<16xf32>
        %sub3A_749 = arith.constant 208 : i32
        %sub3A_750 = arith.subi %while3A_653, %sub3A_749 : i32
        %broadcast_in_dim3A_751 = vector.broadcast %sub3A_750 : i32 to vector<16xi32>
        %eq3A_752 = arith.cmpi eq, %iota3A, %broadcast_in_dim3A_751 : vector<16xi32>
        %broadcast_in_dim3A_753 = vector.broadcast %while3A_652 : f32 to vector<16xf32>
        %select_n3A_754 = arith.select %eq3A_752, %broadcast_in_dim3A_753, %while3A_668 : vector<16xi1>, vector<16xf32>
        %sub3A_755 = arith.constant 224 : i32
        %sub3A_756 = arith.subi %while3A_653, %sub3A_755 : i32
        %broadcast_in_dim3A_757 = vector.broadcast %sub3A_756 : i32 to vector<16xi32>
        %eq3A_758 = arith.cmpi eq, %iota3A, %broadcast_in_dim3A_757 : vector<16xi32>
        %broadcast_in_dim3A_759 = vector.broadcast %while3A_652 : f32 to vector<16xf32>
        %select_n3A_760 = arith.select %eq3A_758, %broadcast_in_dim3A_759, %while3A_669 : vector<16xi1>, vector<16xf32>
        %sub3A_761 = arith.constant 240 : i32
        %sub3A_762 = arith.subi %while3A_653, %sub3A_761 : i32
        %broadcast_in_dim3A_763 = vector.broadcast %sub3A_762 : i32 to vector<16xi32>
        %eq3A_764 = arith.cmpi eq, %iota3A, %broadcast_in_dim3A_763 : vector<16xi32>
        %broadcast_in_dim3A_765 = vector.broadcast %while3A_652 : f32 to vector<16xf32>
        %select_n3A_766 = arith.select %eq3A_764, %broadcast_in_dim3A_765, %while3A_670 : vector<16xi1>, vector<16xf32>
        %iota3A_767 = tpu.iota {dimensions = array<i32: 0>} : vector<16xi32>
        %broadcast_in_dim3A_768 = arith.constant 0 : i32
        %broadcast_in_dim3A_769 = vector.broadcast %broadcast_in_dim3A_768 : i32 to vector<16xi32>
        %broadcast_in_dim3A_770 = arith.constant 16 : i32
        %broadcast_in_dim3A_771 = vector.broadcast %broadcast_in_dim3A_770 : i32 to vector<16xi32>
        %broadcast_in_dim3A_772 = arith.constant 32 : i32
        %broadcast_in_dim3A_773 = vector.broadcast %broadcast_in_dim3A_772 : i32 to vector<16xi32>
        %broadcast_in_dim3A_774 = arith.constant 48 : i32
        %broadcast_in_dim3A_775 = vector.broadcast %broadcast_in_dim3A_774 : i32 to vector<16xi32>
        %broadcast_in_dim3A_776 = arith.constant 64 : i32
        %broadcast_in_dim3A_777 = vector.broadcast %broadcast_in_dim3A_776 : i32 to vector<16xi32>
        %broadcast_in_dim3A_778 = arith.constant 80 : i32
        %broadcast_in_dim3A_779 = vector.broadcast %broadcast_in_dim3A_778 : i32 to vector<16xi32>
        %broadcast_in_dim3A_780 = arith.constant 96 : i32
        %broadcast_in_dim3A_781 = vector.broadcast %broadcast_in_dim3A_780 : i32 to vector<16xi32>
        %broadcast_in_dim3A_782 = arith.constant 112 : i32
        %broadcast_in_dim3A_783 = vector.broadcast %broadcast_in_dim3A_782 : i32 to vector<16xi32>
        %broadcast_in_dim3A_784 = arith.constant 128 : i32
        %broadcast_in_dim3A_785 = vector.broadcast %broadcast_in_dim3A_784 : i32 to vector<16xi32>
        %broadcast_in_dim3A_786 = arith.constant 144 : i32
        %broadcast_in_dim3A_787 = vector.broadcast %broadcast_in_dim3A_786 : i32 to vector<16xi32>
        %broadcast_in_dim3A_788 = arith.constant 160 : i32
        %broadcast_in_dim3A_789 = vector.broadcast %broadcast_in_dim3A_788 : i32 to vector<16xi32>
        %broadcast_in_dim3A_790 = arith.constant 176 : i32
        %broadcast_in_dim3A_791 = vector.broadcast %broadcast_in_dim3A_790 : i32 to vector<16xi32>
        %broadcast_in_dim3A_792 = arith.constant 192 : i32
        %broadcast_in_dim3A_793 = vector.broadcast %broadcast_in_dim3A_792 : i32 to vector<16xi32>
        %broadcast_in_dim3A_794 = arith.constant 208 : i32
        %broadcast_in_dim3A_795 = vector.broadcast %broadcast_in_dim3A_794 : i32 to vector<16xi32>
        %broadcast_in_dim3A_796 = arith.constant 224 : i32
        %broadcast_in_dim3A_797 = vector.broadcast %broadcast_in_dim3A_796 : i32 to vector<16xi32>
        %broadcast_in_dim3A_798 = arith.constant 240 : i32
        %broadcast_in_dim3A_799 = vector.broadcast %broadcast_in_dim3A_798 : i32 to vector<16xi32>
        %gt3A_800 = arith.cmpf ogt, %select_n3A_682, %select_n3A_676 : vector<16xf32>
        %select_n3A_801 = arith.select %gt3A_800, %select_n3A_682, %select_n3A_676 : vector<16xi1>, vector<16xf32>
        %select_n3A_802 = arith.select %gt3A_800, %broadcast_in_dim3A_771, %broadcast_in_dim3A_769 : vector<16xi1>, vector<16xi32>
        %gt3A_803 = arith.cmpf ogt, %select_n3A_694, %select_n3A_688 : vector<16xf32>
        %select_n3A_804 = arith.select %gt3A_803, %select_n3A_694, %select_n3A_688 : vector<16xi1>, vector<16xf32>
        %select_n3A_805 = arith.select %gt3A_803, %broadcast_in_dim3A_775, %broadcast_in_dim3A_773 : vector<16xi1>, vector<16xi32>
        %gt3A_806 = arith.cmpf ogt, %select_n3A_706, %select_n3A_700 : vector<16xf32>
        %select_n3A_807 = arith.select %gt3A_806, %select_n3A_706, %select_n3A_700 : vector<16xi1>, vector<16xf32>
        %select_n3A_808 = arith.select %gt3A_806, %broadcast_in_dim3A_779, %broadcast_in_dim3A_777 : vector<16xi1>, vector<16xi32>
        %gt3A_809 = arith.cmpf ogt, %select_n3A_718, %select_n3A_712 : vector<16xf32>
        %select_n3A_810 = arith.select %gt3A_809, %select_n3A_718, %select_n3A_712 : vector<16xi1>, vector<16xf32>
        %select_n3A_811 = arith.select %gt3A_809, %broadcast_in_dim3A_783, %broadcast_in_dim3A_781 : vector<16xi1>, vector<16xi32>
        %gt3A_812 = arith.cmpf ogt, %select_n3A_730, %select_n3A_724 : vector<16xf32>
        %select_n3A_813 = arith.select %gt3A_812, %select_n3A_730, %select_n3A_724 : vector<16xi1>, vector<16xf32>
        %select_n3A_814 = arith.select %gt3A_812, %broadcast_in_dim3A_787, %broadcast_in_dim3A_785 : vector<16xi1>, vector<16xi32>
        %gt3A_815 = arith.cmpf ogt, %select_n3A_742, %select_n3A_736 : vector<16xf32>
        %select_n3A_816 = arith.select %gt3A_815, %select_n3A_742, %select_n3A_736 : vector<16xi1>, vector<16xf32>
        %select_n3A_817 = arith.select %gt3A_815, %broadcast_in_dim3A_791, %broadcast_in_dim3A_789 : vector<16xi1>, vector<16xi32>
        %gt3A_818 = arith.cmpf ogt, %select_n3A_754, %select_n3A_748 : vector<16xf32>
        %select_n3A_819 = arith.select %gt3A_818, %select_n3A_754, %select_n3A_748 : vector<16xi1>, vector<16xf32>
        %select_n3A_820 = arith.select %gt3A_818, %broadcast_in_dim3A_795, %broadcast_in_dim3A_793 : vector<16xi1>, vector<16xi32>
        %gt3A_821 = arith.cmpf ogt, %select_n3A_766, %select_n3A_760 : vector<16xf32>
        %select_n3A_822 = arith.select %gt3A_821, %select_n3A_766, %select_n3A_760 : vector<16xi1>, vector<16xf32>
        %select_n3A_823 = arith.select %gt3A_821, %broadcast_in_dim3A_799, %broadcast_in_dim3A_797 : vector<16xi1>, vector<16xi32>
        %gt3A_824 = arith.cmpf ogt, %select_n3A_804, %select_n3A_801 : vector<16xf32>
        %select_n3A_825 = arith.select %gt3A_824, %select_n3A_804, %select_n3A_801 : vector<16xi1>, vector<16xf32>
        %select_n3A_826 = arith.select %gt3A_824, %select_n3A_805, %select_n3A_802 : vector<16xi1>, vector<16xi32>
        %gt3A_827 = arith.cmpf ogt, %select_n3A_810, %select_n3A_807 : vector<16xf32>
        %select_n3A_828 = arith.select %gt3A_827, %select_n3A_810, %select_n3A_807 : vector<16xi1>, vector<16xf32>
        %select_n3A_829 = arith.select %gt3A_827, %select_n3A_811, %select_n3A_808 : vector<16xi1>, vector<16xi32>
        %gt3A_830 = arith.cmpf ogt, %select_n3A_816, %select_n3A_813 : vector<16xf32>
        %select_n3A_831 = arith.select %gt3A_830, %select_n3A_816, %select_n3A_813 : vector<16xi1>, vector<16xf32>
        %select_n3A_832 = arith.select %gt3A_830, %select_n3A_817, %select_n3A_814 : vector<16xi1>, vector<16xi32>
        %gt3A_833 = arith.cmpf ogt, %select_n3A_822, %select_n3A_819 : vector<16xf32>
        %select_n3A_834 = arith.select %gt3A_833, %select_n3A_822, %select_n3A_819 : vector<16xi1>, vector<16xf32>
        %select_n3A_835 = arith.select %gt3A_833, %select_n3A_823, %select_n3A_820 : vector<16xi1>, vector<16xi32>
        %gt3A_836 = arith.cmpf ogt, %select_n3A_828, %select_n3A_825 : vector<16xf32>
        %select_n3A_837 = arith.select %gt3A_836, %select_n3A_828, %select_n3A_825 : vector<16xi1>, vector<16xf32>
        %select_n3A_838 = arith.select %gt3A_836, %select_n3A_829, %select_n3A_826 : vector<16xi1>, vector<16xi32>
        %gt3A_839 = arith.cmpf ogt, %select_n3A_834, %select_n3A_831 : vector<16xf32>
        %select_n3A_840 = arith.select %gt3A_839, %select_n3A_834, %select_n3A_831 : vector<16xi1>, vector<16xf32>
        %select_n3A_841 = arith.select %gt3A_839, %select_n3A_835, %select_n3A_832 : vector<16xi1>, vector<16xi32>
        %gt3A_842 = arith.cmpf ogt, %select_n3A_840, %select_n3A_837 : vector<16xf32>
        %select_n3A_843 = arith.select %gt3A_842, %select_n3A_840, %select_n3A_837 : vector<16xi1>, vector<16xf32>
        %select_n3A_844 = arith.select %gt3A_842, %select_n3A_841, %select_n3A_838 : vector<16xi1>, vector<16xi32>
        %reduce_max3A_845 = arith.constant true
        %reduce_max3A_846 = vector.broadcast %reduce_max3A_845 : i1 to vector<16xi1>
        %reduce_max3A_847 = tpu.scan <max>, %select_n3A_843 masked %reduce_max3A_846 : vector<16xf32>, vector<16xi1> -> vector<16xf32>
        %reduce_max3A_848 = vector.extract %reduce_max3A_847[15] : f32 from vector<16xf32>
        %eq3A_849 = vector.broadcast %reduce_max3A_848 : f32 to vector<16xf32>
        %eq3A_850 = arith.cmpf oeq, %select_n3A_843, %eq3A_849 : vector<16xf32>
        %add3A_851 = arith.addi %select_n3A_844, %iota3A_767 : vector<16xi32>
        %jit3A_852 = arith.constant 1073741824 : i32
        %broadcast_in_dim3A_853 = vector.broadcast %jit3A_852 : i32 to vector<16xi32>
        %select_n3A_854 = arith.select %eq3A_850, %add3A_851, %broadcast_in_dim3A_853 : vector<16xi1>, vector<16xi32>
        %reduce_min3A_855 = arith.constant true
        %reduce_min3A_856 = vector.broadcast %reduce_min3A_855 : i1 to vector<16xi1>
        %reduce_min3A_857 = arith.constant -2147483648 : i32
        %reduce_min3A_858 = vector.broadcast %reduce_min3A_857 : i32 to vector<16xi32>
        %reduce_min3A_859 = arith.xori %select_n3A_854, %reduce_min3A_858 : vector<16xi32>
        %reduce_min3A_860 = tpu.scan <min>, %reduce_min3A_859 masked %reduce_min3A_856 : vector<16xi32>, vector<16xi1> -> vector<16xi32>
        %reduce_min3A_861 = arith.xori %reduce_min3A_860, %reduce_min3A_858 : vector<16xi32>
        %reduce_min3A_862 = vector.extract %reduce_min3A_861[15] : i32 from vector<16xi32>
        %iota3A_863 = tpu.iota {dimensions = array<i32: 0>} : vector<16xi32>
        %get3A_864 = arith.index_cast %reduce_min3A_862 : i32 to index
        %get3A_865 = arith.constant 0 : index
        %get3A_866 = tpu.vector_load %arg4[%get3A_864, %get3A_865] {strides = array<i32>} : memref<256x256xf32, #tpu.memory_space<vmem>>, vector<16xf32>,
        %mul3A_867 = arith.mulf %get3A_866, %broadcast_in_dim3A_7 : vector<16xf32>
        %broadcast_in_dim3A_868 = arith.constant 0 : i32
        %broadcast_in_dim3A_869 = vector.broadcast %broadcast_in_dim3A_868 : i32 to vector<16xi32>
        %get3A_870 = arith.index_cast %reduce_min3A_862 : i32 to index
        %get3A_871 = arith.constant 16 : index
        %get3A_872 = tpu.vector_load %arg4[%get3A_870, %get3A_871] {strides = array<i32>} : memref<256x256xf32, #tpu.memory_space<vmem>>, vector<16xf32>,
        %mul3A_873 = arith.mulf %get3A_872, %broadcast_in_dim3A_7 : vector<16xf32>
        %broadcast_in_dim3A_874 = arith.constant 16 : i32
        %broadcast_in_dim3A_875 = vector.broadcast %broadcast_in_dim3A_874 : i32 to vector<16xi32>
        %get3A_876 = arith.index_cast %reduce_min3A_862 : i32 to index
        %get3A_877 = arith.constant 32 : index
        %get3A_878 = tpu.vector_load %arg4[%get3A_876, %get3A_877] {strides = array<i32>} : memref<256x256xf32, #tpu.memory_space<vmem>>, vector<16xf32>,
        %mul3A_879 = arith.mulf %get3A_878, %broadcast_in_dim3A_7 : vector<16xf32>
        %broadcast_in_dim3A_880 = arith.constant 32 : i32
        %broadcast_in_dim3A_881 = vector.broadcast %broadcast_in_dim3A_880 : i32 to vector<16xi32>
        %get3A_882 = arith.index_cast %reduce_min3A_862 : i32 to index
        %get3A_883 = arith.constant 48 : index
        %get3A_884 = tpu.vector_load %arg4[%get3A_882, %get3A_883] {strides = array<i32>} : memref<256x256xf32, #tpu.memory_space<vmem>>, vector<16xf32>,
        %mul3A_885 = arith.mulf %get3A_884, %broadcast_in_dim3A_7 : vector<16xf32>
        %broadcast_in_dim3A_886 = arith.constant 48 : i32
        %broadcast_in_dim3A_887 = vector.broadcast %broadcast_in_dim3A_886 : i32 to vector<16xi32>
        %get3A_888 = arith.index_cast %reduce_min3A_862 : i32 to index
        %get3A_889 = arith.constant 64 : index
        %get3A_890 = tpu.vector_load %arg4[%get3A_888, %get3A_889] {strides = array<i32>} : memref<256x256xf32, #tpu.memory_space<vmem>>, vector<16xf32>,
        %mul3A_891 = arith.mulf %get3A_890, %broadcast_in_dim3A_7 : vector<16xf32>
        %broadcast_in_dim3A_892 = arith.constant 64 : i32
        %broadcast_in_dim3A_893 = vector.broadcast %broadcast_in_dim3A_892 : i32 to vector<16xi32>
        %get3A_894 = arith.index_cast %reduce_min3A_862 : i32 to index
        %get3A_895 = arith.constant 80 : index
        %get3A_896 = tpu.vector_load %arg4[%get3A_894, %get3A_895] {strides = array<i32>} : memref<256x256xf32, #tpu.memory_space<vmem>>, vector<16xf32>,
        %mul3A_897 = arith.mulf %get3A_896, %broadcast_in_dim3A_7 : vector<16xf32>
        %broadcast_in_dim3A_898 = arith.constant 80 : i32
        %broadcast_in_dim3A_899 = vector.broadcast %broadcast_in_dim3A_898 : i32 to vector<16xi32>
        %get3A_900 = arith.index_cast %reduce_min3A_862 : i32 to index
        %get3A_901 = arith.constant 96 : index
        %get3A_902 = tpu.vector_load %arg4[%get3A_900, %get3A_901] {strides = array<i32>} : memref<256x256xf32, #tpu.memory_space<vmem>>, vector<16xf32>,
        %mul3A_903 = arith.mulf %get3A_902, %broadcast_in_dim3A_7 : vector<16xf32>
        %broadcast_in_dim3A_904 = arith.constant 96 : i32
        %broadcast_in_dim3A_905 = vector.broadcast %broadcast_in_dim3A_904 : i32 to vector<16xi32>
        %get3A_906 = arith.index_cast %reduce_min3A_862 : i32 to index
        %get3A_907 = arith.constant 112 : index
        %get3A_908 = tpu.vector_load %arg4[%get3A_906, %get3A_907] {strides = array<i32>} : memref<256x256xf32, #tpu.memory_space<vmem>>, vector<16xf32>,
        %mul3A_909 = arith.mulf %get3A_908, %broadcast_in_dim3A_7 : vector<16xf32>
        %broadcast_in_dim3A_910 = arith.constant 112 : i32
        %broadcast_in_dim3A_911 = vector.broadcast %broadcast_in_dim3A_910 : i32 to vector<16xi32>
        %get3A_912 = arith.index_cast %reduce_min3A_862 : i32 to index
        %get3A_913 = arith.constant 128 : index
        %get3A_914 = tpu.vector_load %arg4[%get3A_912, %get3A_913] {strides = array<i32>} : memref<256x256xf32, #tpu.memory_space<vmem>>, vector<16xf32>,
        %mul3A_915 = arith.mulf %get3A_914, %broadcast_in_dim3A_7 : vector<16xf32>
        %broadcast_in_dim3A_916 = arith.constant 128 : i32
        %broadcast_in_dim3A_917 = vector.broadcast %broadcast_in_dim3A_916 : i32 to vector<16xi32>
        %get3A_918 = arith.index_cast %reduce_min3A_862 : i32 to index
        %get3A_919 = arith.constant 144 : index
        %get3A_920 = tpu.vector_load %arg4[%get3A_918, %get3A_919] {strides = array<i32>} : memref<256x256xf32, #tpu.memory_space<vmem>>, vector<16xf32>,
        %mul3A_921 = arith.mulf %get3A_920, %broadcast_in_dim3A_7 : vector<16xf32>
        %broadcast_in_dim3A_922 = arith.constant 144 : i32
        %broadcast_in_dim3A_923 = vector.broadcast %broadcast_in_dim3A_922 : i32 to vector<16xi32>
        %get3A_924 = arith.index_cast %reduce_min3A_862 : i32 to index
        %get3A_925 = arith.constant 160 : index
        %get3A_926 = tpu.vector_load %arg4[%get3A_924, %get3A_925] {strides = array<i32>} : memref<256x256xf32, #tpu.memory_space<vmem>>, vector<16xf32>,
        %mul3A_927 = arith.mulf %get3A_926, %broadcast_in_dim3A_7 : vector<16xf32>
        %broadcast_in_dim3A_928 = arith.constant 160 : i32
        %broadcast_in_dim3A_929 = vector.broadcast %broadcast_in_dim3A_928 : i32 to vector<16xi32>
        %get3A_930 = arith.index_cast %reduce_min3A_862 : i32 to index
        %get3A_931 = arith.constant 176 : index
        %get3A_932 = tpu.vector_load %arg4[%get3A_930, %get3A_931] {strides = array<i32>} : memref<256x256xf32, #tpu.memory_space<vmem>>, vector<16xf32>,
        %mul3A_933 = arith.mulf %get3A_932, %broadcast_in_dim3A_7 : vector<16xf32>
        %broadcast_in_dim3A_934 = arith.constant 176 : i32
        %broadcast_in_dim3A_935 = vector.broadcast %broadcast_in_dim3A_934 : i32 to vector<16xi32>
        %get3A_936 = arith.index_cast %reduce_min3A_862 : i32 to index
        %get3A_937 = arith.constant 192 : index
        %get3A_938 = tpu.vector_load %arg4[%get3A_936, %get3A_937] {strides = array<i32>} : memref<256x256xf32, #tpu.memory_space<vmem>>, vector<16xf32>,
        %mul3A_939 = arith.mulf %get3A_938, %broadcast_in_dim3A_7 : vector<16xf32>
        %broadcast_in_dim3A_940 = arith.constant 192 : i32
        %broadcast_in_dim3A_941 = vector.broadcast %broadcast_in_dim3A_940 : i32 to vector<16xi32>
        %get3A_942 = arith.index_cast %reduce_min3A_862 : i32 to index
        %get3A_943 = arith.constant 208 : index
        %get3A_944 = tpu.vector_load %arg4[%get3A_942, %get3A_943] {strides = array<i32>} : memref<256x256xf32, #tpu.memory_space<vmem>>, vector<16xf32>,
        %mul3A_945 = arith.mulf %get3A_944, %broadcast_in_dim3A_7 : vector<16xf32>
        %broadcast_in_dim3A_946 = arith.constant 208 : i32
        %broadcast_in_dim3A_947 = vector.broadcast %broadcast_in_dim3A_946 : i32 to vector<16xi32>
        %get3A_948 = arith.index_cast %reduce_min3A_862 : i32 to index
        %get3A_949 = arith.constant 224 : index
        %get3A_950 = tpu.vector_load %arg4[%get3A_948, %get3A_949] {strides = array<i32>} : memref<256x256xf32, #tpu.memory_space<vmem>>, vector<16xf32>,
        %mul3A_951 = arith.mulf %get3A_950, %broadcast_in_dim3A_7 : vector<16xf32>
        %broadcast_in_dim3A_952 = arith.constant 224 : i32
        %broadcast_in_dim3A_953 = vector.broadcast %broadcast_in_dim3A_952 : i32 to vector<16xi32>
        %get3A_954 = arith.index_cast %reduce_min3A_862 : i32 to index
        %get3A_955 = arith.constant 240 : index
        %get3A_956 = tpu.vector_load %arg4[%get3A_954, %get3A_955] {strides = array<i32>} : memref<256x256xf32, #tpu.memory_space<vmem>>, vector<16xf32>,
        %mul3A_957 = arith.mulf %get3A_956, %broadcast_in_dim3A_7 : vector<16xf32>
        %broadcast_in_dim3A_958 = arith.constant 240 : i32
        %broadcast_in_dim3A_959 = vector.broadcast %broadcast_in_dim3A_958 : i32 to vector<16xi32>
        %gt3A_960 = arith.cmpf ogt, %mul3A_873, %mul3A_867 : vector<16xf32>
        %select_n3A_961 = arith.select %gt3A_960, %mul3A_873, %mul3A_867 : vector<16xi1>, vector<16xf32>
        %select_n3A_962 = arith.select %gt3A_960, %broadcast_in_dim3A_875, %broadcast_in_dim3A_869 : vector<16xi1>, vector<16xi32>
        %gt3A_963 = arith.cmpf ogt, %mul3A_885, %mul3A_879 : vector<16xf32>
        %select_n3A_964 = arith.select %gt3A_963, %mul3A_885, %mul3A_879 : vector<16xi1>, vector<16xf32>
        %select_n3A_965 = arith.select %gt3A_963, %broadcast_in_dim3A_887, %broadcast_in_dim3A_881 : vector<16xi1>, vector<16xi32>
        %gt3A_966 = arith.cmpf ogt, %mul3A_897, %mul3A_891 : vector<16xf32>
        %select_n3A_967 = arith.select %gt3A_966, %mul3A_897, %mul3A_891 : vector<16xi1>, vector<16xf32>
        %select_n3A_968 = arith.select %gt3A_966, %broadcast_in_dim3A_899, %broadcast_in_dim3A_893 : vector<16xi1>, vector<16xi32>
        %gt3A_969 = arith.cmpf ogt, %mul3A_909, %mul3A_903 : vector<16xf32>
        %select_n3A_970 = arith.select %gt3A_969, %mul3A_909, %mul3A_903 : vector<16xi1>, vector<16xf32>
        %select_n3A_971 = arith.select %gt3A_969, %broadcast_in_dim3A_911, %broadcast_in_dim3A_905 : vector<16xi1>, vector<16xi32>
        %gt3A_972 = arith.cmpf ogt, %mul3A_921, %mul3A_915 : vector<16xf32>
        %select_n3A_973 = arith.select %gt3A_972, %mul3A_921, %mul3A_915 : vector<16xi1>, vector<16xf32>
        %select_n3A_974 = arith.select %gt3A_972, %broadcast_in_dim3A_923, %broadcast_in_dim3A_917 : vector<16xi1>, vector<16xi32>
        %gt3A_975 = arith.cmpf ogt, %mul3A_933, %mul3A_927 : vector<16xf32>
        %select_n3A_976 = arith.select %gt3A_975, %mul3A_933, %mul3A_927 : vector<16xi1>, vector<16xf32>
        %select_n3A_977 = arith.select %gt3A_975, %broadcast_in_dim3A_935, %broadcast_in_dim3A_929 : vector<16xi1>, vector<16xi32>
        %gt3A_978 = arith.cmpf ogt, %mul3A_945, %mul3A_939 : vector<16xf32>
        %select_n3A_979 = arith.select %gt3A_978, %mul3A_945, %mul3A_939 : vector<16xi1>, vector<16xf32>
        %select_n3A_980 = arith.select %gt3A_978, %broadcast_in_dim3A_947, %broadcast_in_dim3A_941 : vector<16xi1>, vector<16xi32>
        %gt3A_981 = arith.cmpf ogt, %mul3A_957, %mul3A_951 : vector<16xf32>
        %select_n3A_982 = arith.select %gt3A_981, %mul3A_957, %mul3A_951 : vector<16xi1>, vector<16xf32>
        %select_n3A_983 = arith.select %gt3A_981, %broadcast_in_dim3A_959, %broadcast_in_dim3A_953 : vector<16xi1>, vector<16xi32>
        %gt3A_984 = arith.cmpf ogt, %select_n3A_964, %select_n3A_961 : vector<16xf32>
        %select_n3A_985 = arith.select %gt3A_984, %select_n3A_964, %select_n3A_961 : vector<16xi1>, vector<16xf32>
        %select_n3A_986 = arith.select %gt3A_984, %select_n3A_965, %select_n3A_962 : vector<16xi1>, vector<16xi32>
        %gt3A_987 = arith.cmpf ogt, %select_n3A_970, %select_n3A_967 : vector<16xf32>
        %select_n3A_988 = arith.select %gt3A_987, %select_n3A_970, %select_n3A_967 : vector<16xi1>, vector<16xf32>
        %select_n3A_989 = arith.select %gt3A_987, %select_n3A_971, %select_n3A_968 : vector<16xi1>, vector<16xi32>
        %gt3A_990 = arith.cmpf ogt, %select_n3A_976, %select_n3A_973 : vector<16xf32>
        %select_n3A_991 = arith.select %gt3A_990, %select_n3A_976, %select_n3A_973 : vector<16xi1>, vector<16xf32>
        %select_n3A_992 = arith.select %gt3A_990, %select_n3A_977, %select_n3A_974 : vector<16xi1>, vector<16xi32>
        %gt3A_993 = arith.cmpf ogt, %select_n3A_982, %select_n3A_979 : vector<16xf32>
        %select_n3A_994 = arith.select %gt3A_993, %select_n3A_982, %select_n3A_979 : vector<16xi1>, vector<16xf32>
        %select_n3A_995 = arith.select %gt3A_993, %select_n3A_983, %select_n3A_980 : vector<16xi1>, vector<16xi32>
        %gt3A_996 = arith.cmpf ogt, %select_n3A_988, %select_n3A_985 : vector<16xf32>
        %select_n3A_997 = arith.select %gt3A_996, %select_n3A_988, %select_n3A_985 : vector<16xi1>, vector<16xf32>
        %select_n3A_998 = arith.select %gt3A_996, %select_n3A_989, %select_n3A_986 : vector<16xi1>, vector<16xi32>
        %gt3A_999 = arith.cmpf ogt, %select_n3A_994, %select_n3A_991 : vector<16xf32>
        %select_n3A_1000 = arith.select %gt3A_999, %select_n3A_994, %select_n3A_991 : vector<16xi1>, vector<16xf32>
        %select_n3A_1001 = arith.select %gt3A_999, %select_n3A_995, %select_n3A_992 : vector<16xi1>, vector<16xi32>
        %gt3A_1002 = arith.cmpf ogt, %select_n3A_1000, %select_n3A_997 : vector<16xf32>
        %select_n3A_1003 = arith.select %gt3A_1002, %select_n3A_1000, %select_n3A_997 : vector<16xi1>, vector<16xf32>
        %select_n3A_1004 = arith.select %gt3A_1002, %select_n3A_1001, %select_n3A_998 : vector<16xi1>, vector<16xi32>
        %reduce_max3A_1005 = arith.constant true
        %reduce_max3A_1006 = vector.broadcast %reduce_max3A_1005 : i1 to vector<16xi1>
        %reduce_max3A_1007 = tpu.scan <max>, %select_n3A_1003 masked %reduce_max3A_1006 : vector<16xf32>, vector<16xi1> -> vector<16xf32>
        %reduce_max3A_1008 = vector.extract %reduce_max3A_1007[15] : f32 from vector<16xf32>
        %eq3A_1009 = vector.broadcast %reduce_max3A_1008 : f32 to vector<16xf32>
        %eq3A_1010 = arith.cmpf oeq, %select_n3A_1003, %eq3A_1009 : vector<16xf32>
        %add3A_1011 = arith.addi %select_n3A_1004, %iota3A_863 : vector<16xi32>
        %jit3A_1012 = arith.constant 1073741824 : i32
        %broadcast_in_dim3A_1013 = vector.broadcast %jit3A_1012 : i32 to vector<16xi32>
        %select_n3A_1014 = arith.select %eq3A_1010, %add3A_1011, %broadcast_in_dim3A_1013 : vector<16xi1>, vector<16xi32>
        %reduce_min3A_1015 = arith.constant true
        %reduce_min3A_1016 = vector.broadcast %reduce_min3A_1015 : i1 to vector<16xi1>
        %reduce_min3A_1017 = arith.constant -2147483648 : i32
        %reduce_min3A_1018 = vector.broadcast %reduce_min3A_1017 : i32 to vector<16xi32>
        %reduce_min3A_1019 = arith.xori %select_n3A_1014, %reduce_min3A_1018 : vector<16xi32>
        %reduce_min3A_1020 = tpu.scan <min>, %reduce_min3A_1019 masked %reduce_min3A_1016 : vector<16xi32>, vector<16xi1> -> vector<16xi32>
        %reduce_min3A_1021 = arith.xori %reduce_min3A_1020, %reduce_min3A_1018 : vector<16xi32>
        %reduce_min3A_1022 = vector.extract %reduce_min3A_1021[15] : i32 from vector<16xi32>
        scf.yield %reduce_max3A_848, %reduce_max3A_1008, %reduce_min3A_862, %reduce_min3A_1022, %select_n3A_676, %select_n3A_682, %select_n3A_688, %select_n3A_694, %select_n3A_700, %select_n3A_706, %select_n3A_712, %select_n3A_718, %select_n3A_724, %select_n3A_730, %select_n3A_736, %select_n3A_742, %select_n3A_748, %select_n3A_754, %select_n3A_760, %select_n3A_766 : f32, f32, i32, i32, vector<16xf32>, vector<16xf32>, vector<16xf32>, vector<16xf32>, vector<16xf32>, vector<16xf32>, vector<16xf32>, vector<16xf32>, vector<16xf32>, vector<16xf32>, vector<16xf32>, vector<16xf32>, vector<16xf32>, vector<16xf32>, vector<16xf32>, vector<16xf32>
      }
      %eq3A_295 = arith.constant 0.000000e+00 : f32
      %eq3A_296 = arith.cmpf oeq, %while3A#0, %eq3A_295 : f32
      %jit3A_297 = arith.constant 1 : i32
      %jit3A_298 = arith.constant 0 : i32
      %select_n3A_299 = arith.select %eq3A_296, %jit3A_297, %jit3A_298 : i32
      %scan3A_300 = arith.constant 1 : i32
      %scan3A_301 = arith.constant 255 : i32
      %scan3A_302 = arith.addi %scan3A_300, %scan3A_301 : i32
      %scan3A_303 = arith.constant 1 : i32
      %scan3A_304:35 = scf.for %scan3A_651 = %scan3A_300 to %scan3A_302 step %scan3A_303 iter_args(%scan3A_652 = %while3A#2, %scan3A_653 = %while3A#3, %scan3A_654 = %while3A#4, %scan3A_655 = %while3A#5, %scan3A_656 = %while3A#6, %scan3A_657 = %while3A#7, %scan3A_658 = %while3A#8, %scan3A_659 = %while3A#9, %scan3A_660 = %while3A#10, %scan3A_661 = %while3A#11, %scan3A_662 = %while3A#12, %scan3A_663 = %while3A#13, %scan3A_664 = %while3A#14, %scan3A_665 = %while3A#15, %scan3A_666 = %while3A#16, %scan3A_667 = %while3A#17, %scan3A_668 = %while3A#18, %scan3A_669 = %while3A#19, %scan3A_670 = %broadcast_in_dim3A_7, %scan3A_671 = %broadcast_in_dim3A_7, %scan3A_672 = %broadcast_in_dim3A_7, %scan3A_673 = %broadcast_in_dim3A_7, %scan3A_674 = %broadcast_in_dim3A_7, %scan3A_675 = %broadcast_in_dim3A_7, %scan3A_676 = %broadcast_in_dim3A_7, %scan3A_677 = %broadcast_in_dim3A_7, %scan3A_678 = %broadcast_in_dim3A_7, %scan3A_679 = %broadcast_in_dim3A_7, %scan3A_680 = %broadcast_in_dim3A_7, %scan3A_681 = %broadcast_in_dim3A_7, %scan3A_682 = %broadcast_in_dim3A_7, %scan3A_683 = %broadcast_in_dim3A_7, %scan3A_684 = %broadcast_in_dim3A_7, %scan3A_685 = %broadcast_in_dim3A_7, %scan3A_686 = %select_n3A_299) -> (i32, i32, vector<16xf32>, vector<16xf32>, vector<16xf32>, vector<16xf32>, vector<16xf32>, vector<16xf32>, vector<16xf32>, vector<16xf32>, vector<16xf32>, vector<16xf32>, vector<16xf32>, vector<16xf32>, vector<16xf32>, vector<16xf32>, vector<16xf32>, vector<16xf32>, vector<16xf32>, vector<16xf32>, vector<16xf32>, vector<16xf32>, vector<16xf32>, vector<16xf32>, vector<16xf32>, vector<16xf32>, vector<16xf32>, vector<16xf32>, vector<16xf32>, vector<16xf32>, vector<16xf32>, vector<16xf32>, vector<16xf32>, vector<16xf32>, i32)  : i32 {
        %sub3A_687 = arith.constant 1 : i32
        %sub3A_688 = arith.subi %scan3A_651, %sub3A_687 : i32
        %swap3A_689 = arith.index_cast %scan3A_652 : i32 to index
        %swap3A_690 = arith.constant 0 : index
        %swap3A_691 = tpu.vector_load %arg4[%swap3A_689, %swap3A_690] {strides = array<i32>} : memref<256x256xf32, #tpu.memory_space<vmem>>, vector<16xf32>,
        tpu.vector_store %arg4[%swap3A_689, %swap3A_690], %broadcast_in_dim3A_5 {strides = array<i32>} : memref<256x256xf32, #tpu.memory_space<vmem>>, vector<16xf32>,
        %swap3A_692 = arith.index_cast %scan3A_652 : i32 to index
        %swap3A_693 = arith.constant 16 : index
        %swap3A_694 = tpu.vector_load %arg4[%swap3A_692, %swap3A_693] {strides = array<i32>} : memref<256x256xf32, #tpu.memory_space<vmem>>, vector<16xf32>,
        tpu.vector_store %arg4[%swap3A_692, %swap3A_693], %broadcast_in_dim3A_5 {strides = array<i32>} : memref<256x256xf32, #tpu.memory_space<vmem>>, vector<16xf32>,
        %swap3A_695 = arith.index_cast %scan3A_652 : i32 to index
        %swap3A_696 = arith.constant 32 : index
        %swap3A_697 = tpu.vector_load %arg4[%swap3A_695, %swap3A_696] {strides = array<i32>} : memref<256x256xf32, #tpu.memory_space<vmem>>, vector<16xf32>,
        tpu.vector_store %arg4[%swap3A_695, %swap3A_696], %broadcast_in_dim3A_5 {strides = array<i32>} : memref<256x256xf32, #tpu.memory_space<vmem>>, vector<16xf32>,
        %swap3A_698 = arith.index_cast %scan3A_652 : i32 to index
        %swap3A_699 = arith.constant 48 : index
        %swap3A_700 = tpu.vector_load %arg4[%swap3A_698, %swap3A_699] {strides = array<i32>} : memref<256x256xf32, #tpu.memory_space<vmem>>, vector<16xf32>,
        tpu.vector_store %arg4[%swap3A_698, %swap3A_699], %broadcast_in_dim3A_5 {strides = array<i32>} : memref<256x256xf32, #tpu.memory_space<vmem>>, vector<16xf32>,
        %swap3A_701 = arith.index_cast %scan3A_652 : i32 to index
        %swap3A_702 = arith.constant 64 : index
        %swap3A_703 = tpu.vector_load %arg4[%swap3A_701, %swap3A_702] {strides = array<i32>} : memref<256x256xf32, #tpu.memory_space<vmem>>, vector<16xf32>,
        tpu.vector_store %arg4[%swap3A_701, %swap3A_702], %broadcast_in_dim3A_5 {strides = array<i32>} : memref<256x256xf32, #tpu.memory_space<vmem>>, vector<16xf32>,
        %swap3A_704 = arith.index_cast %scan3A_652 : i32 to index
        %swap3A_705 = arith.constant 80 : index
        %swap3A_706 = tpu.vector_load %arg4[%swap3A_704, %swap3A_705] {strides = array<i32>} : memref<256x256xf32, #tpu.memory_space<vmem>>, vector<16xf32>,
        tpu.vector_store %arg4[%swap3A_704, %swap3A_705], %broadcast_in_dim3A_5 {strides = array<i32>} : memref<256x256xf32, #tpu.memory_space<vmem>>, vector<16xf32>,
        %swap3A_707 = arith.index_cast %scan3A_652 : i32 to index
        %swap3A_708 = arith.constant 96 : index
        %swap3A_709 = tpu.vector_load %arg4[%swap3A_707, %swap3A_708] {strides = array<i32>} : memref<256x256xf32, #tpu.memory_space<vmem>>, vector<16xf32>,
        tpu.vector_store %arg4[%swap3A_707, %swap3A_708], %broadcast_in_dim3A_5 {strides = array<i32>} : memref<256x256xf32, #tpu.memory_space<vmem>>, vector<16xf32>,
        %swap3A_710 = arith.index_cast %scan3A_652 : i32 to index
        %swap3A_711 = arith.constant 112 : index
        %swap3A_712 = tpu.vector_load %arg4[%swap3A_710, %swap3A_711] {strides = array<i32>} : memref<256x256xf32, #tpu.memory_space<vmem>>, vector<16xf32>,
        tpu.vector_store %arg4[%swap3A_710, %swap3A_711], %broadcast_in_dim3A_5 {strides = array<i32>} : memref<256x256xf32, #tpu.memory_space<vmem>>, vector<16xf32>,
        %swap3A_713 = arith.index_cast %scan3A_652 : i32 to index
        %swap3A_714 = arith.constant 128 : index
        %swap3A_715 = tpu.vector_load %arg4[%swap3A_713, %swap3A_714] {strides = array<i32>} : memref<256x256xf32, #tpu.memory_space<vmem>>, vector<16xf32>,
        tpu.vector_store %arg4[%swap3A_713, %swap3A_714], %broadcast_in_dim3A_5 {strides = array<i32>} : memref<256x256xf32, #tpu.memory_space<vmem>>, vector<16xf32>,
        %swap3A_716 = arith.index_cast %scan3A_652 : i32 to index
        %swap3A_717 = arith.constant 144 : index
        %swap3A_718 = tpu.vector_load %arg4[%swap3A_716, %swap3A_717] {strides = array<i32>} : memref<256x256xf32, #tpu.memory_space<vmem>>, vector<16xf32>,
        tpu.vector_store %arg4[%swap3A_716, %swap3A_717], %broadcast_in_dim3A_5 {strides = array<i32>} : memref<256x256xf32, #tpu.memory_space<vmem>>, vector<16xf32>,
        %swap3A_719 = arith.index_cast %scan3A_652 : i32 to index
        %swap3A_720 = arith.constant 160 : index
        %swap3A_721 = tpu.vector_load %arg4[%swap3A_719, %swap3A_720] {strides = array<i32>} : memref<256x256xf32, #tpu.memory_space<vmem>>, vector<16xf32>,
        tpu.vector_store %arg4[%swap3A_719, %swap3A_720], %broadcast_in_dim3A_5 {strides = array<i32>} : memref<256x256xf32, #tpu.memory_space<vmem>>, vector<16xf32>,
        %swap3A_722 = arith.index_cast %scan3A_652 : i32 to index
        %swap3A_723 = arith.constant 176 : index
        %swap3A_724 = tpu.vector_load %arg4[%swap3A_722, %swap3A_723] {strides = array<i32>} : memref<256x256xf32, #tpu.memory_space<vmem>>, vector<16xf32>,
        tpu.vector_store %arg4[%swap3A_722, %swap3A_723], %broadcast_in_dim3A_5 {strides = array<i32>} : memref<256x256xf32, #tpu.memory_space<vmem>>, vector<16xf32>,
        %swap3A_725 = arith.index_cast %scan3A_652 : i32 to index
        %swap3A_726 = arith.constant 192 : index
        %swap3A_727 = tpu.vector_load %arg4[%swap3A_725, %swap3A_726] {strides = array<i32>} : memref<256x256xf32, #tpu.memory_space<vmem>>, vector<16xf32>,
        tpu.vector_store %arg4[%swap3A_725, %swap3A_726], %broadcast_in_dim3A_5 {strides = array<i32>} : memref<256x256xf32, #tpu.memory_space<vmem>>, vector<16xf32>,
        %swap3A_728 = arith.index_cast %scan3A_652 : i32 to index
        %swap3A_729 = arith.constant 208 : index
        %swap3A_730 = tpu.vector_load %arg4[%swap3A_728, %swap3A_729] {strides = array<i32>} : memref<256x256xf32, #tpu.memory_space<vmem>>, vector<16xf32>,
        tpu.vector_store %arg4[%swap3A_728, %swap3A_729], %broadcast_in_dim3A_5 {strides = array<i32>} : memref<256x256xf32, #tpu.memory_space<vmem>>, vector<16xf32>,
        %swap3A_731 = arith.index_cast %scan3A_652 : i32 to index
        %swap3A_732 = arith.constant 224 : index
        %swap3A_733 = tpu.vector_load %arg4[%swap3A_731, %swap3A_732] {strides = array<i32>} : memref<256x256xf32, #tpu.memory_space<vmem>>, vector<16xf32>,
        tpu.vector_store %arg4[%swap3A_731, %swap3A_732], %broadcast_in_dim3A_5 {strides = array<i32>} : memref<256x256xf32, #tpu.memory_space<vmem>>, vector<16xf32>,
        %swap3A_734 = arith.index_cast %scan3A_652 : i32 to index
        %swap3A_735 = arith.constant 240 : index
        %swap3A_736 = tpu.vector_load %arg4[%swap3A_734, %swap3A_735] {strides = array<i32>} : memref<256x256xf32, #tpu.memory_space<vmem>>, vector<16xf32>,
        tpu.vector_store %arg4[%swap3A_734, %swap3A_735], %broadcast_in_dim3A_5 {strides = array<i32>} : memref<256x256xf32, #tpu.memory_space<vmem>>, vector<16xf32>,
        %broadcast_in_dim3A_737 = vector.broadcast %sub3A_688 : i32 to vector<16xi32>
        %broadcast_in_dim3A_738 = vector.broadcast %scan3A_652 : i32 to vector<16xi32>
        tpu.vector_store_idx %arg6[%broadcast_in_dim3A_737], %broadcast_in_dim3A_738 masked %eq3A_4 : memref<256xi32, #tpu.memory_space<vmem>>[vector<16xi32>], vector<16xi32>, vector<16xi1>
        %broadcast_in_dim3A_739 = vector.broadcast %sub3A_688 : i32 to vector<16xi32>
        %broadcast_in_dim3A_740 = vector.broadcast %scan3A_653 : i32 to vector<16xi32>
        tpu.vector_store_idx %arg7[%broadcast_in_dim3A_739], %broadcast_in_dim3A_740 masked %eq3A_4 : memref<256xi32, #tpu.memory_space<vmem>>[vector<16xi32>], vector<16xi32>, vector<16xi1>
        %sub3A_741 = arith.constant 0 : i32
        %sub3A_742 = arith.subi %scan3A_652, %sub3A_741 : i32
        %broadcast_in_dim3A_743 = vector.broadcast %sub3A_742 : i32 to vector<16xi32>
        %eq3A_744 = arith.cmpi eq, %iota3A, %broadcast_in_dim3A_743 : vector<16xi32>
        %jit3A_745 = arith.constant 0.000000e+00 : f32
        %broadcast_in_dim3A_746 = vector.broadcast %jit3A_745 : f32 to vector<16xf32>
        %select_n3A_747 = arith.select %eq3A_744, %broadcast_in_dim3A_746, %scan3A_654 : vector<16xi1>, vector<16xf32>
        %sub3A_748 = arith.constant 16 : i32
        %sub3A_749 = arith.subi %scan3A_652, %sub3A_748 : i32
        %broadcast_in_dim3A_750 = vector.broadcast %sub3A_749 : i32 to vector<16xi32>
        %eq3A_751 = arith.cmpi eq, %iota3A, %broadcast_in_dim3A_750 : vector<16xi32>
        %jit3A_752 = arith.constant 0.000000e+00 : f32
        %broadcast_in_dim3A_753 = vector.broadcast %jit3A_752 : f32 to vector<16xf32>
        %select_n3A_754 = arith.select %eq3A_751, %broadcast_in_dim3A_753, %scan3A_655 : vector<16xi1>, vector<16xf32>
        %sub3A_755 = arith.constant 32 : i32
        %sub3A_756 = arith.subi %scan3A_652, %sub3A_755 : i32
        %broadcast_in_dim3A_757 = vector.broadcast %sub3A_756 : i32 to vector<16xi32>
        %eq3A_758 = arith.cmpi eq, %iota3A, %broadcast_in_dim3A_757 : vector<16xi32>
        %jit3A_759 = arith.constant 0.000000e+00 : f32
        %broadcast_in_dim3A_760 = vector.broadcast %jit3A_759 : f32 to vector<16xf32>
        %select_n3A_761 = arith.select %eq3A_758, %broadcast_in_dim3A_760, %scan3A_656 : vector<16xi1>, vector<16xf32>
        %sub3A_762 = arith.constant 48 : i32
        %sub3A_763 = arith.subi %scan3A_652, %sub3A_762 : i32
        %broadcast_in_dim3A_764 = vector.broadcast %sub3A_763 : i32 to vector<16xi32>
        %eq3A_765 = arith.cmpi eq, %iota3A, %broadcast_in_dim3A_764 : vector<16xi32>
        %jit3A_766 = arith.constant 0.000000e+00 : f32
        %broadcast_in_dim3A_767 = vector.broadcast %jit3A_766 : f32 to vector<16xf32>
        %select_n3A_768 = arith.select %eq3A_765, %broadcast_in_dim3A_767, %scan3A_657 : vector<16xi1>, vector<16xf32>
        %sub3A_769 = arith.constant 64 : i32
        %sub3A_770 = arith.subi %scan3A_652, %sub3A_769 : i32
        %broadcast_in_dim3A_771 = vector.broadcast %sub3A_770 : i32 to vector<16xi32>
        %eq3A_772 = arith.cmpi eq, %iota3A, %broadcast_in_dim3A_771 : vector<16xi32>
        %jit3A_773 = arith.constant 0.000000e+00 : f32
        %broadcast_in_dim3A_774 = vector.broadcast %jit3A_773 : f32 to vector<16xf32>
        %select_n3A_775 = arith.select %eq3A_772, %broadcast_in_dim3A_774, %scan3A_658 : vector<16xi1>, vector<16xf32>
        %sub3A_776 = arith.constant 80 : i32
        %sub3A_777 = arith.subi %scan3A_652, %sub3A_776 : i32
        %broadcast_in_dim3A_778 = vector.broadcast %sub3A_777 : i32 to vector<16xi32>
        %eq3A_779 = arith.cmpi eq, %iota3A, %broadcast_in_dim3A_778 : vector<16xi32>
        %jit3A_780 = arith.constant 0.000000e+00 : f32
        %broadcast_in_dim3A_781 = vector.broadcast %jit3A_780 : f32 to vector<16xf32>
        %select_n3A_782 = arith.select %eq3A_779, %broadcast_in_dim3A_781, %scan3A_659 : vector<16xi1>, vector<16xf32>
        %sub3A_783 = arith.constant 96 : i32
        %sub3A_784 = arith.subi %scan3A_652, %sub3A_783 : i32
        %broadcast_in_dim3A_785 = vector.broadcast %sub3A_784 : i32 to vector<16xi32>
        %eq3A_786 = arith.cmpi eq, %iota3A, %broadcast_in_dim3A_785 : vector<16xi32>
        %jit3A_787 = arith.constant 0.000000e+00 : f32
        %broadcast_in_dim3A_788 = vector.broadcast %jit3A_787 : f32 to vector<16xf32>
        %select_n3A_789 = arith.select %eq3A_786, %broadcast_in_dim3A_788, %scan3A_660 : vector<16xi1>, vector<16xf32>
        %sub3A_790 = arith.constant 112 : i32
        %sub3A_791 = arith.subi %scan3A_652, %sub3A_790 : i32
        %broadcast_in_dim3A_792 = vector.broadcast %sub3A_791 : i32 to vector<16xi32>
        %eq3A_793 = arith.cmpi eq, %iota3A, %broadcast_in_dim3A_792 : vector<16xi32>
        %jit3A_794 = arith.constant 0.000000e+00 : f32
        %broadcast_in_dim3A_795 = vector.broadcast %jit3A_794 : f32 to vector<16xf32>
        %select_n3A_796 = arith.select %eq3A_793, %broadcast_in_dim3A_795, %scan3A_661 : vector<16xi1>, vector<16xf32>
        %sub3A_797 = arith.constant 128 : i32
        %sub3A_798 = arith.subi %scan3A_652, %sub3A_797 : i32
        %broadcast_in_dim3A_799 = vector.broadcast %sub3A_798 : i32 to vector<16xi32>
        %eq3A_800 = arith.cmpi eq, %iota3A, %broadcast_in_dim3A_799 : vector<16xi32>
        %jit3A_801 = arith.constant 0.000000e+00 : f32
        %broadcast_in_dim3A_802 = vector.broadcast %jit3A_801 : f32 to vector<16xf32>
        %select_n3A_803 = arith.select %eq3A_800, %broadcast_in_dim3A_802, %scan3A_662 : vector<16xi1>, vector<16xf32>
        %sub3A_804 = arith.constant 144 : i32
        %sub3A_805 = arith.subi %scan3A_652, %sub3A_804 : i32
        %broadcast_in_dim3A_806 = vector.broadcast %sub3A_805 : i32 to vector<16xi32>
        %eq3A_807 = arith.cmpi eq, %iota3A, %broadcast_in_dim3A_806 : vector<16xi32>
        %jit3A_808 = arith.constant 0.000000e+00 : f32
        %broadcast_in_dim3A_809 = vector.broadcast %jit3A_808 : f32 to vector<16xf32>
        %select_n3A_810 = arith.select %eq3A_807, %broadcast_in_dim3A_809, %scan3A_663 : vector<16xi1>, vector<16xf32>
        %sub3A_811 = arith.constant 160 : i32
        %sub3A_812 = arith.subi %scan3A_652, %sub3A_811 : i32
        %broadcast_in_dim3A_813 = vector.broadcast %sub3A_812 : i32 to vector<16xi32>
        %eq3A_814 = arith.cmpi eq, %iota3A, %broadcast_in_dim3A_813 : vector<16xi32>
        %jit3A_815 = arith.constant 0.000000e+00 : f32
        %broadcast_in_dim3A_816 = vector.broadcast %jit3A_815 : f32 to vector<16xf32>
        %select_n3A_817 = arith.select %eq3A_814, %broadcast_in_dim3A_816, %scan3A_664 : vector<16xi1>, vector<16xf32>
        %sub3A_818 = arith.constant 176 : i32
        %sub3A_819 = arith.subi %scan3A_652, %sub3A_818 : i32
        %broadcast_in_dim3A_820 = vector.broadcast %sub3A_819 : i32 to vector<16xi32>
        %eq3A_821 = arith.cmpi eq, %iota3A, %broadcast_in_dim3A_820 : vector<16xi32>
        %jit3A_822 = arith.constant 0.000000e+00 : f32
        %broadcast_in_dim3A_823 = vector.broadcast %jit3A_822 : f32 to vector<16xf32>
        %select_n3A_824 = arith.select %eq3A_821, %broadcast_in_dim3A_823, %scan3A_665 : vector<16xi1>, vector<16xf32>
        %sub3A_825 = arith.constant 192 : i32
        %sub3A_826 = arith.subi %scan3A_652, %sub3A_825 : i32
        %broadcast_in_dim3A_827 = vector.broadcast %sub3A_826 : i32 to vector<16xi32>
        %eq3A_828 = arith.cmpi eq, %iota3A, %broadcast_in_dim3A_827 : vector<16xi32>
        %jit3A_829 = arith.constant 0.000000e+00 : f32
        %broadcast_in_dim3A_830 = vector.broadcast %jit3A_829 : f32 to vector<16xf32>
        %select_n3A_831 = arith.select %eq3A_828, %broadcast_in_dim3A_830, %scan3A_666 : vector<16xi1>, vector<16xf32>
        %sub3A_832 = arith.constant 208 : i32
        %sub3A_833 = arith.subi %scan3A_652, %sub3A_832 : i32
        %broadcast_in_dim3A_834 = vector.broadcast %sub3A_833 : i32 to vector<16xi32>
        %eq3A_835 = arith.cmpi eq, %iota3A, %broadcast_in_dim3A_834 : vector<16xi32>
        %jit3A_836 = arith.constant 0.000000e+00 : f32
        %broadcast_in_dim3A_837 = vector.broadcast %jit3A_836 : f32 to vector<16xf32>
        %select_n3A_838 = arith.select %eq3A_835, %broadcast_in_dim3A_837, %scan3A_667 : vector<16xi1>, vector<16xf32>
        %sub3A_839 = arith.constant 224 : i32
        %sub3A_840 = arith.subi %scan3A_652, %sub3A_839 : i32
        %broadcast_in_dim3A_841 = vector.broadcast %sub3A_840 : i32 to vector<16xi32>
        %eq3A_842 = arith.cmpi eq, %iota3A, %broadcast_in_dim3A_841 : vector<16xi32>
        %jit3A_843 = arith.constant 0.000000e+00 : f32
        %broadcast_in_dim3A_844 = vector.broadcast %jit3A_843 : f32 to vector<16xf32>
        %select_n3A_845 = arith.select %eq3A_842, %broadcast_in_dim3A_844, %scan3A_668 : vector<16xi1>, vector<16xf32>
        %sub3A_846 = arith.constant 240 : i32
        %sub3A_847 = arith.subi %scan3A_652, %sub3A_846 : i32
        %broadcast_in_dim3A_848 = vector.broadcast %sub3A_847 : i32 to vector<16xi32>
        %eq3A_849 = arith.cmpi eq, %iota3A, %broadcast_in_dim3A_848 : vector<16xi32>
        %jit3A_850 = arith.constant 0.000000e+00 : f32
        %broadcast_in_dim3A_851 = vector.broadcast %jit3A_850 : f32 to vector<16xf32>
        %select_n3A_852 = arith.select %eq3A_849, %broadcast_in_dim3A_851, %scan3A_669 : vector<16xi1>, vector<16xf32>
        %sub3A_853 = arith.constant 0 : i32
        %sub3A_854 = arith.subi %scan3A_653, %sub3A_853 : i32
        %broadcast_in_dim3A_855 = vector.broadcast %sub3A_854 : i32 to vector<16xi32>
        %eq3A_856 = arith.cmpi eq, %iota3A, %broadcast_in_dim3A_855 : vector<16xi32>
        %jit3A_857 = arith.constant 0.000000e+00 : f32
        %broadcast_in_dim3A_858 = vector.broadcast %jit3A_857 : f32 to vector<16xf32>
        %select_n3A_859 = arith.select %eq3A_856, %broadcast_in_dim3A_858, %scan3A_670 : vector<16xi1>, vector<16xf32>
        %sub3A_860 = arith.constant 16 : i32
        %sub3A_861 = arith.subi %scan3A_653, %sub3A_860 : i32
        %broadcast_in_dim3A_862 = vector.broadcast %sub3A_861 : i32 to vector<16xi32>
        %eq3A_863 = arith.cmpi eq, %iota3A, %broadcast_in_dim3A_862 : vector<16xi32>
        %jit3A_864 = arith.constant 0.000000e+00 : f32
        %broadcast_in_dim3A_865 = vector.broadcast %jit3A_864 : f32 to vector<16xf32>
        %select_n3A_866 = arith.select %eq3A_863, %broadcast_in_dim3A_865, %scan3A_671 : vector<16xi1>, vector<16xf32>
        %sub3A_867 = arith.constant 32 : i32
        %sub3A_868 = arith.subi %scan3A_653, %sub3A_867 : i32
        %broadcast_in_dim3A_869 = vector.broadcast %sub3A_868 : i32 to vector<16xi32>
        %eq3A_870 = arith.cmpi eq, %iota3A, %broadcast_in_dim3A_869 : vector<16xi32>
        %jit3A_871 = arith.constant 0.000000e+00 : f32
        %broadcast_in_dim3A_872 = vector.broadcast %jit3A_871 : f32 to vector<16xf32>
        %select_n3A_873 = arith.select %eq3A_870, %broadcast_in_dim3A_872, %scan3A_672 : vector<16xi1>, vector<16xf32>
        %sub3A_874 = arith.constant 48 : i32
        %sub3A_875 = arith.subi %scan3A_653, %sub3A_874 : i32
        %broadcast_in_dim3A_876 = vector.broadcast %sub3A_875 : i32 to vector<16xi32>
        %eq3A_877 = arith.cmpi eq, %iota3A, %broadcast_in_dim3A_876 : vector<16xi32>
        %jit3A_878 = arith.constant 0.000000e+00 : f32
        %broadcast_in_dim3A_879 = vector.broadcast %jit3A_878 : f32 to vector<16xf32>
        %select_n3A_880 = arith.select %eq3A_877, %broadcast_in_dim3A_879, %scan3A_673 : vector<16xi1>, vector<16xf32>
        %sub3A_881 = arith.constant 64 : i32
        %sub3A_882 = arith.subi %scan3A_653, %sub3A_881 : i32
        %broadcast_in_dim3A_883 = vector.broadcast %sub3A_882 : i32 to vector<16xi32>
        %eq3A_884 = arith.cmpi eq, %iota3A, %broadcast_in_dim3A_883 : vector<16xi32>
        %jit3A_885 = arith.constant 0.000000e+00 : f32
        %broadcast_in_dim3A_886 = vector.broadcast %jit3A_885 : f32 to vector<16xf32>
        %select_n3A_887 = arith.select %eq3A_884, %broadcast_in_dim3A_886, %scan3A_674 : vector<16xi1>, vector<16xf32>
        %sub3A_888 = arith.constant 80 : i32
        %sub3A_889 = arith.subi %scan3A_653, %sub3A_888 : i32
        %broadcast_in_dim3A_890 = vector.broadcast %sub3A_889 : i32 to vector<16xi32>
        %eq3A_891 = arith.cmpi eq, %iota3A, %broadcast_in_dim3A_890 : vector<16xi32>
        %jit3A_892 = arith.constant 0.000000e+00 : f32
        %broadcast_in_dim3A_893 = vector.broadcast %jit3A_892 : f32 to vector<16xf32>
        %select_n3A_894 = arith.select %eq3A_891, %broadcast_in_dim3A_893, %scan3A_675 : vector<16xi1>, vector<16xf32>
        %sub3A_895 = arith.constant 96 : i32
        %sub3A_896 = arith.subi %scan3A_653, %sub3A_895 : i32
        %broadcast_in_dim3A_897 = vector.broadcast %sub3A_896 : i32 to vector<16xi32>
        %eq3A_898 = arith.cmpi eq, %iota3A, %broadcast_in_dim3A_897 : vector<16xi32>
        %jit3A_899 = arith.constant 0.000000e+00 : f32
        %broadcast_in_dim3A_900 = vector.broadcast %jit3A_899 : f32 to vector<16xf32>
        %select_n3A_901 = arith.select %eq3A_898, %broadcast_in_dim3A_900, %scan3A_676 : vector<16xi1>, vector<16xf32>
        %sub3A_902 = arith.constant 112 : i32
        %sub3A_903 = arith.subi %scan3A_653, %sub3A_902 : i32
        %broadcast_in_dim3A_904 = vector.broadcast %sub3A_903 : i32 to vector<16xi32>
        %eq3A_905 = arith.cmpi eq, %iota3A, %broadcast_in_dim3A_904 : vector<16xi32>
        %jit3A_906 = arith.constant 0.000000e+00 : f32
        %broadcast_in_dim3A_907 = vector.broadcast %jit3A_906 : f32 to vector<16xf32>
        %select_n3A_908 = arith.select %eq3A_905, %broadcast_in_dim3A_907, %scan3A_677 : vector<16xi1>, vector<16xf32>
        %sub3A_909 = arith.constant 128 : i32
        %sub3A_910 = arith.subi %scan3A_653, %sub3A_909 : i32
        %broadcast_in_dim3A_911 = vector.broadcast %sub3A_910 : i32 to vector<16xi32>
        %eq3A_912 = arith.cmpi eq, %iota3A, %broadcast_in_dim3A_911 : vector<16xi32>
        %jit3A_913 = arith.constant 0.000000e+00 : f32
        %broadcast_in_dim3A_914 = vector.broadcast %jit3A_913 : f32 to vector<16xf32>
        %select_n3A_915 = arith.select %eq3A_912, %broadcast_in_dim3A_914, %scan3A_678 : vector<16xi1>, vector<16xf32>
        %sub3A_916 = arith.constant 144 : i32
        %sub3A_917 = arith.subi %scan3A_653, %sub3A_916 : i32
        %broadcast_in_dim3A_918 = vector.broadcast %sub3A_917 : i32 to vector<16xi32>
        %eq3A_919 = arith.cmpi eq, %iota3A, %broadcast_in_dim3A_918 : vector<16xi32>
        %jit3A_920 = arith.constant 0.000000e+00 : f32
        %broadcast_in_dim3A_921 = vector.broadcast %jit3A_920 : f32 to vector<16xf32>
        %select_n3A_922 = arith.select %eq3A_919, %broadcast_in_dim3A_921, %scan3A_679 : vector<16xi1>, vector<16xf32>
        %sub3A_923 = arith.constant 160 : i32
        %sub3A_924 = arith.subi %scan3A_653, %sub3A_923 : i32
        %broadcast_in_dim3A_925 = vector.broadcast %sub3A_924 : i32 to vector<16xi32>
        %eq3A_926 = arith.cmpi eq, %iota3A, %broadcast_in_dim3A_925 : vector<16xi32>
        %jit3A_927 = arith.constant 0.000000e+00 : f32
        %broadcast_in_dim3A_928 = vector.broadcast %jit3A_927 : f32 to vector<16xf32>
        %select_n3A_929 = arith.select %eq3A_926, %broadcast_in_dim3A_928, %scan3A_680 : vector<16xi1>, vector<16xf32>
        %sub3A_930 = arith.constant 176 : i32
        %sub3A_931 = arith.subi %scan3A_653, %sub3A_930 : i32
        %broadcast_in_dim3A_932 = vector.broadcast %sub3A_931 : i32 to vector<16xi32>
        %eq3A_933 = arith.cmpi eq, %iota3A, %broadcast_in_dim3A_932 : vector<16xi32>
        %jit3A_934 = arith.constant 0.000000e+00 : f32
        %broadcast_in_dim3A_935 = vector.broadcast %jit3A_934 : f32 to vector<16xf32>
        %select_n3A_936 = arith.select %eq3A_933, %broadcast_in_dim3A_935, %scan3A_681 : vector<16xi1>, vector<16xf32>
        %sub3A_937 = arith.constant 192 : i32
        %sub3A_938 = arith.subi %scan3A_653, %sub3A_937 : i32
        %broadcast_in_dim3A_939 = vector.broadcast %sub3A_938 : i32 to vector<16xi32>
        %eq3A_940 = arith.cmpi eq, %iota3A, %broadcast_in_dim3A_939 : vector<16xi32>
        %jit3A_941 = arith.constant 0.000000e+00 : f32
        %broadcast_in_dim3A_942 = vector.broadcast %jit3A_941 : f32 to vector<16xf32>
        %select_n3A_943 = arith.select %eq3A_940, %broadcast_in_dim3A_942, %scan3A_682 : vector<16xi1>, vector<16xf32>
        %sub3A_944 = arith.constant 208 : i32
        %sub3A_945 = arith.subi %scan3A_653, %sub3A_944 : i32
        %broadcast_in_dim3A_946 = vector.broadcast %sub3A_945 : i32 to vector<16xi32>
        %eq3A_947 = arith.cmpi eq, %iota3A, %broadcast_in_dim3A_946 : vector<16xi32>
        %jit3A_948 = arith.constant 0.000000e+00 : f32
        %broadcast_in_dim3A_949 = vector.broadcast %jit3A_948 : f32 to vector<16xf32>
        %select_n3A_950 = arith.select %eq3A_947, %broadcast_in_dim3A_949, %scan3A_683 : vector<16xi1>, vector<16xf32>
        %sub3A_951 = arith.constant 224 : i32
        %sub3A_952 = arith.subi %scan3A_653, %sub3A_951 : i32
        %broadcast_in_dim3A_953 = vector.broadcast %sub3A_952 : i32 to vector<16xi32>
        %eq3A_954 = arith.cmpi eq, %iota3A, %broadcast_in_dim3A_953 : vector<16xi32>
        %jit3A_955 = arith.constant 0.000000e+00 : f32
        %broadcast_in_dim3A_956 = vector.broadcast %jit3A_955 : f32 to vector<16xf32>
        %select_n3A_957 = arith.select %eq3A_954, %broadcast_in_dim3A_956, %scan3A_684 : vector<16xi1>, vector<16xf32>
        %sub3A_958 = arith.constant 240 : i32
        %sub3A_959 = arith.subi %scan3A_653, %sub3A_958 : i32
        %broadcast_in_dim3A_960 = vector.broadcast %sub3A_959 : i32 to vector<16xi32>
        %eq3A_961 = arith.cmpi eq, %iota3A, %broadcast_in_dim3A_960 : vector<16xi32>
        %jit3A_962 = arith.constant 0.000000e+00 : f32
        %broadcast_in_dim3A_963 = vector.broadcast %jit3A_962 : f32 to vector<16xf32>
        %select_n3A_964 = arith.select %eq3A_961, %broadcast_in_dim3A_963, %scan3A_685 : vector<16xi1>, vector<16xf32>
        %iota3A_965 = tpu.iota {dimensions = array<i32: 0>} : vector<16xi32>
        %broadcast_in_dim3A_966 = arith.constant 0 : i32
        %broadcast_in_dim3A_967 = vector.broadcast %broadcast_in_dim3A_966 : i32 to vector<16xi32>
        %broadcast_in_dim3A_968 = arith.constant 16 : i32
        %broadcast_in_dim3A_969 = vector.broadcast %broadcast_in_dim3A_968 : i32 to vector<16xi32>
        %broadcast_in_dim3A_970 = arith.constant 32 : i32
        %broadcast_in_dim3A_971 = vector.broadcast %broadcast_in_dim3A_970 : i32 to vector<16xi32>
        %broadcast_in_dim3A_972 = arith.constant 48 : i32
        %broadcast_in_dim3A_973 = vector.broadcast %broadcast_in_dim3A_972 : i32 to vector<16xi32>
        %broadcast_in_dim3A_974 = arith.constant 64 : i32
        %broadcast_in_dim3A_975 = vector.broadcast %broadcast_in_dim3A_974 : i32 to vector<16xi32>
        %broadcast_in_dim3A_976 = arith.constant 80 : i32
        %broadcast_in_dim3A_977 = vector.broadcast %broadcast_in_dim3A_976 : i32 to vector<16xi32>
        %broadcast_in_dim3A_978 = arith.constant 96 : i32
        %broadcast_in_dim3A_979 = vector.broadcast %broadcast_in_dim3A_978 : i32 to vector<16xi32>
        %broadcast_in_dim3A_980 = arith.constant 112 : i32
        %broadcast_in_dim3A_981 = vector.broadcast %broadcast_in_dim3A_980 : i32 to vector<16xi32>
        %broadcast_in_dim3A_982 = arith.constant 128 : i32
        %broadcast_in_dim3A_983 = vector.broadcast %broadcast_in_dim3A_982 : i32 to vector<16xi32>
        %broadcast_in_dim3A_984 = arith.constant 144 : i32
        %broadcast_in_dim3A_985 = vector.broadcast %broadcast_in_dim3A_984 : i32 to vector<16xi32>
        %broadcast_in_dim3A_986 = arith.constant 160 : i32
        %broadcast_in_dim3A_987 = vector.broadcast %broadcast_in_dim3A_986 : i32 to vector<16xi32>
        %broadcast_in_dim3A_988 = arith.constant 176 : i32
        %broadcast_in_dim3A_989 = vector.broadcast %broadcast_in_dim3A_988 : i32 to vector<16xi32>
        %broadcast_in_dim3A_990 = arith.constant 192 : i32
        %broadcast_in_dim3A_991 = vector.broadcast %broadcast_in_dim3A_990 : i32 to vector<16xi32>
        %broadcast_in_dim3A_992 = arith.constant 208 : i32
        %broadcast_in_dim3A_993 = vector.broadcast %broadcast_in_dim3A_992 : i32 to vector<16xi32>
        %broadcast_in_dim3A_994 = arith.constant 224 : i32
        %broadcast_in_dim3A_995 = vector.broadcast %broadcast_in_dim3A_994 : i32 to vector<16xi32>
        %broadcast_in_dim3A_996 = arith.constant 240 : i32
        %broadcast_in_dim3A_997 = vector.broadcast %broadcast_in_dim3A_996 : i32 to vector<16xi32>
        %gt3A_998 = arith.cmpf ogt, %select_n3A_754, %select_n3A_747 : vector<16xf32>
        %select_n3A_999 = arith.select %gt3A_998, %select_n3A_754, %select_n3A_747 : vector<16xi1>, vector<16xf32>
        %select_n3A_1000 = arith.select %gt3A_998, %broadcast_in_dim3A_969, %broadcast_in_dim3A_967 : vector<16xi1>, vector<16xi32>
        %gt3A_1001 = arith.cmpf ogt, %select_n3A_768, %select_n3A_761 : vector<16xf32>
        %select_n3A_1002 = arith.select %gt3A_1001, %select_n3A_768, %select_n3A_761 : vector<16xi1>, vector<16xf32>
        %select_n3A_1003 = arith.select %gt3A_1001, %broadcast_in_dim3A_973, %broadcast_in_dim3A_971 : vector<16xi1>, vector<16xi32>
        %gt3A_1004 = arith.cmpf ogt, %select_n3A_782, %select_n3A_775 : vector<16xf32>
        %select_n3A_1005 = arith.select %gt3A_1004, %select_n3A_782, %select_n3A_775 : vector<16xi1>, vector<16xf32>
        %select_n3A_1006 = arith.select %gt3A_1004, %broadcast_in_dim3A_977, %broadcast_in_dim3A_975 : vector<16xi1>, vector<16xi32>
        %gt3A_1007 = arith.cmpf ogt, %select_n3A_796, %select_n3A_789 : vector<16xf32>
        %select_n3A_1008 = arith.select %gt3A_1007, %select_n3A_796, %select_n3A_789 : vector<16xi1>, vector<16xf32>
        %select_n3A_1009 = arith.select %gt3A_1007, %broadcast_in_dim3A_981, %broadcast_in_dim3A_979 : vector<16xi1>, vector<16xi32>
        %gt3A_1010 = arith.cmpf ogt, %select_n3A_810, %select_n3A_803 : vector<16xf32>
        %select_n3A_1011 = arith.select %gt3A_1010, %select_n3A_810, %select_n3A_803 : vector<16xi1>, vector<16xf32>
        %select_n3A_1012 = arith.select %gt3A_1010, %broadcast_in_dim3A_985, %broadcast_in_dim3A_983 : vector<16xi1>, vector<16xi32>
        %gt3A_1013 = arith.cmpf ogt, %select_n3A_824, %select_n3A_817 : vector<16xf32>
        %select_n3A_1014 = arith.select %gt3A_1013, %select_n3A_824, %select_n3A_817 : vector<16xi1>, vector<16xf32>
        %select_n3A_1015 = arith.select %gt3A_1013, %broadcast_in_dim3A_989, %broadcast_in_dim3A_987 : vector<16xi1>, vector<16xi32>
        %gt3A_1016 = arith.cmpf ogt, %select_n3A_838, %select_n3A_831 : vector<16xf32>
        %select_n3A_1017 = arith.select %gt3A_1016, %select_n3A_838, %select_n3A_831 : vector<16xi1>, vector<16xf32>
        %select_n3A_1018 = arith.select %gt3A_1016, %broadcast_in_dim3A_993, %broadcast_in_dim3A_991 : vector<16xi1>, vector<16xi32>
        %gt3A_1019 = arith.cmpf ogt, %select_n3A_852, %select_n3A_845 : vector<16xf32>
        %select_n3A_1020 = arith.select %gt3A_1019, %select_n3A_852, %select_n3A_845 : vector<16xi1>, vector<16xf32>
        %select_n3A_1021 = arith.select %gt3A_1019, %broadcast_in_dim3A_997, %broadcast_in_dim3A_995 : vector<16xi1>, vector<16xi32>
        %gt3A_1022 = arith.cmpf ogt, %select_n3A_1002, %select_n3A_999 : vector<16xf32>
        %select_n3A_1023 = arith.select %gt3A_1022, %select_n3A_1002, %select_n3A_999 : vector<16xi1>, vector<16xf32>
        %select_n3A_1024 = arith.select %gt3A_1022, %select_n3A_1003, %select_n3A_1000 : vector<16xi1>, vector<16xi32>
        %gt3A_1025 = arith.cmpf ogt, %select_n3A_1008, %select_n3A_1005 : vector<16xf32>
        %select_n3A_1026 = arith.select %gt3A_1025, %select_n3A_1008, %select_n3A_1005 : vector<16xi1>, vector<16xf32>
        %select_n3A_1027 = arith.select %gt3A_1025, %select_n3A_1009, %select_n3A_1006 : vector<16xi1>, vector<16xi32>
        %gt3A_1028 = arith.cmpf ogt, %select_n3A_1014, %select_n3A_1011 : vector<16xf32>
        %select_n3A_1029 = arith.select %gt3A_1028, %select_n3A_1014, %select_n3A_1011 : vector<16xi1>, vector<16xf32>
        %select_n3A_1030 = arith.select %gt3A_1028, %select_n3A_1015, %select_n3A_1012 : vector<16xi1>, vector<16xi32>
        %gt3A_1031 = arith.cmpf ogt, %select_n3A_1020, %select_n3A_1017 : vector<16xf32>
        %select_n3A_1032 = arith.select %gt3A_1031, %select_n3A_1020, %select_n3A_1017 : vector<16xi1>, vector<16xf32>
        %select_n3A_1033 = arith.select %gt3A_1031, %select_n3A_1021, %select_n3A_1018 : vector<16xi1>, vector<16xi32>
        %gt3A_1034 = arith.cmpf ogt, %select_n3A_1026, %select_n3A_1023 : vector<16xf32>
        %select_n3A_1035 = arith.select %gt3A_1034, %select_n3A_1026, %select_n3A_1023 : vector<16xi1>, vector<16xf32>
        %select_n3A_1036 = arith.select %gt3A_1034, %select_n3A_1027, %select_n3A_1024 : vector<16xi1>, vector<16xi32>
        %gt3A_1037 = arith.cmpf ogt, %select_n3A_1032, %select_n3A_1029 : vector<16xf32>
        %select_n3A_1038 = arith.select %gt3A_1037, %select_n3A_1032, %select_n3A_1029 : vector<16xi1>, vector<16xf32>
        %select_n3A_1039 = arith.select %gt3A_1037, %select_n3A_1033, %select_n3A_1030 : vector<16xi1>, vector<16xi32>
        %gt3A_1040 = arith.cmpf ogt, %select_n3A_1038, %select_n3A_1035 : vector<16xf32>
        %select_n3A_1041 = arith.select %gt3A_1040, %select_n3A_1038, %select_n3A_1035 : vector<16xi1>, vector<16xf32>
        %select_n3A_1042 = arith.select %gt3A_1040, %select_n3A_1039, %select_n3A_1036 : vector<16xi1>, vector<16xi32>
        %reduce_max3A_1043 = arith.constant true
        %reduce_max3A_1044 = vector.broadcast %reduce_max3A_1043 : i1 to vector<16xi1>
        %reduce_max3A_1045 = tpu.scan <max>, %select_n3A_1041 masked %reduce_max3A_1044 : vector<16xf32>, vector<16xi1> -> vector<16xf32>
        %reduce_max3A_1046 = vector.extract %reduce_max3A_1045[15] : f32 from vector<16xf32>
        %eq3A_1047 = vector.broadcast %reduce_max3A_1046 : f32 to vector<16xf32>
        %eq3A_1048 = arith.cmpf oeq, %select_n3A_1041, %eq3A_1047 : vector<16xf32>
        %add3A_1049 = arith.addi %select_n3A_1042, %iota3A_965 : vector<16xi32>
        %jit3A_1050 = arith.constant 1073741824 : i32
        %broadcast_in_dim3A_1051 = vector.broadcast %jit3A_1050 : i32 to vector<16xi32>
        %select_n3A_1052 = arith.select %eq3A_1048, %add3A_1049, %broadcast_in_dim3A_1051 : vector<16xi1>, vector<16xi32>
        %reduce_min3A_1053 = arith.constant true
        %reduce_min3A_1054 = vector.broadcast %reduce_min3A_1053 : i1 to vector<16xi1>
        %reduce_min3A_1055 = arith.constant -2147483648 : i32
        %reduce_min3A_1056 = vector.broadcast %reduce_min3A_1055 : i32 to vector<16xi32>
        %reduce_min3A_1057 = arith.xori %select_n3A_1052, %reduce_min3A_1056 : vector<16xi32>
        %reduce_min3A_1058 = tpu.scan <min>, %reduce_min3A_1057 masked %reduce_min3A_1054 : vector<16xi32>, vector<16xi1> -> vector<16xi32>
        %reduce_min3A_1059 = arith.xori %reduce_min3A_1058, %reduce_min3A_1056 : vector<16xi32>
        %reduce_min3A_1060 = vector.extract %reduce_min3A_1059[15] : i32 from vector<16xi32>
        %iota3A_1061 = tpu.iota {dimensions = array<i32: 0>} : vector<16xi32>
        %get3A_1062 = arith.index_cast %reduce_min3A_1060 : i32 to index
        %get3A_1063 = arith.constant 0 : index
        %get3A_1064 = tpu.vector_load %arg4[%get3A_1062, %get3A_1063] {strides = array<i32>} : memref<256x256xf32, #tpu.memory_space<vmem>>, vector<16xf32>,
        %mul3A_1065 = arith.mulf %get3A_1064, %select_n3A_859 : vector<16xf32>
        %broadcast_in_dim3A_1066 = arith.constant 0 : i32
        %broadcast_in_dim3A_1067 = vector.broadcast %broadcast_in_dim3A_1066 : i32 to vector<16xi32>
        %get3A_1068 = arith.index_cast %reduce_min3A_1060 : i32 to index
        %get3A_1069 = arith.constant 16 : index
        %get3A_1070 = tpu.vector_load %arg4[%get3A_1068, %get3A_1069] {strides = array<i32>} : memref<256x256xf32, #tpu.memory_space<vmem>>, vector<16xf32>,
        %mul3A_1071 = arith.mulf %get3A_1070, %select_n3A_866 : vector<16xf32>
        %broadcast_in_dim3A_1072 = arith.constant 16 : i32
        %broadcast_in_dim3A_1073 = vector.broadcast %broadcast_in_dim3A_1072 : i32 to vector<16xi32>
        %get3A_1074 = arith.index_cast %reduce_min3A_1060 : i32 to index
        %get3A_1075 = arith.constant 32 : index
        %get3A_1076 = tpu.vector_load %arg4[%get3A_1074, %get3A_1075] {strides = array<i32>} : memref<256x256xf32, #tpu.memory_space<vmem>>, vector<16xf32>,
        %mul3A_1077 = arith.mulf %get3A_1076, %select_n3A_873 : vector<16xf32>
        %broadcast_in_dim3A_1078 = arith.constant 32 : i32
        %broadcast_in_dim3A_1079 = vector.broadcast %broadcast_in_dim3A_1078 : i32 to vector<16xi32>
        %get3A_1080 = arith.index_cast %reduce_min3A_1060 : i32 to index
        %get3A_1081 = arith.constant 48 : index
        %get3A_1082 = tpu.vector_load %arg4[%get3A_1080, %get3A_1081] {strides = array<i32>} : memref<256x256xf32, #tpu.memory_space<vmem>>, vector<16xf32>,
        %mul3A_1083 = arith.mulf %get3A_1082, %select_n3A_880 : vector<16xf32>
        %broadcast_in_dim3A_1084 = arith.constant 48 : i32
        %broadcast_in_dim3A_1085 = vector.broadcast %broadcast_in_dim3A_1084 : i32 to vector<16xi32>
        %get3A_1086 = arith.index_cast %reduce_min3A_1060 : i32 to index
        %get3A_1087 = arith.constant 64 : index
        %get3A_1088 = tpu.vector_load %arg4[%get3A_1086, %get3A_1087] {strides = array<i32>} : memref<256x256xf32, #tpu.memory_space<vmem>>, vector<16xf32>,
        %mul3A_1089 = arith.mulf %get3A_1088, %select_n3A_887 : vector<16xf32>
        %broadcast_in_dim3A_1090 = arith.constant 64 : i32
        %broadcast_in_dim3A_1091 = vector.broadcast %broadcast_in_dim3A_1090 : i32 to vector<16xi32>
        %get3A_1092 = arith.index_cast %reduce_min3A_1060 : i32 to index
        %get3A_1093 = arith.constant 80 : index
        %get3A_1094 = tpu.vector_load %arg4[%get3A_1092, %get3A_1093] {strides = array<i32>} : memref<256x256xf32, #tpu.memory_space<vmem>>, vector<16xf32>,
        %mul3A_1095 = arith.mulf %get3A_1094, %select_n3A_894 : vector<16xf32>
        %broadcast_in_dim3A_1096 = arith.constant 80 : i32
        %broadcast_in_dim3A_1097 = vector.broadcast %broadcast_in_dim3A_1096 : i32 to vector<16xi32>
        %get3A_1098 = arith.index_cast %reduce_min3A_1060 : i32 to index
        %get3A_1099 = arith.constant 96 : index
        %get3A_1100 = tpu.vector_load %arg4[%get3A_1098, %get3A_1099] {strides = array<i32>} : memref<256x256xf32, #tpu.memory_space<vmem>>, vector<16xf32>,
        %mul3A_1101 = arith.mulf %get3A_1100, %select_n3A_901 : vector<16xf32>
        %broadcast_in_dim3A_1102 = arith.constant 96 : i32
        %broadcast_in_dim3A_1103 = vector.broadcast %broadcast_in_dim3A_1102 : i32 to vector<16xi32>
        %get3A_1104 = arith.index_cast %reduce_min3A_1060 : i32 to index
        %get3A_1105 = arith.constant 112 : index
        %get3A_1106 = tpu.vector_load %arg4[%get3A_1104, %get3A_1105] {strides = array<i32>} : memref<256x256xf32, #tpu.memory_space<vmem>>, vector<16xf32>,
        %mul3A_1107 = arith.mulf %get3A_1106, %select_n3A_908 : vector<16xf32>
        %broadcast_in_dim3A_1108 = arith.constant 112 : i32
        %broadcast_in_dim3A_1109 = vector.broadcast %broadcast_in_dim3A_1108 : i32 to vector<16xi32>
        %get3A_1110 = arith.index_cast %reduce_min3A_1060 : i32 to index
        %get3A_1111 = arith.constant 128 : index
        %get3A_1112 = tpu.vector_load %arg4[%get3A_1110, %get3A_1111] {strides = array<i32>} : memref<256x256xf32, #tpu.memory_space<vmem>>, vector<16xf32>,
        %mul3A_1113 = arith.mulf %get3A_1112, %select_n3A_915 : vector<16xf32>
        %broadcast_in_dim3A_1114 = arith.constant 128 : i32
        %broadcast_in_dim3A_1115 = vector.broadcast %broadcast_in_dim3A_1114 : i32 to vector<16xi32>
        %get3A_1116 = arith.index_cast %reduce_min3A_1060 : i32 to index
        %get3A_1117 = arith.constant 144 : index
        %get3A_1118 = tpu.vector_load %arg4[%get3A_1116, %get3A_1117] {strides = array<i32>} : memref<256x256xf32, #tpu.memory_space<vmem>>, vector<16xf32>,
        %mul3A_1119 = arith.mulf %get3A_1118, %select_n3A_922 : vector<16xf32>
        %broadcast_in_dim3A_1120 = arith.constant 144 : i32
        %broadcast_in_dim3A_1121 = vector.broadcast %broadcast_in_dim3A_1120 : i32 to vector<16xi32>
        %get3A_1122 = arith.index_cast %reduce_min3A_1060 : i32 to index
        %get3A_1123 = arith.constant 160 : index
        %get3A_1124 = tpu.vector_load %arg4[%get3A_1122, %get3A_1123] {strides = array<i32>} : memref<256x256xf32, #tpu.memory_space<vmem>>, vector<16xf32>,
        %mul3A_1125 = arith.mulf %get3A_1124, %select_n3A_929 : vector<16xf32>
        %broadcast_in_dim3A_1126 = arith.constant 160 : i32
        %broadcast_in_dim3A_1127 = vector.broadcast %broadcast_in_dim3A_1126 : i32 to vector<16xi32>
        %get3A_1128 = arith.index_cast %reduce_min3A_1060 : i32 to index
        %get3A_1129 = arith.constant 176 : index
        %get3A_1130 = tpu.vector_load %arg4[%get3A_1128, %get3A_1129] {strides = array<i32>} : memref<256x256xf32, #tpu.memory_space<vmem>>, vector<16xf32>,
        %mul3A_1131 = arith.mulf %get3A_1130, %select_n3A_936 : vector<16xf32>
        %broadcast_in_dim3A_1132 = arith.constant 176 : i32
        %broadcast_in_dim3A_1133 = vector.broadcast %broadcast_in_dim3A_1132 : i32 to vector<16xi32>
        %get3A_1134 = arith.index_cast %reduce_min3A_1060 : i32 to index
        %get3A_1135 = arith.constant 192 : index
        %get3A_1136 = tpu.vector_load %arg4[%get3A_1134, %get3A_1135] {strides = array<i32>} : memref<256x256xf32, #tpu.memory_space<vmem>>, vector<16xf32>,
        %mul3A_1137 = arith.mulf %get3A_1136, %select_n3A_943 : vector<16xf32>
        %broadcast_in_dim3A_1138 = arith.constant 192 : i32
        %broadcast_in_dim3A_1139 = vector.broadcast %broadcast_in_dim3A_1138 : i32 to vector<16xi32>
        %get3A_1140 = arith.index_cast %reduce_min3A_1060 : i32 to index
        %get3A_1141 = arith.constant 208 : index
        %get3A_1142 = tpu.vector_load %arg4[%get3A_1140, %get3A_1141] {strides = array<i32>} : memref<256x256xf32, #tpu.memory_space<vmem>>, vector<16xf32>,
        %mul3A_1143 = arith.mulf %get3A_1142, %select_n3A_950 : vector<16xf32>
        %broadcast_in_dim3A_1144 = arith.constant 208 : i32
        %broadcast_in_dim3A_1145 = vector.broadcast %broadcast_in_dim3A_1144 : i32 to vector<16xi32>
        %get3A_1146 = arith.index_cast %reduce_min3A_1060 : i32 to index
        %get3A_1147 = arith.constant 224 : index
        %get3A_1148 = tpu.vector_load %arg4[%get3A_1146, %get3A_1147] {strides = array<i32>} : memref<256x256xf32, #tpu.memory_space<vmem>>, vector<16xf32>,
        %mul3A_1149 = arith.mulf %get3A_1148, %select_n3A_957 : vector<16xf32>
        %broadcast_in_dim3A_1150 = arith.constant 224 : i32
        %broadcast_in_dim3A_1151 = vector.broadcast %broadcast_in_dim3A_1150 : i32 to vector<16xi32>
        %get3A_1152 = arith.index_cast %reduce_min3A_1060 : i32 to index
        %get3A_1153 = arith.constant 240 : index
        %get3A_1154 = tpu.vector_load %arg4[%get3A_1152, %get3A_1153] {strides = array<i32>} : memref<256x256xf32, #tpu.memory_space<vmem>>, vector<16xf32>,
        %mul3A_1155 = arith.mulf %get3A_1154, %select_n3A_964 : vector<16xf32>
        %broadcast_in_dim3A_1156 = arith.constant 240 : i32
        %broadcast_in_dim3A_1157 = vector.broadcast %broadcast_in_dim3A_1156 : i32 to vector<16xi32>
        %gt3A_1158 = arith.cmpf ogt, %mul3A_1071, %mul3A_1065 : vector<16xf32>
        %select_n3A_1159 = arith.select %gt3A_1158, %mul3A_1071, %mul3A_1065 : vector<16xi1>, vector<16xf32>
        %select_n3A_1160 = arith.select %gt3A_1158, %broadcast_in_dim3A_1073, %broadcast_in_dim3A_1067 : vector<16xi1>, vector<16xi32>
        %gt3A_1161 = arith.cmpf ogt, %mul3A_1083, %mul3A_1077 : vector<16xf32>
        %select_n3A_1162 = arith.select %gt3A_1161, %mul3A_1083, %mul3A_1077 : vector<16xi1>, vector<16xf32>
        %select_n3A_1163 = arith.select %gt3A_1161, %broadcast_in_dim3A_1085, %broadcast_in_dim3A_1079 : vector<16xi1>, vector<16xi32>
        %gt3A_1164 = arith.cmpf ogt, %mul3A_1095, %mul3A_1089 : vector<16xf32>
        %select_n3A_1165 = arith.select %gt3A_1164, %mul3A_1095, %mul3A_1089 : vector<16xi1>, vector<16xf32>
        %select_n3A_1166 = arith.select %gt3A_1164, %broadcast_in_dim3A_1097, %broadcast_in_dim3A_1091 : vector<16xi1>, vector<16xi32>
        %gt3A_1167 = arith.cmpf ogt, %mul3A_1107, %mul3A_1101 : vector<16xf32>
        %select_n3A_1168 = arith.select %gt3A_1167, %mul3A_1107, %mul3A_1101 : vector<16xi1>, vector<16xf32>
        %select_n3A_1169 = arith.select %gt3A_1167, %broadcast_in_dim3A_1109, %broadcast_in_dim3A_1103 : vector<16xi1>, vector<16xi32>
        %gt3A_1170 = arith.cmpf ogt, %mul3A_1119, %mul3A_1113 : vector<16xf32>
        %select_n3A_1171 = arith.select %gt3A_1170, %mul3A_1119, %mul3A_1113 : vector<16xi1>, vector<16xf32>
        %select_n3A_1172 = arith.select %gt3A_1170, %broadcast_in_dim3A_1121, %broadcast_in_dim3A_1115 : vector<16xi1>, vector<16xi32>
        %gt3A_1173 = arith.cmpf ogt, %mul3A_1131, %mul3A_1125 : vector<16xf32>
        %select_n3A_1174 = arith.select %gt3A_1173, %mul3A_1131, %mul3A_1125 : vector<16xi1>, vector<16xf32>
        %select_n3A_1175 = arith.select %gt3A_1173, %broadcast_in_dim3A_1133, %broadcast_in_dim3A_1127 : vector<16xi1>, vector<16xi32>
        %gt3A_1176 = arith.cmpf ogt, %mul3A_1143, %mul3A_1137 : vector<16xf32>
        %select_n3A_1177 = arith.select %gt3A_1176, %mul3A_1143, %mul3A_1137 : vector<16xi1>, vector<16xf32>
        %select_n3A_1178 = arith.select %gt3A_1176, %broadcast_in_dim3A_1145, %broadcast_in_dim3A_1139 : vector<16xi1>, vector<16xi32>
        %gt3A_1179 = arith.cmpf ogt, %mul3A_1155, %mul3A_1149 : vector<16xf32>
        %select_n3A_1180 = arith.select %gt3A_1179, %mul3A_1155, %mul3A_1149 : vector<16xi1>, vector<16xf32>
        %select_n3A_1181 = arith.select %gt3A_1179, %broadcast_in_dim3A_1157, %broadcast_in_dim3A_1151 : vector<16xi1>, vector<16xi32>
        %gt3A_1182 = arith.cmpf ogt, %select_n3A_1162, %select_n3A_1159 : vector<16xf32>
        %select_n3A_1183 = arith.select %gt3A_1182, %select_n3A_1162, %select_n3A_1159 : vector<16xi1>, vector<16xf32>
        %select_n3A_1184 = arith.select %gt3A_1182, %select_n3A_1163, %select_n3A_1160 : vector<16xi1>, vector<16xi32>
        %gt3A_1185 = arith.cmpf ogt, %select_n3A_1168, %select_n3A_1165 : vector<16xf32>
        %select_n3A_1186 = arith.select %gt3A_1185, %select_n3A_1168, %select_n3A_1165 : vector<16xi1>, vector<16xf32>
        %select_n3A_1187 = arith.select %gt3A_1185, %select_n3A_1169, %select_n3A_1166 : vector<16xi1>, vector<16xi32>
        %gt3A_1188 = arith.cmpf ogt, %select_n3A_1174, %select_n3A_1171 : vector<16xf32>
        %select_n3A_1189 = arith.select %gt3A_1188, %select_n3A_1174, %select_n3A_1171 : vector<16xi1>, vector<16xf32>
        %select_n3A_1190 = arith.select %gt3A_1188, %select_n3A_1175, %select_n3A_1172 : vector<16xi1>, vector<16xi32>
        %gt3A_1191 = arith.cmpf ogt, %select_n3A_1180, %select_n3A_1177 : vector<16xf32>
        %select_n3A_1192 = arith.select %gt3A_1191, %select_n3A_1180, %select_n3A_1177 : vector<16xi1>, vector<16xf32>
        %select_n3A_1193 = arith.select %gt3A_1191, %select_n3A_1181, %select_n3A_1178 : vector<16xi1>, vector<16xi32>
        %gt3A_1194 = arith.cmpf ogt, %select_n3A_1186, %select_n3A_1183 : vector<16xf32>
        %select_n3A_1195 = arith.select %gt3A_1194, %select_n3A_1186, %select_n3A_1183 : vector<16xi1>, vector<16xf32>
        %select_n3A_1196 = arith.select %gt3A_1194, %select_n3A_1187, %select_n3A_1184 : vector<16xi1>, vector<16xi32>
        %gt3A_1197 = arith.cmpf ogt, %select_n3A_1192, %select_n3A_1189 : vector<16xf32>
        %select_n3A_1198 = arith.select %gt3A_1197, %select_n3A_1192, %select_n3A_1189 : vector<16xi1>, vector<16xf32>
        %select_n3A_1199 = arith.select %gt3A_1197, %select_n3A_1193, %select_n3A_1190 : vector<16xi1>, vector<16xi32>
        %gt3A_1200 = arith.cmpf ogt, %select_n3A_1198, %select_n3A_1195 : vector<16xf32>
        %select_n3A_1201 = arith.select %gt3A_1200, %select_n3A_1198, %select_n3A_1195 : vector<16xi1>, vector<16xf32>
        %select_n3A_1202 = arith.select %gt3A_1200, %select_n3A_1199, %select_n3A_1196 : vector<16xi1>, vector<16xi32>
        %reduce_max3A_1203 = arith.constant true
        %reduce_max3A_1204 = vector.broadcast %reduce_max3A_1203 : i1 to vector<16xi1>
        %reduce_max3A_1205 = tpu.scan <max>, %select_n3A_1201 masked %reduce_max3A_1204 : vector<16xf32>, vector<16xi1> -> vector<16xf32>
        %reduce_max3A_1206 = vector.extract %reduce_max3A_1205[15] : f32 from vector<16xf32>
        %eq3A_1207 = vector.broadcast %reduce_max3A_1206 : f32 to vector<16xf32>
        %eq3A_1208 = arith.cmpf oeq, %select_n3A_1201, %eq3A_1207 : vector<16xf32>
        %add3A_1209 = arith.addi %select_n3A_1202, %iota3A_1061 : vector<16xi32>
        %jit3A_1210 = arith.constant 1073741824 : i32
        %broadcast_in_dim3A_1211 = vector.broadcast %jit3A_1210 : i32 to vector<16xi32>
        %select_n3A_1212 = arith.select %eq3A_1208, %add3A_1209, %broadcast_in_dim3A_1211 : vector<16xi1>, vector<16xi32>
        %reduce_min3A_1213 = arith.constant true
        %reduce_min3A_1214 = vector.broadcast %reduce_min3A_1213 : i1 to vector<16xi1>
        %reduce_min3A_1215 = arith.constant -2147483648 : i32
        %reduce_min3A_1216 = vector.broadcast %reduce_min3A_1215 : i32 to vector<16xi32>
        %reduce_min3A_1217 = arith.xori %select_n3A_1212, %reduce_min3A_1216 : vector<16xi32>
        %reduce_min3A_1218 = tpu.scan <min>, %reduce_min3A_1217 masked %reduce_min3A_1214 : vector<16xi32>, vector<16xi1> -> vector<16xi32>
        %reduce_min3A_1219 = arith.xori %reduce_min3A_1218, %reduce_min3A_1216 : vector<16xi32>
        %reduce_min3A_1220 = vector.extract %reduce_min3A_1219[15] : i32 from vector<16xi32>
        %while3A_1221:20 = scf.while (%while3A_1226 = %reduce_max3A_1046, %while3A_1227 = %reduce_max3A_1206, %while3A_1228 = %reduce_min3A_1060, %while3A_1229 = %reduce_min3A_1220, %while3A_1230 = %select_n3A_747, %while3A_1231 = %select_n3A_754, %while3A_1232 = %select_n3A_761, %while3A_1233 = %select_n3A_768, %while3A_1234 = %select_n3A_775, %while3A_1235 = %select_n3A_782, %while3A_1236 = %select_n3A_789, %while3A_1237 = %select_n3A_796, %while3A_1238 = %select_n3A_803, %while3A_1239 = %select_n3A_810, %while3A_1240 = %select_n3A_817, %while3A_1241 = %select_n3A_824, %while3A_1242 = %select_n3A_831, %while3A_1243 = %select_n3A_838, %while3A_1244 = %select_n3A_845, %while3A_1245 = %select_n3A_852) : (f32, f32, i32, i32, vector<16xf32>, vector<16xf32>, vector<16xf32>, vector<16xf32>, vector<16xf32>, vector<16xf32>, vector<16xf32>, vector<16xf32>, vector<16xf32>, vector<16xf32>, vector<16xf32>, vector<16xf32>, vector<16xf32>, vector<16xf32>, vector<16xf32>, vector<16xf32>) -> (f32, f32, i32, i32, vector<16xf32>, vector<16xf32>, vector<16xf32>, vector<16xf32>, vector<16xf32>, vector<16xf32>, vector<16xf32>, vector<16xf32>, vector<16xf32>, vector<16xf32>, vector<16xf32>, vector<16xf32>, vector<16xf32>, vector<16xf32>, vector<16xf32>, vector<16xf32>) {
          %ne3A = arith.cmpf one, %while3A_1226, %while3A_1227 : f32
          scf.condition(%ne3A) %while3A_1226, %while3A_1227, %while3A_1228, %while3A_1229, %while3A_1230, %while3A_1231, %while3A_1232, %while3A_1233, %while3A_1234, %while3A_1235, %while3A_1236, %while3A_1237, %while3A_1238, %while3A_1239, %while3A_1240, %while3A_1241, %while3A_1242, %while3A_1243, %while3A_1244, %while3A_1245 : f32, f32, i32, i32, vector<16xf32>, vector<16xf32>, vector<16xf32>, vector<16xf32>, vector<16xf32>, vector<16xf32>, vector<16xf32>, vector<16xf32>, vector<16xf32>, vector<16xf32>, vector<16xf32>, vector<16xf32>, vector<16xf32>, vector<16xf32>, vector<16xf32>, vector<16xf32>
        } do {
        ^bb0(%while3A_1226: f32, %while3A_1227: f32, %while3A_1228: i32, %while3A_1229: i32, %while3A_1230: vector<16xf32>, %while3A_1231: vector<16xf32>, %while3A_1232: vector<16xf32>, %while3A_1233: vector<16xf32>, %while3A_1234: vector<16xf32>, %while3A_1235: vector<16xf32>, %while3A_1236: vector<16xf32>, %while3A_1237: vector<16xf32>, %while3A_1238: vector<16xf32>, %while3A_1239: vector<16xf32>, %while3A_1240: vector<16xf32>, %while3A_1241: vector<16xf32>, %while3A_1242: vector<16xf32>, %while3A_1243: vector<16xf32>, %while3A_1244: vector<16xf32>, %while3A_1245: vector<16xf32>):
          %sub3A_1246 = arith.constant 0 : i32
          %sub3A_1247 = arith.subi %while3A_1228, %sub3A_1246 : i32
          %broadcast_in_dim3A_1248 = vector.broadcast %sub3A_1247 : i32 to vector<16xi32>
          %eq3A_1249 = arith.cmpi eq, %iota3A, %broadcast_in_dim3A_1248 : vector<16xi32>
          %broadcast_in_dim3A_1250 = vector.broadcast %while3A_1227 : f32 to vector<16xf32>
          %select_n3A_1251 = arith.select %eq3A_1249, %broadcast_in_dim3A_1250, %while3A_1230 : vector<16xi1>, vector<16xf32>
          %sub3A_1252 = arith.constant 16 : i32
          %sub3A_1253 = arith.subi %while3A_1228, %sub3A_1252 : i32
          %broadcast_in_dim3A_1254 = vector.broadcast %sub3A_1253 : i32 to vector<16xi32>
          %eq3A_1255 = arith.cmpi eq, %iota3A, %broadcast_in_dim3A_1254 : vector<16xi32>
          %broadcast_in_dim3A_1256 = vector.broadcast %while3A_1227 : f32 to vector<16xf32>
          %select_n3A_1257 = arith.select %eq3A_1255, %broadcast_in_dim3A_1256, %while3A_1231 : vector<16xi1>, vector<16xf32>
          %sub3A_1258 = arith.constant 32 : i32
          %sub3A_1259 = arith.subi %while3A_1228, %sub3A_1258 : i32
          %broadcast_in_dim3A_1260 = vector.broadcast %sub3A_1259 : i32 to vector<16xi32>
          %eq3A_1261 = arith.cmpi eq, %iota3A, %broadcast_in_dim3A_1260 : vector<16xi32>
          %broadcast_in_dim3A_1262 = vector.broadcast %while3A_1227 : f32 to vector<16xf32>
          %select_n3A_1263 = arith.select %eq3A_1261, %broadcast_in_dim3A_1262, %while3A_1232 : vector<16xi1>, vector<16xf32>
          %sub3A_1264 = arith.constant 48 : i32
          %sub3A_1265 = arith.subi %while3A_1228, %sub3A_1264 : i32
          %broadcast_in_dim3A_1266 = vector.broadcast %sub3A_1265 : i32 to vector<16xi32>
          %eq3A_1267 = arith.cmpi eq, %iota3A, %broadcast_in_dim3A_1266 : vector<16xi32>
          %broadcast_in_dim3A_1268 = vector.broadcast %while3A_1227 : f32 to vector<16xf32>
          %select_n3A_1269 = arith.select %eq3A_1267, %broadcast_in_dim3A_1268, %while3A_1233 : vector<16xi1>, vector<16xf32>
          %sub3A_1270 = arith.constant 64 : i32
          %sub3A_1271 = arith.subi %while3A_1228, %sub3A_1270 : i32
          %broadcast_in_dim3A_1272 = vector.broadcast %sub3A_1271 : i32 to vector<16xi32>
          %eq3A_1273 = arith.cmpi eq, %iota3A, %broadcast_in_dim3A_1272 : vector<16xi32>
          %broadcast_in_dim3A_1274 = vector.broadcast %while3A_1227 : f32 to vector<16xf32>
          %select_n3A_1275 = arith.select %eq3A_1273, %broadcast_in_dim3A_1274, %while3A_1234 : vector<16xi1>, vector<16xf32>
          %sub3A_1276 = arith.constant 80 : i32
          %sub3A_1277 = arith.subi %while3A_1228, %sub3A_1276 : i32
          %broadcast_in_dim3A_1278 = vector.broadcast %sub3A_1277 : i32 to vector<16xi32>
          %eq3A_1279 = arith.cmpi eq, %iota3A, %broadcast_in_dim3A_1278 : vector<16xi32>
          %broadcast_in_dim3A_1280 = vector.broadcast %while3A_1227 : f32 to vector<16xf32>
          %select_n3A_1281 = arith.select %eq3A_1279, %broadcast_in_dim3A_1280, %while3A_1235 : vector<16xi1>, vector<16xf32>
          %sub3A_1282 = arith.constant 96 : i32
          %sub3A_1283 = arith.subi %while3A_1228, %sub3A_1282 : i32
          %broadcast_in_dim3A_1284 = vector.broadcast %sub3A_1283 : i32 to vector<16xi32>
          %eq3A_1285 = arith.cmpi eq, %iota3A, %broadcast_in_dim3A_1284 : vector<16xi32>
          %broadcast_in_dim3A_1286 = vector.broadcast %while3A_1227 : f32 to vector<16xf32>
          %select_n3A_1287 = arith.select %eq3A_1285, %broadcast_in_dim3A_1286, %while3A_1236 : vector<16xi1>, vector<16xf32>
          %sub3A_1288 = arith.constant 112 : i32
          %sub3A_1289 = arith.subi %while3A_1228, %sub3A_1288 : i32
          %broadcast_in_dim3A_1290 = vector.broadcast %sub3A_1289 : i32 to vector<16xi32>
          %eq3A_1291 = arith.cmpi eq, %iota3A, %broadcast_in_dim3A_1290 : vector<16xi32>
          %broadcast_in_dim3A_1292 = vector.broadcast %while3A_1227 : f32 to vector<16xf32>
          %select_n3A_1293 = arith.select %eq3A_1291, %broadcast_in_dim3A_1292, %while3A_1237 : vector<16xi1>, vector<16xf32>
          %sub3A_1294 = arith.constant 128 : i32
          %sub3A_1295 = arith.subi %while3A_1228, %sub3A_1294 : i32
          %broadcast_in_dim3A_1296 = vector.broadcast %sub3A_1295 : i32 to vector<16xi32>
          %eq3A_1297 = arith.cmpi eq, %iota3A, %broadcast_in_dim3A_1296 : vector<16xi32>
          %broadcast_in_dim3A_1298 = vector.broadcast %while3A_1227 : f32 to vector<16xf32>
          %select_n3A_1299 = arith.select %eq3A_1297, %broadcast_in_dim3A_1298, %while3A_1238 : vector<16xi1>, vector<16xf32>
          %sub3A_1300 = arith.constant 144 : i32
          %sub3A_1301 = arith.subi %while3A_1228, %sub3A_1300 : i32
          %broadcast_in_dim3A_1302 = vector.broadcast %sub3A_1301 : i32 to vector<16xi32>
          %eq3A_1303 = arith.cmpi eq, %iota3A, %broadcast_in_dim3A_1302 : vector<16xi32>
          %broadcast_in_dim3A_1304 = vector.broadcast %while3A_1227 : f32 to vector<16xf32>
          %select_n3A_1305 = arith.select %eq3A_1303, %broadcast_in_dim3A_1304, %while3A_1239 : vector<16xi1>, vector<16xf32>
          %sub3A_1306 = arith.constant 160 : i32
          %sub3A_1307 = arith.subi %while3A_1228, %sub3A_1306 : i32
          %broadcast_in_dim3A_1308 = vector.broadcast %sub3A_1307 : i32 to vector<16xi32>
          %eq3A_1309 = arith.cmpi eq, %iota3A, %broadcast_in_dim3A_1308 : vector<16xi32>
          %broadcast_in_dim3A_1310 = vector.broadcast %while3A_1227 : f32 to vector<16xf32>
          %select_n3A_1311 = arith.select %eq3A_1309, %broadcast_in_dim3A_1310, %while3A_1240 : vector<16xi1>, vector<16xf32>
          %sub3A_1312 = arith.constant 176 : i32
          %sub3A_1313 = arith.subi %while3A_1228, %sub3A_1312 : i32
          %broadcast_in_dim3A_1314 = vector.broadcast %sub3A_1313 : i32 to vector<16xi32>
          %eq3A_1315 = arith.cmpi eq, %iota3A, %broadcast_in_dim3A_1314 : vector<16xi32>
          %broadcast_in_dim3A_1316 = vector.broadcast %while3A_1227 : f32 to vector<16xf32>
          %select_n3A_1317 = arith.select %eq3A_1315, %broadcast_in_dim3A_1316, %while3A_1241 : vector<16xi1>, vector<16xf32>
          %sub3A_1318 = arith.constant 192 : i32
          %sub3A_1319 = arith.subi %while3A_1228, %sub3A_1318 : i32
          %broadcast_in_dim3A_1320 = vector.broadcast %sub3A_1319 : i32 to vector<16xi32>
          %eq3A_1321 = arith.cmpi eq, %iota3A, %broadcast_in_dim3A_1320 : vector<16xi32>
          %broadcast_in_dim3A_1322 = vector.broadcast %while3A_1227 : f32 to vector<16xf32>
          %select_n3A_1323 = arith.select %eq3A_1321, %broadcast_in_dim3A_1322, %while3A_1242 : vector<16xi1>, vector<16xf32>
          %sub3A_1324 = arith.constant 208 : i32
          %sub3A_1325 = arith.subi %while3A_1228, %sub3A_1324 : i32
          %broadcast_in_dim3A_1326 = vector.broadcast %sub3A_1325 : i32 to vector<16xi32>
          %eq3A_1327 = arith.cmpi eq, %iota3A, %broadcast_in_dim3A_1326 : vector<16xi32>
          %broadcast_in_dim3A_1328 = vector.broadcast %while3A_1227 : f32 to vector<16xf32>
          %select_n3A_1329 = arith.select %eq3A_1327, %broadcast_in_dim3A_1328, %while3A_1243 : vector<16xi1>, vector<16xf32>
          %sub3A_1330 = arith.constant 224 : i32
          %sub3A_1331 = arith.subi %while3A_1228, %sub3A_1330 : i32
          %broadcast_in_dim3A_1332 = vector.broadcast %sub3A_1331 : i32 to vector<16xi32>
          %eq3A_1333 = arith.cmpi eq, %iota3A, %broadcast_in_dim3A_1332 : vector<16xi32>
          %broadcast_in_dim3A_1334 = vector.broadcast %while3A_1227 : f32 to vector<16xf32>
          %select_n3A_1335 = arith.select %eq3A_1333, %broadcast_in_dim3A_1334, %while3A_1244 : vector<16xi1>, vector<16xf32>
          %sub3A_1336 = arith.constant 240 : i32
          %sub3A_1337 = arith.subi %while3A_1228, %sub3A_1336 : i32
          %broadcast_in_dim3A_1338 = vector.broadcast %sub3A_1337 : i32 to vector<16xi32>
          %eq3A_1339 = arith.cmpi eq, %iota3A, %broadcast_in_dim3A_1338 : vector<16xi32>
          %broadcast_in_dim3A_1340 = vector.broadcast %while3A_1227 : f32 to vector<16xf32>
          %select_n3A_1341 = arith.select %eq3A_1339, %broadcast_in_dim3A_1340, %while3A_1245 : vector<16xi1>, vector<16xf32>
          %iota3A_1342 = tpu.iota {dimensions = array<i32: 0>} : vector<16xi32>
          %broadcast_in_dim3A_1343 = arith.constant 0 : i32
          %broadcast_in_dim3A_1344 = vector.broadcast %broadcast_in_dim3A_1343 : i32 to vector<16xi32>
          %broadcast_in_dim3A_1345 = arith.constant 16 : i32
          %broadcast_in_dim3A_1346 = vector.broadcast %broadcast_in_dim3A_1345 : i32 to vector<16xi32>
          %broadcast_in_dim3A_1347 = arith.constant 32 : i32
          %broadcast_in_dim3A_1348 = vector.broadcast %broadcast_in_dim3A_1347 : i32 to vector<16xi32>
          %broadcast_in_dim3A_1349 = arith.constant 48 : i32
          %broadcast_in_dim3A_1350 = vector.broadcast %broadcast_in_dim3A_1349 : i32 to vector<16xi32>
          %broadcast_in_dim3A_1351 = arith.constant 64 : i32
          %broadcast_in_dim3A_1352 = vector.broadcast %broadcast_in_dim3A_1351 : i32 to vector<16xi32>
          %broadcast_in_dim3A_1353 = arith.constant 80 : i32
          %broadcast_in_dim3A_1354 = vector.broadcast %broadcast_in_dim3A_1353 : i32 to vector<16xi32>
          %broadcast_in_dim3A_1355 = arith.constant 96 : i32
          %broadcast_in_dim3A_1356 = vector.broadcast %broadcast_in_dim3A_1355 : i32 to vector<16xi32>
          %broadcast_in_dim3A_1357 = arith.constant 112 : i32
          %broadcast_in_dim3A_1358 = vector.broadcast %broadcast_in_dim3A_1357 : i32 to vector<16xi32>
          %broadcast_in_dim3A_1359 = arith.constant 128 : i32
          %broadcast_in_dim3A_1360 = vector.broadcast %broadcast_in_dim3A_1359 : i32 to vector<16xi32>
          %broadcast_in_dim3A_1361 = arith.constant 144 : i32
          %broadcast_in_dim3A_1362 = vector.broadcast %broadcast_in_dim3A_1361 : i32 to vector<16xi32>
          %broadcast_in_dim3A_1363 = arith.constant 160 : i32
          %broadcast_in_dim3A_1364 = vector.broadcast %broadcast_in_dim3A_1363 : i32 to vector<16xi32>
          %broadcast_in_dim3A_1365 = arith.constant 176 : i32
          %broadcast_in_dim3A_1366 = vector.broadcast %broadcast_in_dim3A_1365 : i32 to vector<16xi32>
          %broadcast_in_dim3A_1367 = arith.constant 192 : i32
          %broadcast_in_dim3A_1368 = vector.broadcast %broadcast_in_dim3A_1367 : i32 to vector<16xi32>
          %broadcast_in_dim3A_1369 = arith.constant 208 : i32
          %broadcast_in_dim3A_1370 = vector.broadcast %broadcast_in_dim3A_1369 : i32 to vector<16xi32>
          %broadcast_in_dim3A_1371 = arith.constant 224 : i32
          %broadcast_in_dim3A_1372 = vector.broadcast %broadcast_in_dim3A_1371 : i32 to vector<16xi32>
          %broadcast_in_dim3A_1373 = arith.constant 240 : i32
          %broadcast_in_dim3A_1374 = vector.broadcast %broadcast_in_dim3A_1373 : i32 to vector<16xi32>
          %gt3A_1375 = arith.cmpf ogt, %select_n3A_1257, %select_n3A_1251 : vector<16xf32>
          %select_n3A_1376 = arith.select %gt3A_1375, %select_n3A_1257, %select_n3A_1251 : vector<16xi1>, vector<16xf32>
          %select_n3A_1377 = arith.select %gt3A_1375, %broadcast_in_dim3A_1346, %broadcast_in_dim3A_1344 : vector<16xi1>, vector<16xi32>
          %gt3A_1378 = arith.cmpf ogt, %select_n3A_1269, %select_n3A_1263 : vector<16xf32>
          %select_n3A_1379 = arith.select %gt3A_1378, %select_n3A_1269, %select_n3A_1263 : vector<16xi1>, vector<16xf32>
          %select_n3A_1380 = arith.select %gt3A_1378, %broadcast_in_dim3A_1350, %broadcast_in_dim3A_1348 : vector<16xi1>, vector<16xi32>
          %gt3A_1381 = arith.cmpf ogt, %select_n3A_1281, %select_n3A_1275 : vector<16xf32>
          %select_n3A_1382 = arith.select %gt3A_1381, %select_n3A_1281, %select_n3A_1275 : vector<16xi1>, vector<16xf32>
          %select_n3A_1383 = arith.select %gt3A_1381, %broadcast_in_dim3A_1354, %broadcast_in_dim3A_1352 : vector<16xi1>, vector<16xi32>
          %gt3A_1384 = arith.cmpf ogt, %select_n3A_1293, %select_n3A_1287 : vector<16xf32>
          %select_n3A_1385 = arith.select %gt3A_1384, %select_n3A_1293, %select_n3A_1287 : vector<16xi1>, vector<16xf32>
          %select_n3A_1386 = arith.select %gt3A_1384, %broadcast_in_dim3A_1358, %broadcast_in_dim3A_1356 : vector<16xi1>, vector<16xi32>
          %gt3A_1387 = arith.cmpf ogt, %select_n3A_1305, %select_n3A_1299 : vector<16xf32>
          %select_n3A_1388 = arith.select %gt3A_1387, %select_n3A_1305, %select_n3A_1299 : vector<16xi1>, vector<16xf32>
          %select_n3A_1389 = arith.select %gt3A_1387, %broadcast_in_dim3A_1362, %broadcast_in_dim3A_1360 : vector<16xi1>, vector<16xi32>
          %gt3A_1390 = arith.cmpf ogt, %select_n3A_1317, %select_n3A_1311 : vector<16xf32>
          %select_n3A_1391 = arith.select %gt3A_1390, %select_n3A_1317, %select_n3A_1311 : vector<16xi1>, vector<16xf32>
          %select_n3A_1392 = arith.select %gt3A_1390, %broadcast_in_dim3A_1366, %broadcast_in_dim3A_1364 : vector<16xi1>, vector<16xi32>
          %gt3A_1393 = arith.cmpf ogt, %select_n3A_1329, %select_n3A_1323 : vector<16xf32>
          %select_n3A_1394 = arith.select %gt3A_1393, %select_n3A_1329, %select_n3A_1323 : vector<16xi1>, vector<16xf32>
          %select_n3A_1395 = arith.select %gt3A_1393, %broadcast_in_dim3A_1370, %broadcast_in_dim3A_1368 : vector<16xi1>, vector<16xi32>
          %gt3A_1396 = arith.cmpf ogt, %select_n3A_1341, %select_n3A_1335 : vector<16xf32>
          %select_n3A_1397 = arith.select %gt3A_1396, %select_n3A_1341, %select_n3A_1335 : vector<16xi1>, vector<16xf32>
          %select_n3A_1398 = arith.select %gt3A_1396, %broadcast_in_dim3A_1374, %broadcast_in_dim3A_1372 : vector<16xi1>, vector<16xi32>
          %gt3A_1399 = arith.cmpf ogt, %select_n3A_1379, %select_n3A_1376 : vector<16xf32>
          %select_n3A_1400 = arith.select %gt3A_1399, %select_n3A_1379, %select_n3A_1376 : vector<16xi1>, vector<16xf32>
          %select_n3A_1401 = arith.select %gt3A_1399, %select_n3A_1380, %select_n3A_1377 : vector<16xi1>, vector<16xi32>
          %gt3A_1402 = arith.cmpf ogt, %select_n3A_1385, %select_n3A_1382 : vector<16xf32>
          %select_n3A_1403 = arith.select %gt3A_1402, %select_n3A_1385, %select_n3A_1382 : vector<16xi1>, vector<16xf32>
          %select_n3A_1404 = arith.select %gt3A_1402, %select_n3A_1386, %select_n3A_1383 : vector<16xi1>, vector<16xi32>
          %gt3A_1405 = arith.cmpf ogt, %select_n3A_1391, %select_n3A_1388 : vector<16xf32>
          %select_n3A_1406 = arith.select %gt3A_1405, %select_n3A_1391, %select_n3A_1388 : vector<16xi1>, vector<16xf32>
          %select_n3A_1407 = arith.select %gt3A_1405, %select_n3A_1392, %select_n3A_1389 : vector<16xi1>, vector<16xi32>
          %gt3A_1408 = arith.cmpf ogt, %select_n3A_1397, %select_n3A_1394 : vector<16xf32>
          %select_n3A_1409 = arith.select %gt3A_1408, %select_n3A_1397, %select_n3A_1394 : vector<16xi1>, vector<16xf32>
          %select_n3A_1410 = arith.select %gt3A_1408, %select_n3A_1398, %select_n3A_1395 : vector<16xi1>, vector<16xi32>
          %gt3A_1411 = arith.cmpf ogt, %select_n3A_1403, %select_n3A_1400 : vector<16xf32>
          %select_n3A_1412 = arith.select %gt3A_1411, %select_n3A_1403, %select_n3A_1400 : vector<16xi1>, vector<16xf32>
          %select_n3A_1413 = arith.select %gt3A_1411, %select_n3A_1404, %select_n3A_1401 : vector<16xi1>, vector<16xi32>
          %gt3A_1414 = arith.cmpf ogt, %select_n3A_1409, %select_n3A_1406 : vector<16xf32>
          %select_n3A_1415 = arith.select %gt3A_1414, %select_n3A_1409, %select_n3A_1406 : vector<16xi1>, vector<16xf32>
          %select_n3A_1416 = arith.select %gt3A_1414, %select_n3A_1410, %select_n3A_1407 : vector<16xi1>, vector<16xi32>
          %gt3A_1417 = arith.cmpf ogt, %select_n3A_1415, %select_n3A_1412 : vector<16xf32>
          %select_n3A_1418 = arith.select %gt3A_1417, %select_n3A_1415, %select_n3A_1412 : vector<16xi1>, vector<16xf32>
          %select_n3A_1419 = arith.select %gt3A_1417, %select_n3A_1416, %select_n3A_1413 : vector<16xi1>, vector<16xi32>
          %reduce_max3A_1420 = arith.constant true
          %reduce_max3A_1421 = vector.broadcast %reduce_max3A_1420 : i1 to vector<16xi1>
          %reduce_max3A_1422 = tpu.scan <max>, %select_n3A_1418 masked %reduce_max3A_1421 : vector<16xf32>, vector<16xi1> -> vector<16xf32>
          %reduce_max3A_1423 = vector.extract %reduce_max3A_1422[15] : f32 from vector<16xf32>
          %eq3A_1424 = vector.broadcast %reduce_max3A_1423 : f32 to vector<16xf32>
          %eq3A_1425 = arith.cmpf oeq, %select_n3A_1418, %eq3A_1424 : vector<16xf32>
          %add3A_1426 = arith.addi %select_n3A_1419, %iota3A_1342 : vector<16xi32>
          %jit3A_1427 = arith.constant 1073741824 : i32
          %broadcast_in_dim3A_1428 = vector.broadcast %jit3A_1427 : i32 to vector<16xi32>
          %select_n3A_1429 = arith.select %eq3A_1425, %add3A_1426, %broadcast_in_dim3A_1428 : vector<16xi1>, vector<16xi32>
          %reduce_min3A_1430 = arith.constant true
          %reduce_min3A_1431 = vector.broadcast %reduce_min3A_1430 : i1 to vector<16xi1>
          %reduce_min3A_1432 = arith.constant -2147483648 : i32
          %reduce_min3A_1433 = vector.broadcast %reduce_min3A_1432 : i32 to vector<16xi32>
          %reduce_min3A_1434 = arith.xori %select_n3A_1429, %reduce_min3A_1433 : vector<16xi32>
          %reduce_min3A_1435 = tpu.scan <min>, %reduce_min3A_1434 masked %reduce_min3A_1431 : vector<16xi32>, vector<16xi1> -> vector<16xi32>
          %reduce_min3A_1436 = arith.xori %reduce_min3A_1435, %reduce_min3A_1433 : vector<16xi32>
          %reduce_min3A_1437 = vector.extract %reduce_min3A_1436[15] : i32 from vector<16xi32>
          %iota3A_1438 = tpu.iota {dimensions = array<i32: 0>} : vector<16xi32>
          %get3A_1439 = arith.index_cast %reduce_min3A_1437 : i32 to index
          %get3A_1440 = arith.constant 0 : index
          %get3A_1441 = tpu.vector_load %arg4[%get3A_1439, %get3A_1440] {strides = array<i32>} : memref<256x256xf32, #tpu.memory_space<vmem>>, vector<16xf32>,
          %mul3A_1442 = arith.mulf %get3A_1441, %select_n3A_859 : vector<16xf32>
          %broadcast_in_dim3A_1443 = arith.constant 0 : i32
          %broadcast_in_dim3A_1444 = vector.broadcast %broadcast_in_dim3A_1443 : i32 to vector<16xi32>
          %get3A_1445 = arith.index_cast %reduce_min3A_1437 : i32 to index
          %get3A_1446 = arith.constant 16 : index
          %get3A_1447 = tpu.vector_load %arg4[%get3A_1445, %get3A_1446] {strides = array<i32>} : memref<256x256xf32, #tpu.memory_space<vmem>>, vector<16xf32>,
          %mul3A_1448 = arith.mulf %get3A_1447, %select_n3A_866 : vector<16xf32>
          %broadcast_in_dim3A_1449 = arith.constant 16 : i32
          %broadcast_in_dim3A_1450 = vector.broadcast %broadcast_in_dim3A_1449 : i32 to vector<16xi32>
          %get3A_1451 = arith.index_cast %reduce_min3A_1437 : i32 to index
          %get3A_1452 = arith.constant 32 : index
          %get3A_1453 = tpu.vector_load %arg4[%get3A_1451, %get3A_1452] {strides = array<i32>} : memref<256x256xf32, #tpu.memory_space<vmem>>, vector<16xf32>,
          %mul3A_1454 = arith.mulf %get3A_1453, %select_n3A_873 : vector<16xf32>
          %broadcast_in_dim3A_1455 = arith.constant 32 : i32
          %broadcast_in_dim3A_1456 = vector.broadcast %broadcast_in_dim3A_1455 : i32 to vector<16xi32>
          %get3A_1457 = arith.index_cast %reduce_min3A_1437 : i32 to index
          %get3A_1458 = arith.constant 48 : index
          %get3A_1459 = tpu.vector_load %arg4[%get3A_1457, %get3A_1458] {strides = array<i32>} : memref<256x256xf32, #tpu.memory_space<vmem>>, vector<16xf32>,
          %mul3A_1460 = arith.mulf %get3A_1459, %select_n3A_880 : vector<16xf32>
          %broadcast_in_dim3A_1461 = arith.constant 48 : i32
          %broadcast_in_dim3A_1462 = vector.broadcast %broadcast_in_dim3A_1461 : i32 to vector<16xi32>
          %get3A_1463 = arith.index_cast %reduce_min3A_1437 : i32 to index
          %get3A_1464 = arith.constant 64 : index
          %get3A_1465 = tpu.vector_load %arg4[%get3A_1463, %get3A_1464] {strides = array<i32>} : memref<256x256xf32, #tpu.memory_space<vmem>>, vector<16xf32>,
          %mul3A_1466 = arith.mulf %get3A_1465, %select_n3A_887 : vector<16xf32>
          %broadcast_in_dim3A_1467 = arith.constant 64 : i32
          %broadcast_in_dim3A_1468 = vector.broadcast %broadcast_in_dim3A_1467 : i32 to vector<16xi32>
          %get3A_1469 = arith.index_cast %reduce_min3A_1437 : i32 to index
          %get3A_1470 = arith.constant 80 : index
          %get3A_1471 = tpu.vector_load %arg4[%get3A_1469, %get3A_1470] {strides = array<i32>} : memref<256x256xf32, #tpu.memory_space<vmem>>, vector<16xf32>,
          %mul3A_1472 = arith.mulf %get3A_1471, %select_n3A_894 : vector<16xf32>
          %broadcast_in_dim3A_1473 = arith.constant 80 : i32
          %broadcast_in_dim3A_1474 = vector.broadcast %broadcast_in_dim3A_1473 : i32 to vector<16xi32>
          %get3A_1475 = arith.index_cast %reduce_min3A_1437 : i32 to index
          %get3A_1476 = arith.constant 96 : index
          %get3A_1477 = tpu.vector_load %arg4[%get3A_1475, %get3A_1476] {strides = array<i32>} : memref<256x256xf32, #tpu.memory_space<vmem>>, vector<16xf32>,
          %mul3A_1478 = arith.mulf %get3A_1477, %select_n3A_901 : vector<16xf32>
          %broadcast_in_dim3A_1479 = arith.constant 96 : i32
          %broadcast_in_dim3A_1480 = vector.broadcast %broadcast_in_dim3A_1479 : i32 to vector<16xi32>
          %get3A_1481 = arith.index_cast %reduce_min3A_1437 : i32 to index
          %get3A_1482 = arith.constant 112 : index
          %get3A_1483 = tpu.vector_load %arg4[%get3A_1481, %get3A_1482] {strides = array<i32>} : memref<256x256xf32, #tpu.memory_space<vmem>>, vector<16xf32>,
          %mul3A_1484 = arith.mulf %get3A_1483, %select_n3A_908 : vector<16xf32>
          %broadcast_in_dim3A_1485 = arith.constant 112 : i32
          %broadcast_in_dim3A_1486 = vector.broadcast %broadcast_in_dim3A_1485 : i32 to vector<16xi32>
          %get3A_1487 = arith.index_cast %reduce_min3A_1437 : i32 to index
          %get3A_1488 = arith.constant 128 : index
          %get3A_1489 = tpu.vector_load %arg4[%get3A_1487, %get3A_1488] {strides = array<i32>} : memref<256x256xf32, #tpu.memory_space<vmem>>, vector<16xf32>,
          %mul3A_1490 = arith.mulf %get3A_1489, %select_n3A_915 : vector<16xf32>
          %broadcast_in_dim3A_1491 = arith.constant 128 : i32
          %broadcast_in_dim3A_1492 = vector.broadcast %broadcast_in_dim3A_1491 : i32 to vector<16xi32>
          %get3A_1493 = arith.index_cast %reduce_min3A_1437 : i32 to index
          %get3A_1494 = arith.constant 144 : index
          %get3A_1495 = tpu.vector_load %arg4[%get3A_1493, %get3A_1494] {strides = array<i32>} : memref<256x256xf32, #tpu.memory_space<vmem>>, vector<16xf32>,
          %mul3A_1496 = arith.mulf %get3A_1495, %select_n3A_922 : vector<16xf32>
          %broadcast_in_dim3A_1497 = arith.constant 144 : i32
          %broadcast_in_dim3A_1498 = vector.broadcast %broadcast_in_dim3A_1497 : i32 to vector<16xi32>
          %get3A_1499 = arith.index_cast %reduce_min3A_1437 : i32 to index
          %get3A_1500 = arith.constant 160 : index
          %get3A_1501 = tpu.vector_load %arg4[%get3A_1499, %get3A_1500] {strides = array<i32>} : memref<256x256xf32, #tpu.memory_space<vmem>>, vector<16xf32>,
          %mul3A_1502 = arith.mulf %get3A_1501, %select_n3A_929 : vector<16xf32>
          %broadcast_in_dim3A_1503 = arith.constant 160 : i32
          %broadcast_in_dim3A_1504 = vector.broadcast %broadcast_in_dim3A_1503 : i32 to vector<16xi32>
          %get3A_1505 = arith.index_cast %reduce_min3A_1437 : i32 to index
          %get3A_1506 = arith.constant 176 : index
          %get3A_1507 = tpu.vector_load %arg4[%get3A_1505, %get3A_1506] {strides = array<i32>} : memref<256x256xf32, #tpu.memory_space<vmem>>, vector<16xf32>,
          %mul3A_1508 = arith.mulf %get3A_1507, %select_n3A_936 : vector<16xf32>
          %broadcast_in_dim3A_1509 = arith.constant 176 : i32
          %broadcast_in_dim3A_1510 = vector.broadcast %broadcast_in_dim3A_1509 : i32 to vector<16xi32>
          %get3A_1511 = arith.index_cast %reduce_min3A_1437 : i32 to index
          %get3A_1512 = arith.constant 192 : index
          %get3A_1513 = tpu.vector_load %arg4[%get3A_1511, %get3A_1512] {strides = array<i32>} : memref<256x256xf32, #tpu.memory_space<vmem>>, vector<16xf32>,
          %mul3A_1514 = arith.mulf %get3A_1513, %select_n3A_943 : vector<16xf32>
          %broadcast_in_dim3A_1515 = arith.constant 192 : i32
          %broadcast_in_dim3A_1516 = vector.broadcast %broadcast_in_dim3A_1515 : i32 to vector<16xi32>
          %get3A_1517 = arith.index_cast %reduce_min3A_1437 : i32 to index
          %get3A_1518 = arith.constant 208 : index
          %get3A_1519 = tpu.vector_load %arg4[%get3A_1517, %get3A_1518] {strides = array<i32>} : memref<256x256xf32, #tpu.memory_space<vmem>>, vector<16xf32>,
          %mul3A_1520 = arith.mulf %get3A_1519, %select_n3A_950 : vector<16xf32>
          %broadcast_in_dim3A_1521 = arith.constant 208 : i32
          %broadcast_in_dim3A_1522 = vector.broadcast %broadcast_in_dim3A_1521 : i32 to vector<16xi32>
          %get3A_1523 = arith.index_cast %reduce_min3A_1437 : i32 to index
          %get3A_1524 = arith.constant 224 : index
          %get3A_1525 = tpu.vector_load %arg4[%get3A_1523, %get3A_1524] {strides = array<i32>} : memref<256x256xf32, #tpu.memory_space<vmem>>, vector<16xf32>,
          %mul3A_1526 = arith.mulf %get3A_1525, %select_n3A_957 : vector<16xf32>
          %broadcast_in_dim3A_1527 = arith.constant 224 : i32
          %broadcast_in_dim3A_1528 = vector.broadcast %broadcast_in_dim3A_1527 : i32 to vector<16xi32>
          %get3A_1529 = arith.index_cast %reduce_min3A_1437 : i32 to index
          %get3A_1530 = arith.constant 240 : index
          %get3A_1531 = tpu.vector_load %arg4[%get3A_1529, %get3A_1530] {strides = array<i32>} : memref<256x256xf32, #tpu.memory_space<vmem>>, vector<16xf32>,
          %mul3A_1532 = arith.mulf %get3A_1531, %select_n3A_964 : vector<16xf32>
          %broadcast_in_dim3A_1533 = arith.constant 240 : i32
          %broadcast_in_dim3A_1534 = vector.broadcast %broadcast_in_dim3A_1533 : i32 to vector<16xi32>
          %gt3A_1535 = arith.cmpf ogt, %mul3A_1448, %mul3A_1442 : vector<16xf32>
          %select_n3A_1536 = arith.select %gt3A_1535, %mul3A_1448, %mul3A_1442 : vector<16xi1>, vector<16xf32>
          %select_n3A_1537 = arith.select %gt3A_1535, %broadcast_in_dim3A_1450, %broadcast_in_dim3A_1444 : vector<16xi1>, vector<16xi32>
          %gt3A_1538 = arith.cmpf ogt, %mul3A_1460, %mul3A_1454 : vector<16xf32>
          %select_n3A_1539 = arith.select %gt3A_1538, %mul3A_1460, %mul3A_1454 : vector<16xi1>, vector<16xf32>
          %select_n3A_1540 = arith.select %gt3A_1538, %broadcast_in_dim3A_1462, %broadcast_in_dim3A_1456 : vector<16xi1>, vector<16xi32>
          %gt3A_1541 = arith.cmpf ogt, %mul3A_1472, %mul3A_1466 : vector<16xf32>
          %select_n3A_1542 = arith.select %gt3A_1541, %mul3A_1472, %mul3A_1466 : vector<16xi1>, vector<16xf32>
          %select_n3A_1543 = arith.select %gt3A_1541, %broadcast_in_dim3A_1474, %broadcast_in_dim3A_1468 : vector<16xi1>, vector<16xi32>
          %gt3A_1544 = arith.cmpf ogt, %mul3A_1484, %mul3A_1478 : vector<16xf32>
          %select_n3A_1545 = arith.select %gt3A_1544, %mul3A_1484, %mul3A_1478 : vector<16xi1>, vector<16xf32>
          %select_n3A_1546 = arith.select %gt3A_1544, %broadcast_in_dim3A_1486, %broadcast_in_dim3A_1480 : vector<16xi1>, vector<16xi32>
          %gt3A_1547 = arith.cmpf ogt, %mul3A_1496, %mul3A_1490 : vector<16xf32>
          %select_n3A_1548 = arith.select %gt3A_1547, %mul3A_1496, %mul3A_1490 : vector<16xi1>, vector<16xf32>
          %select_n3A_1549 = arith.select %gt3A_1547, %broadcast_in_dim3A_1498, %broadcast_in_dim3A_1492 : vector<16xi1>, vector<16xi32>
          %gt3A_1550 = arith.cmpf ogt, %mul3A_1508, %mul3A_1502 : vector<16xf32>
          %select_n3A_1551 = arith.select %gt3A_1550, %mul3A_1508, %mul3A_1502 : vector<16xi1>, vector<16xf32>
          %select_n3A_1552 = arith.select %gt3A_1550, %broadcast_in_dim3A_1510, %broadcast_in_dim3A_1504 : vector<16xi1>, vector<16xi32>
          %gt3A_1553 = arith.cmpf ogt, %mul3A_1520, %mul3A_1514 : vector<16xf32>
          %select_n3A_1554 = arith.select %gt3A_1553, %mul3A_1520, %mul3A_1514 : vector<16xi1>, vector<16xf32>
          %select_n3A_1555 = arith.select %gt3A_1553, %broadcast_in_dim3A_1522, %broadcast_in_dim3A_1516 : vector<16xi1>, vector<16xi32>
          %gt3A_1556 = arith.cmpf ogt, %mul3A_1532, %mul3A_1526 : vector<16xf32>
          %select_n3A_1557 = arith.select %gt3A_1556, %mul3A_1532, %mul3A_1526 : vector<16xi1>, vector<16xf32>
          %select_n3A_1558 = arith.select %gt3A_1556, %broadcast_in_dim3A_1534, %broadcast_in_dim3A_1528 : vector<16xi1>, vector<16xi32>
          %gt3A_1559 = arith.cmpf ogt, %select_n3A_1539, %select_n3A_1536 : vector<16xf32>
          %select_n3A_1560 = arith.select %gt3A_1559, %select_n3A_1539, %select_n3A_1536 : vector<16xi1>, vector<16xf32>
          %select_n3A_1561 = arith.select %gt3A_1559, %select_n3A_1540, %select_n3A_1537 : vector<16xi1>, vector<16xi32>
          %gt3A_1562 = arith.cmpf ogt, %select_n3A_1545, %select_n3A_1542 : vector<16xf32>
          %select_n3A_1563 = arith.select %gt3A_1562, %select_n3A_1545, %select_n3A_1542 : vector<16xi1>, vector<16xf32>
          %select_n3A_1564 = arith.select %gt3A_1562, %select_n3A_1546, %select_n3A_1543 : vector<16xi1>, vector<16xi32>
          %gt3A_1565 = arith.cmpf ogt, %select_n3A_1551, %select_n3A_1548 : vector<16xf32>
          %select_n3A_1566 = arith.select %gt3A_1565, %select_n3A_1551, %select_n3A_1548 : vector<16xi1>, vector<16xf32>
          %select_n3A_1567 = arith.select %gt3A_1565, %select_n3A_1552, %select_n3A_1549 : vector<16xi1>, vector<16xi32>
          %gt3A_1568 = arith.cmpf ogt, %select_n3A_1557, %select_n3A_1554 : vector<16xf32>
          %select_n3A_1569 = arith.select %gt3A_1568, %select_n3A_1557, %select_n3A_1554 : vector<16xi1>, vector<16xf32>
          %select_n3A_1570 = arith.select %gt3A_1568, %select_n3A_1558, %select_n3A_1555 : vector<16xi1>, vector<16xi32>
          %gt3A_1571 = arith.cmpf ogt, %select_n3A_1563, %select_n3A_1560 : vector<16xf32>
          %select_n3A_1572 = arith.select %gt3A_1571, %select_n3A_1563, %select_n3A_1560 : vector<16xi1>, vector<16xf32>
          %select_n3A_1573 = arith.select %gt3A_1571, %select_n3A_1564, %select_n3A_1561 : vector<16xi1>, vector<16xi32>
          %gt3A_1574 = arith.cmpf ogt, %select_n3A_1569, %select_n3A_1566 : vector<16xf32>
          %select_n3A_1575 = arith.select %gt3A_1574, %select_n3A_1569, %select_n3A_1566 : vector<16xi1>, vector<16xf32>
          %select_n3A_1576 = arith.select %gt3A_1574, %select_n3A_1570, %select_n3A_1567 : vector<16xi1>, vector<16xi32>
          %gt3A_1577 = arith.cmpf ogt, %select_n3A_1575, %select_n3A_1572 : vector<16xf32>
          %select_n3A_1578 = arith.select %gt3A_1577, %select_n3A_1575, %select_n3A_1572 : vector<16xi1>, vector<16xf32>
          %select_n3A_1579 = arith.select %gt3A_1577, %select_n3A_1576, %select_n3A_1573 : vector<16xi1>, vector<16xi32>
          %reduce_max3A_1580 = arith.constant true
          %reduce_max3A_1581 = vector.broadcast %reduce_max3A_1580 : i1 to vector<16xi1>
          %reduce_max3A_1582 = tpu.scan <max>, %select_n3A_1578 masked %reduce_max3A_1581 : vector<16xf32>, vector<16xi1> -> vector<16xf32>
          %reduce_max3A_1583 = vector.extract %reduce_max3A_1582[15] : f32 from vector<16xf32>
          %eq3A_1584 = vector.broadcast %reduce_max3A_1583 : f32 to vector<16xf32>
          %eq3A_1585 = arith.cmpf oeq, %select_n3A_1578, %eq3A_1584 : vector<16xf32>
          %add3A_1586 = arith.addi %select_n3A_1579, %iota3A_1438 : vector<16xi32>
          %jit3A_1587 = arith.constant 1073741824 : i32
          %broadcast_in_dim3A_1588 = vector.broadcast %jit3A_1587 : i32 to vector<16xi32>
          %select_n3A_1589 = arith.select %eq3A_1585, %add3A_1586, %broadcast_in_dim3A_1588 : vector<16xi1>, vector<16xi32>
          %reduce_min3A_1590 = arith.constant true
          %reduce_min3A_1591 = vector.broadcast %reduce_min3A_1590 : i1 to vector<16xi1>
          %reduce_min3A_1592 = arith.constant -2147483648 : i32
          %reduce_min3A_1593 = vector.broadcast %reduce_min3A_1592 : i32 to vector<16xi32>
          %reduce_min3A_1594 = arith.xori %select_n3A_1589, %reduce_min3A_1593 : vector<16xi32>
          %reduce_min3A_1595 = tpu.scan <min>, %reduce_min3A_1594 masked %reduce_min3A_1591 : vector<16xi32>, vector<16xi1> -> vector<16xi32>
          %reduce_min3A_1596 = arith.xori %reduce_min3A_1595, %reduce_min3A_1593 : vector<16xi32>
          %reduce_min3A_1597 = vector.extract %reduce_min3A_1596[15] : i32 from vector<16xi32>
          scf.yield %reduce_max3A_1423, %reduce_max3A_1583, %reduce_min3A_1437, %reduce_min3A_1597, %select_n3A_1251, %select_n3A_1257, %select_n3A_1263, %select_n3A_1269, %select_n3A_1275, %select_n3A_1281, %select_n3A_1287, %select_n3A_1293, %select_n3A_1299, %select_n3A_1305, %select_n3A_1311, %select_n3A_1317, %select_n3A_1323, %select_n3A_1329, %select_n3A_1335, %select_n3A_1341 : f32, f32, i32, i32, vector<16xf32>, vector<16xf32>, vector<16xf32>, vector<16xf32>, vector<16xf32>, vector<16xf32>, vector<16xf32>, vector<16xf32>, vector<16xf32>, vector<16xf32>, vector<16xf32>, vector<16xf32>, vector<16xf32>, vector<16xf32>, vector<16xf32>, vector<16xf32>
        }
        %eq3A_1222 = arith.constant 0.000000e+00 : f32
        %eq3A_1223 = arith.cmpf oeq, %while3A_1221#0, %eq3A_1222 : f32
        %jit3A_1224 = arith.constant 1 : i32
        %select_n3A_1225 = arith.select %eq3A_1223, %jit3A_1224, %scan3A_686 : i32
        scf.yield %while3A_1221#2, %while3A_1221#3, %while3A_1221#4, %while3A_1221#5, %while3A_1221#6, %while3A_1221#7, %while3A_1221#8, %while3A_1221#9, %while3A_1221#10, %while3A_1221#11, %while3A_1221#12, %while3A_1221#13, %while3A_1221#14, %while3A_1221#15, %while3A_1221#16, %while3A_1221#17, %while3A_1221#18, %while3A_1221#19, %select_n3A_859, %select_n3A_866, %select_n3A_873, %select_n3A_880, %select_n3A_887, %select_n3A_894, %select_n3A_901, %select_n3A_908, %select_n3A_915, %select_n3A_922, %select_n3A_929, %select_n3A_936, %select_n3A_943, %select_n3A_950, %select_n3A_957, %select_n3A_964, %select_n3A_1225 : i32, i32, vector<16xf32>, vector<16xf32>, vector<16xf32>, vector<16xf32>, vector<16xf32>, vector<16xf32>, vector<16xf32>, vector<16xf32>, vector<16xf32>, vector<16xf32>, vector<16xf32>, vector<16xf32>, vector<16xf32>, vector<16xf32>, vector<16xf32>, vector<16xf32>, vector<16xf32>, vector<16xf32>, vector<16xf32>, vector<16xf32>, vector<16xf32>, vector<16xf32>, vector<16xf32>, vector<16xf32>, vector<16xf32>, vector<16xf32>, vector<16xf32>, vector<16xf32>, vector<16xf32>, vector<16xf32>, vector<16xf32>, vector<16xf32>, i32
      }
      %scan3A_305 = arith.constant 255 : i32
      %swap3A = arith.index_cast %scan3A_304#0 : i32 to index
      %swap3A_306 = arith.constant 0 : index
      %swap3A_307 = tpu.vector_load %arg4[%swap3A, %swap3A_306] {strides = array<i32>} : memref<256x256xf32, #tpu.memory_space<vmem>>, vector<16xf32>,
      tpu.vector_store %arg4[%swap3A, %swap3A_306], %broadcast_in_dim3A_5 {strides = array<i32>} : memref<256x256xf32, #tpu.memory_space<vmem>>, vector<16xf32>,
      %swap3A_308 = arith.index_cast %scan3A_304#0 : i32 to index
      %swap3A_309 = arith.constant 16 : index
      %swap3A_310 = tpu.vector_load %arg4[%swap3A_308, %swap3A_309] {strides = array<i32>} : memref<256x256xf32, #tpu.memory_space<vmem>>, vector<16xf32>,
      tpu.vector_store %arg4[%swap3A_308, %swap3A_309], %broadcast_in_dim3A_5 {strides = array<i32>} : memref<256x256xf32, #tpu.memory_space<vmem>>, vector<16xf32>,
      %swap3A_311 = arith.index_cast %scan3A_304#0 : i32 to index
      %swap3A_312 = arith.constant 32 : index
      %swap3A_313 = tpu.vector_load %arg4[%swap3A_311, %swap3A_312] {strides = array<i32>} : memref<256x256xf32, #tpu.memory_space<vmem>>, vector<16xf32>,
      tpu.vector_store %arg4[%swap3A_311, %swap3A_312], %broadcast_in_dim3A_5 {strides = array<i32>} : memref<256x256xf32, #tpu.memory_space<vmem>>, vector<16xf32>,
      %swap3A_314 = arith.index_cast %scan3A_304#0 : i32 to index
      %swap3A_315 = arith.constant 48 : index
      %swap3A_316 = tpu.vector_load %arg4[%swap3A_314, %swap3A_315] {strides = array<i32>} : memref<256x256xf32, #tpu.memory_space<vmem>>, vector<16xf32>,
      tpu.vector_store %arg4[%swap3A_314, %swap3A_315], %broadcast_in_dim3A_5 {strides = array<i32>} : memref<256x256xf32, #tpu.memory_space<vmem>>, vector<16xf32>,
      %swap3A_317 = arith.index_cast %scan3A_304#0 : i32 to index
      %swap3A_318 = arith.constant 64 : index
      %swap3A_319 = tpu.vector_load %arg4[%swap3A_317, %swap3A_318] {strides = array<i32>} : memref<256x256xf32, #tpu.memory_space<vmem>>, vector<16xf32>,
      tpu.vector_store %arg4[%swap3A_317, %swap3A_318], %broadcast_in_dim3A_5 {strides = array<i32>} : memref<256x256xf32, #tpu.memory_space<vmem>>, vector<16xf32>,
      %swap3A_320 = arith.index_cast %scan3A_304#0 : i32 to index
      %swap3A_321 = arith.constant 80 : index
      %swap3A_322 = tpu.vector_load %arg4[%swap3A_320, %swap3A_321] {strides = array<i32>} : memref<256x256xf32, #tpu.memory_space<vmem>>, vector<16xf32>,
      tpu.vector_store %arg4[%swap3A_320, %swap3A_321], %broadcast_in_dim3A_5 {strides = array<i32>} : memref<256x256xf32, #tpu.memory_space<vmem>>, vector<16xf32>,
      %swap3A_323 = arith.index_cast %scan3A_304#0 : i32 to index
      %swap3A_324 = arith.constant 96 : index
      %swap3A_325 = tpu.vector_load %arg4[%swap3A_323, %swap3A_324] {strides = array<i32>} : memref<256x256xf32, #tpu.memory_space<vmem>>, vector<16xf32>,
      tpu.vector_store %arg4[%swap3A_323, %swap3A_324], %broadcast_in_dim3A_5 {strides = array<i32>} : memref<256x256xf32, #tpu.memory_space<vmem>>, vector<16xf32>,
      %swap3A_326 = arith.index_cast %scan3A_304#0 : i32 to index
      %swap3A_327 = arith.constant 112 : index
      %swap3A_328 = tpu.vector_load %arg4[%swap3A_326, %swap3A_327] {strides = array<i32>} : memref<256x256xf32, #tpu.memory_space<vmem>>, vector<16xf32>,
      tpu.vector_store %arg4[%swap3A_326, %swap3A_327], %broadcast_in_dim3A_5 {strides = array<i32>} : memref<256x256xf32, #tpu.memory_space<vmem>>, vector<16xf32>,
      %swap3A_329 = arith.index_cast %scan3A_304#0 : i32 to index
      %swap3A_330 = arith.constant 128 : index
      %swap3A_331 = tpu.vector_load %arg4[%swap3A_329, %swap3A_330] {strides = array<i32>} : memref<256x256xf32, #tpu.memory_space<vmem>>, vector<16xf32>,
      tpu.vector_store %arg4[%swap3A_329, %swap3A_330], %broadcast_in_dim3A_5 {strides = array<i32>} : memref<256x256xf32, #tpu.memory_space<vmem>>, vector<16xf32>,
      %swap3A_332 = arith.index_cast %scan3A_304#0 : i32 to index
      %swap3A_333 = arith.constant 144 : index
      %swap3A_334 = tpu.vector_load %arg4[%swap3A_332, %swap3A_333] {strides = array<i32>} : memref<256x256xf32, #tpu.memory_space<vmem>>, vector<16xf32>,
      tpu.vector_store %arg4[%swap3A_332, %swap3A_333], %broadcast_in_dim3A_5 {strides = array<i32>} : memref<256x256xf32, #tpu.memory_space<vmem>>, vector<16xf32>,
      %swap3A_335 = arith.index_cast %scan3A_304#0 : i32 to index
      %swap3A_336 = arith.constant 160 : index
      %swap3A_337 = tpu.vector_load %arg4[%swap3A_335, %swap3A_336] {strides = array<i32>} : memref<256x256xf32, #tpu.memory_space<vmem>>, vector<16xf32>,
      tpu.vector_store %arg4[%swap3A_335, %swap3A_336], %broadcast_in_dim3A_5 {strides = array<i32>} : memref<256x256xf32, #tpu.memory_space<vmem>>, vector<16xf32>,
      %swap3A_338 = arith.index_cast %scan3A_304#0 : i32 to index
      %swap3A_339 = arith.constant 176 : index
      %swap3A_340 = tpu.vector_load %arg4[%swap3A_338, %swap3A_339] {strides = array<i32>} : memref<256x256xf32, #tpu.memory_space<vmem>>, vector<16xf32>,
      tpu.vector_store %arg4[%swap3A_338, %swap3A_339], %broadcast_in_dim3A_5 {strides = array<i32>} : memref<256x256xf32, #tpu.memory_space<vmem>>, vector<16xf32>,
      %swap3A_341 = arith.index_cast %scan3A_304#0 : i32 to index
      %swap3A_342 = arith.constant 192 : index
      %swap3A_343 = tpu.vector_load %arg4[%swap3A_341, %swap3A_342] {strides = array<i32>} : memref<256x256xf32, #tpu.memory_space<vmem>>, vector<16xf32>,
      tpu.vector_store %arg4[%swap3A_341, %swap3A_342], %broadcast_in_dim3A_5 {strides = array<i32>} : memref<256x256xf32, #tpu.memory_space<vmem>>, vector<16xf32>,
      %swap3A_344 = arith.index_cast %scan3A_304#0 : i32 to index
      %swap3A_345 = arith.constant 208 : index
      %swap3A_346 = tpu.vector_load %arg4[%swap3A_344, %swap3A_345] {strides = array<i32>} : memref<256x256xf32, #tpu.memory_space<vmem>>, vector<16xf32>,
      tpu.vector_store %arg4[%swap3A_344, %swap3A_345], %broadcast_in_dim3A_5 {strides = array<i32>} : memref<256x256xf32, #tpu.memory_space<vmem>>, vector<16xf32>,
      %swap3A_347 = arith.index_cast %scan3A_304#0 : i32 to index
      %swap3A_348 = arith.constant 224 : index
      %swap3A_349 = tpu.vector_load %arg4[%swap3A_347, %swap3A_348] {strides = array<i32>} : memref<256x256xf32, #tpu.memory_space<vmem>>, vector<16xf32>,
      tpu.vector_store %arg4[%swap3A_347, %swap3A_348], %broadcast_in_dim3A_5 {strides = array<i32>} : memref<256x256xf32, #tpu.memory_space<vmem>>, vector<16xf32>,
      %swap3A_350 = arith.index_cast %scan3A_304#0 : i32 to index
      %swap3A_351 = arith.constant 240 : index
      %swap3A_352 = tpu.vector_load %arg4[%swap3A_350, %swap3A_351] {strides = array<i32>} : memref<256x256xf32, #tpu.memory_space<vmem>>, vector<16xf32>,
      tpu.vector_store %arg4[%swap3A_350, %swap3A_351], %broadcast_in_dim3A_5 {strides = array<i32>} : memref<256x256xf32, #tpu.memory_space<vmem>>, vector<16xf32>,
      %broadcast_in_dim3A_353 = arith.constant 255 : i32
      %broadcast_in_dim3A_354 = vector.broadcast %broadcast_in_dim3A_353 : i32 to vector<16xi32>
      %broadcast_in_dim3A_355 = vector.broadcast %scan3A_304#0 : i32 to vector<16xi32>
      tpu.vector_store_idx %arg6[%broadcast_in_dim3A_354], %broadcast_in_dim3A_355 masked %eq3A_4 : memref<256xi32, #tpu.memory_space<vmem>>[vector<16xi32>], vector<16xi32>, vector<16xi1>
      %broadcast_in_dim3A_356 = arith.constant 255 : i32
      %broadcast_in_dim3A_357 = vector.broadcast %broadcast_in_dim3A_356 : i32 to vector<16xi32>
      %broadcast_in_dim3A_358 = vector.broadcast %scan3A_304#1 : i32 to vector<16xi32>
      tpu.vector_store_idx %arg7[%broadcast_in_dim3A_357], %broadcast_in_dim3A_358 masked %eq3A_4 : memref<256xi32, #tpu.memory_space<vmem>>[vector<16xi32>], vector<16xi32>, vector<16xi1>
      %sub3A = arith.constant 0 : i32
      %sub3A_359 = arith.subi %scan3A_304#0, %sub3A : i32
      %broadcast_in_dim3A_360 = vector.broadcast %sub3A_359 : i32 to vector<16xi32>
      %eq3A_361 = arith.cmpi eq, %iota3A, %broadcast_in_dim3A_360 : vector<16xi32>
      %jit3A_362 = arith.constant 0.000000e+00 : f32
      %broadcast_in_dim3A_363 = vector.broadcast %jit3A_362 : f32 to vector<16xf32>
      %select_n3A_364 = arith.select %eq3A_361, %broadcast_in_dim3A_363, %scan3A_304#2 : vector<16xi1>, vector<16xf32>
      %sub3A_365 = arith.constant 16 : i32
      %sub3A_366 = arith.subi %scan3A_304#0, %sub3A_365 : i32
      %broadcast_in_dim3A_367 = vector.broadcast %sub3A_366 : i32 to vector<16xi32>
      %eq3A_368 = arith.cmpi eq, %iota3A, %broadcast_in_dim3A_367 : vector<16xi32>
      %jit3A_369 = arith.constant 0.000000e+00 : f32
      %broadcast_in_dim3A_370 = vector.broadcast %jit3A_369 : f32 to vector<16xf32>
      %select_n3A_371 = arith.select %eq3A_368, %broadcast_in_dim3A_370, %scan3A_304#3 : vector<16xi1>, vector<16xf32>
      %sub3A_372 = arith.constant 32 : i32
      %sub3A_373 = arith.subi %scan3A_304#0, %sub3A_372 : i32
      %broadcast_in_dim3A_374 = vector.broadcast %sub3A_373 : i32 to vector<16xi32>
      %eq3A_375 = arith.cmpi eq, %iota3A, %broadcast_in_dim3A_374 : vector<16xi32>
      %jit3A_376 = arith.constant 0.000000e+00 : f32
      %broadcast_in_dim3A_377 = vector.broadcast %jit3A_376 : f32 to vector<16xf32>
      %select_n3A_378 = arith.select %eq3A_375, %broadcast_in_dim3A_377, %scan3A_304#4 : vector<16xi1>, vector<16xf32>
      %sub3A_379 = arith.constant 48 : i32
      %sub3A_380 = arith.subi %scan3A_304#0, %sub3A_379 : i32
      %broadcast_in_dim3A_381 = vector.broadcast %sub3A_380 : i32 to vector<16xi32>
      %eq3A_382 = arith.cmpi eq, %iota3A, %broadcast_in_dim3A_381 : vector<16xi32>
      %jit3A_383 = arith.constant 0.000000e+00 : f32
      %broadcast_in_dim3A_384 = vector.broadcast %jit3A_383 : f32 to vector<16xf32>
      %select_n3A_385 = arith.select %eq3A_382, %broadcast_in_dim3A_384, %scan3A_304#5 : vector<16xi1>, vector<16xf32>
      %sub3A_386 = arith.constant 64 : i32
      %sub3A_387 = arith.subi %scan3A_304#0, %sub3A_386 : i32
      %broadcast_in_dim3A_388 = vector.broadcast %sub3A_387 : i32 to vector<16xi32>
      %eq3A_389 = arith.cmpi eq, %iota3A, %broadcast_in_dim3A_388 : vector<16xi32>
      %jit3A_390 = arith.constant 0.000000e+00 : f32
      %broadcast_in_dim3A_391 = vector.broadcast %jit3A_390 : f32 to vector<16xf32>
      %select_n3A_392 = arith.select %eq3A_389, %broadcast_in_dim3A_391, %scan3A_304#6 : vector<16xi1>, vector<16xf32>
      %sub3A_393 = arith.constant 80 : i32
      %sub3A_394 = arith.subi %scan3A_304#0, %sub3A_393 : i32
      %broadcast_in_dim3A_395 = vector.broadcast %sub3A_394 : i32 to vector<16xi32>
      %eq3A_396 = arith.cmpi eq, %iota3A, %broadcast_in_dim3A_395 : vector<16xi32>
      %jit3A_397 = arith.constant 0.000000e+00 : f32
      %broadcast_in_dim3A_398 = vector.broadcast %jit3A_397 : f32 to vector<16xf32>
      %select_n3A_399 = arith.select %eq3A_396, %broadcast_in_dim3A_398, %scan3A_304#7 : vector<16xi1>, vector<16xf32>
      %sub3A_400 = arith.constant 96 : i32
      %sub3A_401 = arith.subi %scan3A_304#0, %sub3A_400 : i32
      %broadcast_in_dim3A_402 = vector.broadcast %sub3A_401 : i32 to vector<16xi32>
      %eq3A_403 = arith.cmpi eq, %iota3A, %broadcast_in_dim3A_402 : vector<16xi32>
      %jit3A_404 = arith.constant 0.000000e+00 : f32
      %broadcast_in_dim3A_405 = vector.broadcast %jit3A_404 : f32 to vector<16xf32>
      %select_n3A_406 = arith.select %eq3A_403, %broadcast_in_dim3A_405, %scan3A_304#8 : vector<16xi1>, vector<16xf32>
      %sub3A_407 = arith.constant 112 : i32
      %sub3A_408 = arith.subi %scan3A_304#0, %sub3A_407 : i32
      %broadcast_in_dim3A_409 = vector.broadcast %sub3A_408 : i32 to vector<16xi32>
      %eq3A_410 = arith.cmpi eq, %iota3A, %broadcast_in_dim3A_409 : vector<16xi32>
      %jit3A_411 = arith.constant 0.000000e+00 : f32
      %broadcast_in_dim3A_412 = vector.broadcast %jit3A_411 : f32 to vector<16xf32>
      %select_n3A_413 = arith.select %eq3A_410, %broadcast_in_dim3A_412, %scan3A_304#9 : vector<16xi1>, vector<16xf32>
      %sub3A_414 = arith.constant 128 : i32
      %sub3A_415 = arith.subi %scan3A_304#0, %sub3A_414 : i32
      %broadcast_in_dim3A_416 = vector.broadcast %sub3A_415 : i32 to vector<16xi32>
      %eq3A_417 = arith.cmpi eq, %iota3A, %broadcast_in_dim3A_416 : vector<16xi32>
      %jit3A_418 = arith.constant 0.000000e+00 : f32
      %broadcast_in_dim3A_419 = vector.broadcast %jit3A_418 : f32 to vector<16xf32>
      %select_n3A_420 = arith.select %eq3A_417, %broadcast_in_dim3A_419, %scan3A_304#10 : vector<16xi1>, vector<16xf32>
      %sub3A_421 = arith.constant 144 : i32
      %sub3A_422 = arith.subi %scan3A_304#0, %sub3A_421 : i32
      %broadcast_in_dim3A_423 = vector.broadcast %sub3A_422 : i32 to vector<16xi32>
      %eq3A_424 = arith.cmpi eq, %iota3A, %broadcast_in_dim3A_423 : vector<16xi32>
      %jit3A_425 = arith.constant 0.000000e+00 : f32
      %broadcast_in_dim3A_426 = vector.broadcast %jit3A_425 : f32 to vector<16xf32>
      %select_n3A_427 = arith.select %eq3A_424, %broadcast_in_dim3A_426, %scan3A_304#11 : vector<16xi1>, vector<16xf32>
      %sub3A_428 = arith.constant 160 : i32
      %sub3A_429 = arith.subi %scan3A_304#0, %sub3A_428 : i32
      %broadcast_in_dim3A_430 = vector.broadcast %sub3A_429 : i32 to vector<16xi32>
      %eq3A_431 = arith.cmpi eq, %iota3A, %broadcast_in_dim3A_430 : vector<16xi32>
      %jit3A_432 = arith.constant 0.000000e+00 : f32
      %broadcast_in_dim3A_433 = vector.broadcast %jit3A_432 : f32 to vector<16xf32>
      %select_n3A_434 = arith.select %eq3A_431, %broadcast_in_dim3A_433, %scan3A_304#12 : vector<16xi1>, vector<16xf32>
      %sub3A_435 = arith.constant 176 : i32
      %sub3A_436 = arith.subi %scan3A_304#0, %sub3A_435 : i32
      %broadcast_in_dim3A_437 = vector.broadcast %sub3A_436 : i32 to vector<16xi32>
      %eq3A_438 = arith.cmpi eq, %iota3A, %broadcast_in_dim3A_437 : vector<16xi32>
      %jit3A_439 = arith.constant 0.000000e+00 : f32
      %broadcast_in_dim3A_440 = vector.broadcast %jit3A_439 : f32 to vector<16xf32>
      %select_n3A_441 = arith.select %eq3A_438, %broadcast_in_dim3A_440, %scan3A_304#13 : vector<16xi1>, vector<16xf32>
      %sub3A_442 = arith.constant 192 : i32
      %sub3A_443 = arith.subi %scan3A_304#0, %sub3A_442 : i32
      %broadcast_in_dim3A_444 = vector.broadcast %sub3A_443 : i32 to vector<16xi32>
      %eq3A_445 = arith.cmpi eq, %iota3A, %broadcast_in_dim3A_444 : vector<16xi32>
      %jit3A_446 = arith.constant 0.000000e+00 : f32
      %broadcast_in_dim3A_447 = vector.broadcast %jit3A_446 : f32 to vector<16xf32>
      %select_n3A_448 = arith.select %eq3A_445, %broadcast_in_dim3A_447, %scan3A_304#14 : vector<16xi1>, vector<16xf32>
      %sub3A_449 = arith.constant 208 : i32
      %sub3A_450 = arith.subi %scan3A_304#0, %sub3A_449 : i32
      %broadcast_in_dim3A_451 = vector.broadcast %sub3A_450 : i32 to vector<16xi32>
      %eq3A_452 = arith.cmpi eq, %iota3A, %broadcast_in_dim3A_451 : vector<16xi32>
      %jit3A_453 = arith.constant 0.000000e+00 : f32
      %broadcast_in_dim3A_454 = vector.broadcast %jit3A_453 : f32 to vector<16xf32>
      %select_n3A_455 = arith.select %eq3A_452, %broadcast_in_dim3A_454, %scan3A_304#15 : vector<16xi1>, vector<16xf32>
      %sub3A_456 = arith.constant 224 : i32
      %sub3A_457 = arith.subi %scan3A_304#0, %sub3A_456 : i32
      %broadcast_in_dim3A_458 = vector.broadcast %sub3A_457 : i32 to vector<16xi32>
      %eq3A_459 = arith.cmpi eq, %iota3A, %broadcast_in_dim3A_458 : vector<16xi32>
      %jit3A_460 = arith.constant 0.000000e+00 : f32
      %broadcast_in_dim3A_461 = vector.broadcast %jit3A_460 : f32 to vector<16xf32>
      %select_n3A_462 = arith.select %eq3A_459, %broadcast_in_dim3A_461, %scan3A_304#16 : vector<16xi1>, vector<16xf32>
      %sub3A_463 = arith.constant 240 : i32
      %sub3A_464 = arith.subi %scan3A_304#0, %sub3A_463 : i32
      %broadcast_in_dim3A_465 = vector.broadcast %sub3A_464 : i32 to vector<16xi32>
      %eq3A_466 = arith.cmpi eq, %iota3A, %broadcast_in_dim3A_465 : vector<16xi32>
      %jit3A_467 = arith.constant 0.000000e+00 : f32
      %broadcast_in_dim3A_468 = vector.broadcast %jit3A_467 : f32 to vector<16xf32>
      %select_n3A_469 = arith.select %eq3A_466, %broadcast_in_dim3A_468, %scan3A_304#17 : vector<16xi1>, vector<16xf32>
      %sub3A_470 = arith.constant 0 : i32
      %sub3A_471 = arith.subi %scan3A_304#1, %sub3A_470 : i32
      %broadcast_in_dim3A_472 = vector.broadcast %sub3A_471 : i32 to vector<16xi32>
      %eq3A_473 = arith.cmpi eq, %iota3A, %broadcast_in_dim3A_472 : vector<16xi32>
      %jit3A_474 = arith.constant 0.000000e+00 : f32
      %broadcast_in_dim3A_475 = vector.broadcast %jit3A_474 : f32 to vector<16xf32>
      %select_n3A_476 = arith.select %eq3A_473, %broadcast_in_dim3A_475, %scan3A_304#18 : vector<16xi1>, vector<16xf32>
      %sub3A_477 = arith.constant 16 : i32
      %sub3A_478 = arith.subi %scan3A_304#1, %sub3A_477 : i32
      %broadcast_in_dim3A_479 = vector.broadcast %sub3A_478 : i32 to vector<16xi32>
      %eq3A_480 = arith.cmpi eq, %iota3A, %broadcast_in_dim3A_479 : vector<16xi32>
      %jit3A_481 = arith.constant 0.000000e+00 : f32
      %broadcast_in_dim3A_482 = vector.broadcast %jit3A_481 : f32 to vector<16xf32>
      %select_n3A_483 = arith.select %eq3A_480, %broadcast_in_dim3A_482, %scan3A_304#19 : vector<16xi1>, vector<16xf32>
      %sub3A_484 = arith.constant 32 : i32
      %sub3A_485 = arith.subi %scan3A_304#1, %sub3A_484 : i32
      %broadcast_in_dim3A_486 = vector.broadcast %sub3A_485 : i32 to vector<16xi32>
      %eq3A_487 = arith.cmpi eq, %iota3A, %broadcast_in_dim3A_486 : vector<16xi32>
      %jit3A_488 = arith.constant 0.000000e+00 : f32
      %broadcast_in_dim3A_489 = vector.broadcast %jit3A_488 : f32 to vector<16xf32>
      %select_n3A_490 = arith.select %eq3A_487, %broadcast_in_dim3A_489, %scan3A_304#20 : vector<16xi1>, vector<16xf32>
      %sub3A_491 = arith.constant 48 : i32
      %sub3A_492 = arith.subi %scan3A_304#1, %sub3A_491 : i32
      %broadcast_in_dim3A_493 = vector.broadcast %sub3A_492 : i32 to vector<16xi32>
      %eq3A_494 = arith.cmpi eq, %iota3A, %broadcast_in_dim3A_493 : vector<16xi32>
      %jit3A_495 = arith.constant 0.000000e+00 : f32
      %broadcast_in_dim3A_496 = vector.broadcast %jit3A_495 : f32 to vector<16xf32>
      %select_n3A_497 = arith.select %eq3A_494, %broadcast_in_dim3A_496, %scan3A_304#21 : vector<16xi1>, vector<16xf32>
      %sub3A_498 = arith.constant 64 : i32
      %sub3A_499 = arith.subi %scan3A_304#1, %sub3A_498 : i32
      %broadcast_in_dim3A_500 = vector.broadcast %sub3A_499 : i32 to vector<16xi32>
      %eq3A_501 = arith.cmpi eq, %iota3A, %broadcast_in_dim3A_500 : vector<16xi32>
      %jit3A_502 = arith.constant 0.000000e+00 : f32
      %broadcast_in_dim3A_503 = vector.broadcast %jit3A_502 : f32 to vector<16xf32>
      %select_n3A_504 = arith.select %eq3A_501, %broadcast_in_dim3A_503, %scan3A_304#22 : vector<16xi1>, vector<16xf32>
      %sub3A_505 = arith.constant 80 : i32
      %sub3A_506 = arith.subi %scan3A_304#1, %sub3A_505 : i32
      %broadcast_in_dim3A_507 = vector.broadcast %sub3A_506 : i32 to vector<16xi32>
      %eq3A_508 = arith.cmpi eq, %iota3A, %broadcast_in_dim3A_507 : vector<16xi32>
      %jit3A_509 = arith.constant 0.000000e+00 : f32
      %broadcast_in_dim3A_510 = vector.broadcast %jit3A_509 : f32 to vector<16xf32>
      %select_n3A_511 = arith.select %eq3A_508, %broadcast_in_dim3A_510, %scan3A_304#23 : vector<16xi1>, vector<16xf32>
      %sub3A_512 = arith.constant 96 : i32
      %sub3A_513 = arith.subi %scan3A_304#1, %sub3A_512 : i32
      %broadcast_in_dim3A_514 = vector.broadcast %sub3A_513 : i32 to vector<16xi32>
      %eq3A_515 = arith.cmpi eq, %iota3A, %broadcast_in_dim3A_514 : vector<16xi32>
      %jit3A_516 = arith.constant 0.000000e+00 : f32
      %broadcast_in_dim3A_517 = vector.broadcast %jit3A_516 : f32 to vector<16xf32>
      %select_n3A_518 = arith.select %eq3A_515, %broadcast_in_dim3A_517, %scan3A_304#24 : vector<16xi1>, vector<16xf32>
      %sub3A_519 = arith.constant 112 : i32
      %sub3A_520 = arith.subi %scan3A_304#1, %sub3A_519 : i32
      %broadcast_in_dim3A_521 = vector.broadcast %sub3A_520 : i32 to vector<16xi32>
      %eq3A_522 = arith.cmpi eq, %iota3A, %broadcast_in_dim3A_521 : vector<16xi32>
      %jit3A_523 = arith.constant 0.000000e+00 : f32
      %broadcast_in_dim3A_524 = vector.broadcast %jit3A_523 : f32 to vector<16xf32>
      %select_n3A_525 = arith.select %eq3A_522, %broadcast_in_dim3A_524, %scan3A_304#25 : vector<16xi1>, vector<16xf32>
      %sub3A_526 = arith.constant 128 : i32
      %sub3A_527 = arith.subi %scan3A_304#1, %sub3A_526 : i32
      %broadcast_in_dim3A_528 = vector.broadcast %sub3A_527 : i32 to vector<16xi32>
      %eq3A_529 = arith.cmpi eq, %iota3A, %broadcast_in_dim3A_528 : vector<16xi32>
      %jit3A_530 = arith.constant 0.000000e+00 : f32
      %broadcast_in_dim3A_531 = vector.broadcast %jit3A_530 : f32 to vector<16xf32>
      %select_n3A_532 = arith.select %eq3A_529, %broadcast_in_dim3A_531, %scan3A_304#26 : vector<16xi1>, vector<16xf32>
      %sub3A_533 = arith.constant 144 : i32
      %sub3A_534 = arith.subi %scan3A_304#1, %sub3A_533 : i32
      %broadcast_in_dim3A_535 = vector.broadcast %sub3A_534 : i32 to vector<16xi32>
      %eq3A_536 = arith.cmpi eq, %iota3A, %broadcast_in_dim3A_535 : vector<16xi32>
      %jit3A_537 = arith.constant 0.000000e+00 : f32
      %broadcast_in_dim3A_538 = vector.broadcast %jit3A_537 : f32 to vector<16xf32>
      %select_n3A_539 = arith.select %eq3A_536, %broadcast_in_dim3A_538, %scan3A_304#27 : vector<16xi1>, vector<16xf32>
      %sub3A_540 = arith.constant 160 : i32
      %sub3A_541 = arith.subi %scan3A_304#1, %sub3A_540 : i32
      %broadcast_in_dim3A_542 = vector.broadcast %sub3A_541 : i32 to vector<16xi32>
      %eq3A_543 = arith.cmpi eq, %iota3A, %broadcast_in_dim3A_542 : vector<16xi32>
      %jit3A_544 = arith.constant 0.000000e+00 : f32
      %broadcast_in_dim3A_545 = vector.broadcast %jit3A_544 : f32 to vector<16xf32>
      %select_n3A_546 = arith.select %eq3A_543, %broadcast_in_dim3A_545, %scan3A_304#28 : vector<16xi1>, vector<16xf32>
      %sub3A_547 = arith.constant 176 : i32
      %sub3A_548 = arith.subi %scan3A_304#1, %sub3A_547 : i32
      %broadcast_in_dim3A_549 = vector.broadcast %sub3A_548 : i32 to vector<16xi32>
      %eq3A_550 = arith.cmpi eq, %iota3A, %broadcast_in_dim3A_549 : vector<16xi32>
      %jit3A_551 = arith.constant 0.000000e+00 : f32
      %broadcast_in_dim3A_552 = vector.broadcast %jit3A_551 : f32 to vector<16xf32>
      %select_n3A_553 = arith.select %eq3A_550, %broadcast_in_dim3A_552, %scan3A_304#29 : vector<16xi1>, vector<16xf32>
      %sub3A_554 = arith.constant 192 : i32
      %sub3A_555 = arith.subi %scan3A_304#1, %sub3A_554 : i32
      %broadcast_in_dim3A_556 = vector.broadcast %sub3A_555 : i32 to vector<16xi32>
      %eq3A_557 = arith.cmpi eq, %iota3A, %broadcast_in_dim3A_556 : vector<16xi32>
      %jit3A_558 = arith.constant 0.000000e+00 : f32
      %broadcast_in_dim3A_559 = vector.broadcast %jit3A_558 : f32 to vector<16xf32>
      %select_n3A_560 = arith.select %eq3A_557, %broadcast_in_dim3A_559, %scan3A_304#30 : vector<16xi1>, vector<16xf32>
      %sub3A_561 = arith.constant 208 : i32
      %sub3A_562 = arith.subi %scan3A_304#1, %sub3A_561 : i32
      %broadcast_in_dim3A_563 = vector.broadcast %sub3A_562 : i32 to vector<16xi32>
      %eq3A_564 = arith.cmpi eq, %iota3A, %broadcast_in_dim3A_563 : vector<16xi32>
      %jit3A_565 = arith.constant 0.000000e+00 : f32
      %broadcast_in_dim3A_566 = vector.broadcast %jit3A_565 : f32 to vector<16xf32>
      %select_n3A_567 = arith.select %eq3A_564, %broadcast_in_dim3A_566, %scan3A_304#31 : vector<16xi1>, vector<16xf32>
      %sub3A_568 = arith.constant 224 : i32
      %sub3A_569 = arith.subi %scan3A_304#1, %sub3A_568 : i32
      %broadcast_in_dim3A_570 = vector.broadcast %sub3A_569 : i32 to vector<16xi32>
      %eq3A_571 = arith.cmpi eq, %iota3A, %broadcast_in_dim3A_570 : vector<16xi32>
      %jit3A_572 = arith.constant 0.000000e+00 : f32
      %broadcast_in_dim3A_573 = vector.broadcast %jit3A_572 : f32 to vector<16xf32>
      %select_n3A_574 = arith.select %eq3A_571, %broadcast_in_dim3A_573, %scan3A_304#32 : vector<16xi1>, vector<16xf32>
      %sub3A_575 = arith.constant 240 : i32
      %sub3A_576 = arith.subi %scan3A_304#1, %sub3A_575 : i32
      %broadcast_in_dim3A_577 = vector.broadcast %sub3A_576 : i32 to vector<16xi32>
      %eq3A_578 = arith.cmpi eq, %iota3A, %broadcast_in_dim3A_577 : vector<16xi32>
      %jit3A_579 = arith.constant 0.000000e+00 : f32
      %broadcast_in_dim3A_580 = vector.broadcast %jit3A_579 : f32 to vector<16xf32>
      %select_n3A_581 = arith.select %eq3A_578, %broadcast_in_dim3A_580, %scan3A_304#33 : vector<16xi1>, vector<16xf32>
      %eq3A_582 = arith.constant 1 : i32
      %eq3A_583 = arith.cmpi eq, %scan3A_304#34, %eq3A_582 : i32
      %convert_element_type3A_584 = arith.extui %eq3A_583 : i1 to i32
      %cond3A_585 = arith.constant 0 : i32
      %cond3A_586 = arith.cmpi ne, %convert_element_type3A_584, %cond3A_585 : i32
      scf.if %cond3A_586 {
        %scan3A_651 = arith.constant 0 : i32
        %scan3A_652 = arith.constant 0 : i32
        %scan3A_653 = arith.constant 256 : i32
        %scan3A_654 = arith.addi %scan3A_652, %scan3A_653 : i32
        %scan3A_655 = arith.constant 1 : i32
        scf.for %scan3A_657 = %scan3A_652 to %scan3A_654 step %scan3A_655  : i32 {
          %swap3A_658 = arith.index_cast %scan3A_657 : i32 to index
          %swap3A_659 = arith.constant 0 : index
          %swap3A_660 = tpu.vector_load %arg4[%swap3A_658, %swap3A_659] {strides = array<i32>} : memref<256x256xf32, #tpu.memory_space<vmem>>, vector<16xf32>,
          tpu.vector_store %arg4[%swap3A_658, %swap3A_659], %broadcast_in_dim3A_5 {strides = array<i32>} : memref<256x256xf32, #tpu.memory_space<vmem>>, vector<16xf32>,
          %swap3A_661 = arith.index_cast %scan3A_657 : i32 to index
          %swap3A_662 = arith.constant 16 : index
          %swap3A_663 = tpu.vector_load %arg4[%swap3A_661, %swap3A_662] {strides = array<i32>} : memref<256x256xf32, #tpu.memory_space<vmem>>, vector<16xf32>,
          tpu.vector_store %arg4[%swap3A_661, %swap3A_662], %broadcast_in_dim3A_5 {strides = array<i32>} : memref<256x256xf32, #tpu.memory_space<vmem>>, vector<16xf32>,
          %swap3A_664 = arith.index_cast %scan3A_657 : i32 to index
          %swap3A_665 = arith.constant 32 : index
          %swap3A_666 = tpu.vector_load %arg4[%swap3A_664, %swap3A_665] {strides = array<i32>} : memref<256x256xf32, #tpu.memory_space<vmem>>, vector<16xf32>,
          tpu.vector_store %arg4[%swap3A_664, %swap3A_665], %broadcast_in_dim3A_5 {strides = array<i32>} : memref<256x256xf32, #tpu.memory_space<vmem>>, vector<16xf32>,
          %swap3A_667 = arith.index_cast %scan3A_657 : i32 to index
          %swap3A_668 = arith.constant 48 : index
          %swap3A_669 = tpu.vector_load %arg4[%swap3A_667, %swap3A_668] {strides = array<i32>} : memref<256x256xf32, #tpu.memory_space<vmem>>, vector<16xf32>,
          tpu.vector_store %arg4[%swap3A_667, %swap3A_668], %broadcast_in_dim3A_5 {strides = array<i32>} : memref<256x256xf32, #tpu.memory_space<vmem>>, vector<16xf32>,
          %swap3A_670 = arith.index_cast %scan3A_657 : i32 to index
          %swap3A_671 = arith.constant 64 : index
          %swap3A_672 = tpu.vector_load %arg4[%swap3A_670, %swap3A_671] {strides = array<i32>} : memref<256x256xf32, #tpu.memory_space<vmem>>, vector<16xf32>,
          tpu.vector_store %arg4[%swap3A_670, %swap3A_671], %broadcast_in_dim3A_5 {strides = array<i32>} : memref<256x256xf32, #tpu.memory_space<vmem>>, vector<16xf32>,
          %swap3A_673 = arith.index_cast %scan3A_657 : i32 to index
          %swap3A_674 = arith.constant 80 : index
          %swap3A_675 = tpu.vector_load %arg4[%swap3A_673, %swap3A_674] {strides = array<i32>} : memref<256x256xf32, #tpu.memory_space<vmem>>, vector<16xf32>,
          tpu.vector_store %arg4[%swap3A_673, %swap3A_674], %broadcast_in_dim3A_5 {strides = array<i32>} : memref<256x256xf32, #tpu.memory_space<vmem>>, vector<16xf32>,
          %swap3A_676 = arith.index_cast %scan3A_657 : i32 to index
          %swap3A_677 = arith.constant 96 : index
          %swap3A_678 = tpu.vector_load %arg4[%swap3A_676, %swap3A_677] {strides = array<i32>} : memref<256x256xf32, #tpu.memory_space<vmem>>, vector<16xf32>,
          tpu.vector_store %arg4[%swap3A_676, %swap3A_677], %broadcast_in_dim3A_5 {strides = array<i32>} : memref<256x256xf32, #tpu.memory_space<vmem>>, vector<16xf32>,
          %swap3A_679 = arith.index_cast %scan3A_657 : i32 to index
          %swap3A_680 = arith.constant 112 : index
          %swap3A_681 = tpu.vector_load %arg4[%swap3A_679, %swap3A_680] {strides = array<i32>} : memref<256x256xf32, #tpu.memory_space<vmem>>, vector<16xf32>,
          tpu.vector_store %arg4[%swap3A_679, %swap3A_680], %broadcast_in_dim3A_5 {strides = array<i32>} : memref<256x256xf32, #tpu.memory_space<vmem>>, vector<16xf32>,
          %swap3A_682 = arith.index_cast %scan3A_657 : i32 to index
          %swap3A_683 = arith.constant 128 : index
          %swap3A_684 = tpu.vector_load %arg4[%swap3A_682, %swap3A_683] {strides = array<i32>} : memref<256x256xf32, #tpu.memory_space<vmem>>, vector<16xf32>,
          tpu.vector_store %arg4[%swap3A_682, %swap3A_683], %broadcast_in_dim3A_5 {strides = array<i32>} : memref<256x256xf32, #tpu.memory_space<vmem>>, vector<16xf32>,
          %swap3A_685 = arith.index_cast %scan3A_657 : i32 to index
          %swap3A_686 = arith.constant 144 : index
          %swap3A_687 = tpu.vector_load %arg4[%swap3A_685, %swap3A_686] {strides = array<i32>} : memref<256x256xf32, #tpu.memory_space<vmem>>, vector<16xf32>,
          tpu.vector_store %arg4[%swap3A_685, %swap3A_686], %broadcast_in_dim3A_5 {strides = array<i32>} : memref<256x256xf32, #tpu.memory_space<vmem>>, vector<16xf32>,
          %swap3A_688 = arith.index_cast %scan3A_657 : i32 to index
          %swap3A_689 = arith.constant 160 : index
          %swap3A_690 = tpu.vector_load %arg4[%swap3A_688, %swap3A_689] {strides = array<i32>} : memref<256x256xf32, #tpu.memory_space<vmem>>, vector<16xf32>,
          tpu.vector_store %arg4[%swap3A_688, %swap3A_689], %broadcast_in_dim3A_5 {strides = array<i32>} : memref<256x256xf32, #tpu.memory_space<vmem>>, vector<16xf32>,
          %swap3A_691 = arith.index_cast %scan3A_657 : i32 to index
          %swap3A_692 = arith.constant 176 : index
          %swap3A_693 = tpu.vector_load %arg4[%swap3A_691, %swap3A_692] {strides = array<i32>} : memref<256x256xf32, #tpu.memory_space<vmem>>, vector<16xf32>,
          tpu.vector_store %arg4[%swap3A_691, %swap3A_692], %broadcast_in_dim3A_5 {strides = array<i32>} : memref<256x256xf32, #tpu.memory_space<vmem>>, vector<16xf32>,
          %swap3A_694 = arith.index_cast %scan3A_657 : i32 to index
          %swap3A_695 = arith.constant 192 : index
          %swap3A_696 = tpu.vector_load %arg4[%swap3A_694, %swap3A_695] {strides = array<i32>} : memref<256x256xf32, #tpu.memory_space<vmem>>, vector<16xf32>,
          tpu.vector_store %arg4[%swap3A_694, %swap3A_695], %broadcast_in_dim3A_5 {strides = array<i32>} : memref<256x256xf32, #tpu.memory_space<vmem>>, vector<16xf32>,
          %swap3A_697 = arith.index_cast %scan3A_657 : i32 to index
          %swap3A_698 = arith.constant 208 : index
          %swap3A_699 = tpu.vector_load %arg4[%swap3A_697, %swap3A_698] {strides = array<i32>} : memref<256x256xf32, #tpu.memory_space<vmem>>, vector<16xf32>,
          tpu.vector_store %arg4[%swap3A_697, %swap3A_698], %broadcast_in_dim3A_5 {strides = array<i32>} : memref<256x256xf32, #tpu.memory_space<vmem>>, vector<16xf32>,
          %swap3A_700 = arith.index_cast %scan3A_657 : i32 to index
          %swap3A_701 = arith.constant 224 : index
          %swap3A_702 = tpu.vector_load %arg4[%swap3A_700, %swap3A_701] {strides = array<i32>} : memref<256x256xf32, #tpu.memory_space<vmem>>, vector<16xf32>,
          tpu.vector_store %arg4[%swap3A_700, %swap3A_701], %broadcast_in_dim3A_5 {strides = array<i32>} : memref<256x256xf32, #tpu.memory_space<vmem>>, vector<16xf32>,
          %swap3A_703 = arith.index_cast %scan3A_657 : i32 to index
          %swap3A_704 = arith.constant 240 : index
          %swap3A_705 = tpu.vector_load %arg4[%swap3A_703, %swap3A_704] {strides = array<i32>} : memref<256x256xf32, #tpu.memory_space<vmem>>, vector<16xf32>,
          tpu.vector_store %arg4[%swap3A_703, %swap3A_704], %broadcast_in_dim3A_5 {strides = array<i32>} : memref<256x256xf32, #tpu.memory_space<vmem>>, vector<16xf32>,
        }
        %scan3A_656 = arith.constant 256 : i32
      } else {
      }
      %get3A_587 = arith.constant 0 : index
      %get3A_588 = tpu.vector_load %arg6[%get3A_587] {strides = array<i32>} : memref<256xi32, #tpu.memory_space<vmem>>, vector<16xi32>,
      %get3A_589 = arith.constant 0 : index
      %get3A_590 = tpu.vector_load %arg7[%get3A_589] {strides = array<i32>} : memref<256xi32, #tpu.memory_space<vmem>>, vector<16xi32>,
      tpu.vector_store_idx %arg4[%get3A_588, %get3A_590], %broadcast_in_dim3A_7 : memref<256x256xf32, #tpu.memory_space<vmem>>[vector<16xi32>, vector<16xi32>], vector<16xf32>,
      %get3A_591 = arith.constant 16 : index
      %get3A_592 = tpu.vector_load %arg6[%get3A_591] {strides = array<i32>} : memref<256xi32, #tpu.memory_space<vmem>>, vector<16xi32>,
      %get3A_593 = arith.constant 16 : index
      %get3A_594 = tpu.vector_load %arg7[%get3A_593] {strides = array<i32>} : memref<256xi32, #tpu.memory_space<vmem>>, vector<16xi32>,
      tpu.vector_store_idx %arg4[%get3A_592, %get3A_594], %broadcast_in_dim3A_7 : memref<256x256xf32, #tpu.memory_space<vmem>>[vector<16xi32>, vector<16xi32>], vector<16xf32>,
      %get3A_595 = arith.constant 32 : index
      %get3A_596 = tpu.vector_load %arg6[%get3A_595] {strides = array<i32>} : memref<256xi32, #tpu.memory_space<vmem>>, vector<16xi32>,
      %get3A_597 = arith.constant 32 : index
      %get3A_598 = tpu.vector_load %arg7[%get3A_597] {strides = array<i32>} : memref<256xi32, #tpu.memory_space<vmem>>, vector<16xi32>,
      tpu.vector_store_idx %arg4[%get3A_596, %get3A_598], %broadcast_in_dim3A_7 : memref<256x256xf32, #tpu.memory_space<vmem>>[vector<16xi32>, vector<16xi32>], vector<16xf32>,
      %get3A_599 = arith.constant 48 : index
      %get3A_600 = tpu.vector_load %arg6[%get3A_599] {strides = array<i32>} : memref<256xi32, #tpu.memory_space<vmem>>, vector<16xi32>,
      %get3A_601 = arith.constant 48 : index
      %get3A_602 = tpu.vector_load %arg7[%get3A_601] {strides = array<i32>} : memref<256xi32, #tpu.memory_space<vmem>>, vector<16xi32>,
      tpu.vector_store_idx %arg4[%get3A_600, %get3A_602], %broadcast_in_dim3A_7 : memref<256x256xf32, #tpu.memory_space<vmem>>[vector<16xi32>, vector<16xi32>], vector<16xf32>,
      %get3A_603 = arith.constant 64 : index
      %get3A_604 = tpu.vector_load %arg6[%get3A_603] {strides = array<i32>} : memref<256xi32, #tpu.memory_space<vmem>>, vector<16xi32>,
      %get3A_605 = arith.constant 64 : index
      %get3A_606 = tpu.vector_load %arg7[%get3A_605] {strides = array<i32>} : memref<256xi32, #tpu.memory_space<vmem>>, vector<16xi32>,
      tpu.vector_store_idx %arg4[%get3A_604, %get3A_606], %broadcast_in_dim3A_7 : memref<256x256xf32, #tpu.memory_space<vmem>>[vector<16xi32>, vector<16xi32>], vector<16xf32>,
      %get3A_607 = arith.constant 80 : index
      %get3A_608 = tpu.vector_load %arg6[%get3A_607] {strides = array<i32>} : memref<256xi32, #tpu.memory_space<vmem>>, vector<16xi32>,
      %get3A_609 = arith.constant 80 : index
      %get3A_610 = tpu.vector_load %arg7[%get3A_609] {strides = array<i32>} : memref<256xi32, #tpu.memory_space<vmem>>, vector<16xi32>,
      tpu.vector_store_idx %arg4[%get3A_608, %get3A_610], %broadcast_in_dim3A_7 : memref<256x256xf32, #tpu.memory_space<vmem>>[vector<16xi32>, vector<16xi32>], vector<16xf32>,
      %get3A_611 = arith.constant 96 : index
      %get3A_612 = tpu.vector_load %arg6[%get3A_611] {strides = array<i32>} : memref<256xi32, #tpu.memory_space<vmem>>, vector<16xi32>,
      %get3A_613 = arith.constant 96 : index
      %get3A_614 = tpu.vector_load %arg7[%get3A_613] {strides = array<i32>} : memref<256xi32, #tpu.memory_space<vmem>>, vector<16xi32>,
      tpu.vector_store_idx %arg4[%get3A_612, %get3A_614], %broadcast_in_dim3A_7 : memref<256x256xf32, #tpu.memory_space<vmem>>[vector<16xi32>, vector<16xi32>], vector<16xf32>,
      %get3A_615 = arith.constant 112 : index
      %get3A_616 = tpu.vector_load %arg6[%get3A_615] {strides = array<i32>} : memref<256xi32, #tpu.memory_space<vmem>>, vector<16xi32>,
      %get3A_617 = arith.constant 112 : index
      %get3A_618 = tpu.vector_load %arg7[%get3A_617] {strides = array<i32>} : memref<256xi32, #tpu.memory_space<vmem>>, vector<16xi32>,
      tpu.vector_store_idx %arg4[%get3A_616, %get3A_618], %broadcast_in_dim3A_7 : memref<256x256xf32, #tpu.memory_space<vmem>>[vector<16xi32>, vector<16xi32>], vector<16xf32>,
      %get3A_619 = arith.constant 128 : index
      %get3A_620 = tpu.vector_load %arg6[%get3A_619] {strides = array<i32>} : memref<256xi32, #tpu.memory_space<vmem>>, vector<16xi32>,
      %get3A_621 = arith.constant 128 : index
      %get3A_622 = tpu.vector_load %arg7[%get3A_621] {strides = array<i32>} : memref<256xi32, #tpu.memory_space<vmem>>, vector<16xi32>,
      tpu.vector_store_idx %arg4[%get3A_620, %get3A_622], %broadcast_in_dim3A_7 : memref<256x256xf32, #tpu.memory_space<vmem>>[vector<16xi32>, vector<16xi32>], vector<16xf32>,
      %get3A_623 = arith.constant 144 : index
      %get3A_624 = tpu.vector_load %arg6[%get3A_623] {strides = array<i32>} : memref<256xi32, #tpu.memory_space<vmem>>, vector<16xi32>,
      %get3A_625 = arith.constant 144 : index
      %get3A_626 = tpu.vector_load %arg7[%get3A_625] {strides = array<i32>} : memref<256xi32, #tpu.memory_space<vmem>>, vector<16xi32>,
      tpu.vector_store_idx %arg4[%get3A_624, %get3A_626], %broadcast_in_dim3A_7 : memref<256x256xf32, #tpu.memory_space<vmem>>[vector<16xi32>, vector<16xi32>], vector<16xf32>,
      %get3A_627 = arith.constant 160 : index
      %get3A_628 = tpu.vector_load %arg6[%get3A_627] {strides = array<i32>} : memref<256xi32, #tpu.memory_space<vmem>>, vector<16xi32>,
      %get3A_629 = arith.constant 160 : index
      %get3A_630 = tpu.vector_load %arg7[%get3A_629] {strides = array<i32>} : memref<256xi32, #tpu.memory_space<vmem>>, vector<16xi32>,
      tpu.vector_store_idx %arg4[%get3A_628, %get3A_630], %broadcast_in_dim3A_7 : memref<256x256xf32, #tpu.memory_space<vmem>>[vector<16xi32>, vector<16xi32>], vector<16xf32>,
      %get3A_631 = arith.constant 176 : index
      %get3A_632 = tpu.vector_load %arg6[%get3A_631] {strides = array<i32>} : memref<256xi32, #tpu.memory_space<vmem>>, vector<16xi32>,
      %get3A_633 = arith.constant 176 : index
      %get3A_634 = tpu.vector_load %arg7[%get3A_633] {strides = array<i32>} : memref<256xi32, #tpu.memory_space<vmem>>, vector<16xi32>,
      tpu.vector_store_idx %arg4[%get3A_632, %get3A_634], %broadcast_in_dim3A_7 : memref<256x256xf32, #tpu.memory_space<vmem>>[vector<16xi32>, vector<16xi32>], vector<16xf32>,
      %get3A_635 = arith.constant 192 : index
      %get3A_636 = tpu.vector_load %arg6[%get3A_635] {strides = array<i32>} : memref<256xi32, #tpu.memory_space<vmem>>, vector<16xi32>,
      %get3A_637 = arith.constant 192 : index
      %get3A_638 = tpu.vector_load %arg7[%get3A_637] {strides = array<i32>} : memref<256xi32, #tpu.memory_space<vmem>>, vector<16xi32>,
      tpu.vector_store_idx %arg4[%get3A_636, %get3A_638], %broadcast_in_dim3A_7 : memref<256x256xf32, #tpu.memory_space<vmem>>[vector<16xi32>, vector<16xi32>], vector<16xf32>,
      %get3A_639 = arith.constant 208 : index
      %get3A_640 = tpu.vector_load %arg6[%get3A_639] {strides = array<i32>} : memref<256xi32, #tpu.memory_space<vmem>>, vector<16xi32>,
      %get3A_641 = arith.constant 208 : index
      %get3A_642 = tpu.vector_load %arg7[%get3A_641] {strides = array<i32>} : memref<256xi32, #tpu.memory_space<vmem>>, vector<16xi32>,
      tpu.vector_store_idx %arg4[%get3A_640, %get3A_642], %broadcast_in_dim3A_7 : memref<256x256xf32, #tpu.memory_space<vmem>>[vector<16xi32>, vector<16xi32>], vector<16xf32>,
      %get3A_643 = arith.constant 224 : index
      %get3A_644 = tpu.vector_load %arg6[%get3A_643] {strides = array<i32>} : memref<256xi32, #tpu.memory_space<vmem>>, vector<16xi32>,
      %get3A_645 = arith.constant 224 : index
      %get3A_646 = tpu.vector_load %arg7[%get3A_645] {strides = array<i32>} : memref<256xi32, #tpu.memory_space<vmem>>, vector<16xi32>,
      tpu.vector_store_idx %arg4[%get3A_644, %get3A_646], %broadcast_in_dim3A_7 : memref<256x256xf32, #tpu.memory_space<vmem>>[vector<16xi32>, vector<16xi32>], vector<16xf32>,
      %get3A_647 = arith.constant 240 : index
      %get3A_648 = tpu.vector_load %arg6[%get3A_647] {strides = array<i32>} : memref<256xi32, #tpu.memory_space<vmem>>, vector<16xi32>,
      %get3A_649 = arith.constant 240 : index
      %get3A_650 = tpu.vector_load %arg7[%get3A_649] {strides = array<i32>} : memref<256xi32, #tpu.memory_space<vmem>>, vector<16xi32>,
      tpu.vector_store_idx %arg4[%get3A_648, %get3A_650], %broadcast_in_dim3A_7 : memref<256x256xf32, #tpu.memory_space<vmem>>[vector<16xi32>, vector<16xi32>], vector<16xf32>,
      "tpu.region"() ({
        %run_scoped3A = tpu.sem_alloc : memref<!tpu.dma_semaphore, #tpu.memory_space<semaphore_mem>>
        %dma_start3A = arith.constant 0 : i32
        %dma_start3A_651 = arith.constant 0 : i32
        %dma_start3A_652 = tpu.memref_slice %arg3[%add3A, %dma_start3A, %dma_start3A_651] : memref<16x256x256xf32, #tpu.memory_space<hbm>> -> memref<1x256x256xf32, #tpu.memory_space<hbm>>
        %dma_start3A_653 = tpu.memref_squeeze %dma_start3A_652 : memref<1x256x256xf32, #tpu.memory_space<hbm>> -> memref<256x256xf32, #tpu.memory_space<hbm>>
        %dma_start3A_654 = arith.constant 0 : i32
        %dma_start3A_655 = arith.constant 0 : i32
        %dma_start3A_656 = tpu.memref_slice %arg3[%add3A, %dma_start3A_654, %dma_start3A_655] : memref<16x256x256xf32, #tpu.memory_space<hbm>> -> memref<1x256x256xf32, #tpu.memory_space<hbm>>
        %dma_start3A_657 = tpu.memref_squeeze %dma_start3A_656 : memref<1x256x256xf32, #tpu.memory_space<hbm>> -> memref<256x256xf32, #tpu.memory_space<hbm>>
        tpu.enqueue_dma source(%arg4 : memref<256x256xf32, #tpu.memory_space<vmem>>) target(%dma_start3A_657 : memref<256x256xf32, #tpu.memory_space<hbm>>) target_semaphore(%run_scoped3A : memref<!tpu.dma_semaphore, #tpu.memory_space<semaphore_mem>>)
        %dma_wait3A = arith.constant 0 : i32
        %dma_wait3A_658 = arith.constant 0 : i32
        %dma_wait3A_659 = tpu.memref_slice %arg3[%add3A, %dma_wait3A, %dma_wait3A_658] : memref<16x256x256xf32, #tpu.memory_space<hbm>> -> memref<1x256x256xf32, #tpu.memory_space<hbm>>
        %dma_wait3A_660 = tpu.memref_squeeze %dma_wait3A_659 : memref<1x256x256xf32, #tpu.memory_space<hbm>> -> memref<256x256xf32, #tpu.memory_space<hbm>>
        %dma_wait3A_661 = arith.constant 0 : i32
        %dma_wait3A_662 = arith.constant 0 : i32
        %dma_wait3A_663 = tpu.memref_slice %arg3[%add3A, %dma_wait3A_661, %dma_wait3A_662] : memref<16x256x256xf32, #tpu.memory_space<hbm>> -> memref<1x256x256xf32, #tpu.memory_space<hbm>>
        %dma_wait3A_664 = tpu.memref_squeeze %dma_wait3A_663 : memref<1x256x256xf32, #tpu.memory_space<hbm>> -> memref<256x256xf32, #tpu.memory_space<hbm>>
        tpu.wait_dma2 semaphore(%run_scoped3A : memref<!tpu.dma_semaphore, #tpu.memory_space<semaphore_mem>>) src(%arg4 : memref<256x256xf32, #tpu.memory_space<vmem>>) dst(%dma_wait3A_664 : memref<256x256xf32, #tpu.memory_space<hbm>>)
        tpu.yield
      }) : () -> ()
    } else {
    }
    return
  }
}

</mosaic_0001>

<sc_bundles>
// kernel: kernel.3.cloned.1.call-start
scs
__scs_entry_jumppad:
0x0: {  	(pc) =	sbr.rel $0x88, $3  }
0x1: {  	(tag) =	ssettag $0x0;
	lr =	simm.s32 $0x1  }
0x2: {  	[smem:$0x3FA0] =	sst lr;
	_ =	strace $0xD0000000  }
0x3: {  	_ = 	snop  }
0x4: {  	_ = 	snop  }
0x5: {  	_ = 	snop  }
0x6: {  	_ = 	snop  }
0x7: {  	_ = 	snop  }
__scs_overlays_trampoline_lowered:
0x8: {  	[smem:$0x3FAF] =	sst s0  }
0x9: {  	[smem:$0x3FB0] =	sst s1  }
0xa: {  	[smem:$0x3FB1] =	sst s2  }
0xb: {  	[smem:$0x3FB2] =	sst s3  }
0xc: {  	[smem:$0x3FB3] =	sst s4  }
0xd: {  	[smem:$0x3FB4] =	sst s5  }
0xe: {  	[smem:$0x3FB5] =	sst s6  }
0xf: {  	[smem:$0x3FB6] =	sst s7  }
0x10: {  	[smem:$0x3FB7] =	sst s8  }
0x11: {  	[smem:$0x3FB8] =	sst s9;
	s0 =	simm.s32 @!p0 $0x0  }
0x12: {  	s1 =	sld [smem:$0x3F9E];
	s0 =	simm.s32 @p0 $0x1  }
0x13: {  	[smem:$0x3FB9] =	sst s0;
	s0 =	simm.s32 @!p1 $0x0  }
0x14: {  	s2 =	sld [smem:$0x3F9D];
	s0 =	simm.s32 @p1 $0x1  }
0x15: {  	[smem:$0x3FBA] =	sst s0;
	s0 =	simm.s32 @!p2 $0x0  }
0x16: {  	s3 =	sld [smem:$0x3FDB];
	s0 =	simm.s32 @p2 $0x1  }
0x17: {  	s4 =	simm.s32 $0x1BF5;
	[smem:$0x3FBC] =	sst s0  }
0x18: {  	s0 =	sld [smem:$0x3F9F];
	_ =	swait.ge [sflag:s4], $0x0  }
0x19: {  	s7 =	sld [smem:$0x3FA0]  }
0x1a: {  	s8 =	sadd.s32 $0xFFFFE003, lr  }
0x1b: {  	s9 =	sadd.s32 $0xFFFFFEF7, lr;
	s5 =	simm.s32 $0xFFFFFFFF;
	p2 =	slt.u32 s8, $0xFFFFF086  }
0x1c: {  	p1 =	slt.u32 s9, $0xF7A;
	s5 =	simm.s32 @!p2 $0x0  }
0x1d: {  	s5 =	simm.s32 @p1 $0x1;
	p0 =	seq.s32 s7, s2  }
0x1e: {  	s7 =	smul.u32 @!p0 $0xF7A, s2;
	p2 =	seq.s32 @!p0 s5, $0x0  }
0x1f: {  	s9 =	smul.u32 $0xF7A, s1;
	s8 =	simm.s32 @!p0 $0x1BF5;
	p2 =	por !p2, p0  }
0x20: {  	[sflag:s8] =	ssyncset.s32 @!p0 $0xFFFFF086;
	s6 =	sadd.s32 @!p0 s3, s7;
	s7 =	simm.s32 @!p0 $0x108  }
0x21: {  	s3 =	sadd.s32 s3, s9;
	s6 =	sadd.s32 @!p0 $0x88, s6;
	s7 =	simm.s32 @p2 $0x1082  }
0x22: {  	[simem:s7], [sflag:s8] =	dma.local @!p0 [hbm:s6], $0xF7A  }
0x23: {  	s9 =	sor.u32 $0xD0000000, s2;
	s6 =	simm.s32 $0x108;
	_ =	swait.ge @!p0 [sflag:s8], $0x0  }
0x24: {  	s3 =	sadd.s32 $0x88, s3;
	s6 =	simm.s32 @!p1 $0x1082;
	[sflag:s4] =	ssyncset.s32 $0xFFFFF086  }
0x25: {  	[simem:s6], [sflag:s4] =	dma.local [hbm:s3], $0xF7A  }
0x26: {  	[smem:$0x3FA0] =	sst s1;
	(tag) =	ssettag s2;
	_ =	strace s9  }
0x27: {  	s1 =	sld [smem:$0x3FB0]  }
0x28: {  	s2 =	sld [smem:$0x3FB1]  }
0x29: {  	s4 =	sld [smem:$0x3FB3]  }
0x2a: {  	p0 =	seq.s32 s5, $0x0;
	s5 =	sld [smem:$0x3FB4]  }
0x2b: {  	s6 =	sld [smem:$0x3FB5]  }
0x2c: {  	s7 =	sld [smem:$0x3FB6]  }
0x2d: {  	s3 =	simm.s32 $0x108;
	s8 =	sld [smem:$0x3FB7]  }
0x2e: {  	s3 =	simm.s32 @!p0 $0x1082;
	s9 =	sld [smem:$0x3FB8]  }
0x2f: {  	lr =	sadd.s32 s0, s3;
	s0 =	sld [smem:$0x3FAF]  }
0x30: {  	s3 =	sld [smem:$0x3FB2]  }
0x31: {  	[smem:$0x3FBB] =	sst s10  }
0x32: {  	s10 =	sld [smem:$0x3FB9];
	_ =	sdelay $0x3  }
0x33: {  	p0 =	seq.s32 s10, $0x1;
	s10 =	sld [smem:$0x3FBB];
	_ =	sdelay $0x3  }
0x34: {  	[smem:$0x3FBB] =	sst s10  }
0x35: {  	s10 =	sld [smem:$0x3FBA];
	_ =	sdelay $0x3  }
0x36: {  	p1 =	seq.s32 s10, $0x1;
	s10 =	sld [smem:$0x3FBB];
	_ =	sdelay $0x3  }
0x37: {  	[smem:$0x3FBB] =	sst s10  }
0x38: {  	s10 =	sld [smem:$0x3FBC]  }
0x39: {  	_ = 	snop;
	(pc) =	sbr.ind lr, $3  }
0x3a: {  	_ = 	snop  }
0x3b: {  	_ = 	snop  }
0x3c: {  	p2 =	seq.s32 s10, $0x1;
	s10 =	sld [smem:$0x3FBB]  }
0x3d: {  	_ =	shalt  }
0x3e: {  	_ =	shalt  }
0x3f: {  	_ =	shalt  }
0x40: {  	_ =	shalt  }
0x41: {  	_ =	shalt  }
0x42: {  	_ =	shalt  }
0x43: {  	_ =	shalt  }
0x44: {  	_ =	shalt  }
0x45: {  	_ =	shalt  }
0x46: {  	_ =	shalt  }
0x47: {  	_ =	shalt  }
0x48: {  	_ =	shalt  }
0x49: {  	_ =	shalt  }
0x4a: {  	_ =	shalt  }
0x4b: {  	_ =	shalt  }
0x4c: {  	_ =	shalt  }
0x4d: {  	_ =	shalt  }
0x4e: {  	_ =	shalt  }
0x4f: {  	_ =	shalt  }
0x50: {  	_ =	shalt  }
0x51: {  	_ =	shalt  }
0x52: {  	_ =	shalt  }
0x53: {  	_ =	shalt  }
0x54: {  	_ =	shalt  }
0x55: {  	_ =	shalt  }
0x56: {  	_ =	shalt  }
0x57: {  	_ =	shalt  }
0x58: {  	_ =	shalt  }
0x59: {  	_ =	shalt  }
0x5a: {  	_ =	shalt  }
0x5b: {  	_ =	shalt  }
0x5c: {  	_ =	shalt  }
0x5d: {  	_ =	shalt  }
0x5e: {  	_ =	shalt  }
0x5f: {  	_ =	shalt  }
0x60: {  	_ =	shalt  }
0x61: {  	_ =	shalt  }
0x62: {  	_ =	shalt  }
0x63: {  	_ =	shalt  }
0x64: {  	_ =	shalt  }
0x65: {  	_ =	shalt  }
0x66: {  	_ =	shalt  }
0x67: {  	_ =	shalt  }
0x68: {  	_ =	shalt  }
0x69: {  	_ =	shalt  }
0x6a: {  	_ =	shalt  }
0x6b: {  	_ =	shalt  }
0x6c: {  	_ =	shalt  }
0x6d: {  	_ =	shalt  }
0x6e: {  	_ =	shalt  }
0x6f: {  	_ =	shalt  }
0x70: {  	_ =	shalt  }
0x71: {  	_ =	shalt  }
0x72: {  	_ =	shalt  }
0x73: {  	_ =	shalt  }
0x74: {  	_ =	shalt  }
0x75: {  	_ =	shalt  }
0x76: {  	_ =	shalt  }
0x77: {  	_ =	shalt  }
0x78: {  	_ =	shalt  }
0x79: {  	_ =	shalt  }
0x7a: {  	_ =	shalt  }
0x7b: {  	_ =	shalt  }
0x7c: {  	_ =	shalt  }
0x7d: {  	_ =	shalt  }
0x7e: {  	_ =	shalt  }
0x7f: {  	_ =	shalt  }
0x80: {  	_ =	shalt  }
0x81: {  	_ =	shalt  }
0x82: {  	_ =	shalt  }
0x83: {  	_ =	shalt  }
0x84: {  	_ =	shalt  }
0x85: {  	_ =	shalt  }
0x86: {  	_ =	shalt  }
0x87: {  	_ =	shalt  }
.Lfunc_end0:
.L_simem_size_0:
called_computation_lowered:
.L_overlay_start_0:
0x88: {  	s2 =	sld [smem:$0x3FD9]  }
0x89: {  	s3 =	sld [smem:$0x3FFE];
	_ =	sdelay $0x1  }
0x8a: {  	s1 =	srdreg.scid  }
0x8b: {  	s0 =	sand.u32 $0x1, s1  }
0x8c: {  	s18 =	sshll.u32 s0, $0xA;
	s2 =	sadd.s32 s3, s2  }
0x8d: {  	s2 =	sadd.s32 s2, s18  }
0x8e: {  	[smem:$0x3FC7] =	sst s2  }
0x8f: {  	_ = 	snop  }
0x90: {  	s2 =	sld [smem:$0x3FC9]  }
0x91: {  	s19 =	sld [smem:$0x3FD0];
	(tm) =	ssettm $0x1  }
0x92: {  	s4 =	sld [smem:$0x3FFB];
	_ =	sdelay $0x3  }
0x93: {  	_ =	strace s4  }
0x94: {  	s4 =	sld [smem:$0x3FFC];
	_ =	sdelay $0x3  }
0x95: {  	_ =	strace s4  }
0x96: {  	s4 =	sld [smem:$0x3FFD];
	_ =	sdelay $0x3  }
0x97: {  	_ =	strace s4  }
0x98: {  	_ =	strace $0x8FFFFFFF  }
0x99: {  	s20 =	sld [smem:$0x3FDB];
	_ =	sdelay $0x1  }
0x9a: {  	s5 =	simm.s32 $_scs_section_size  }
0x9b: {  	s6 =	simm.s32 $_size__tile_overlayer_lowered;
	s7 =	simm.s32 $_tile_overlayer_lowered  }
0x9c: {  	s23 =	simm.s32 $0x1BFF;
	s22 =	sshll.u32 s7, $0x1;
	s4 =	sadd.s32 s5, s20  }
0x9d: {  	s8 =	simm.s32 $0x0;
	s21 =	sshll.u32 s6, $0x1;
	s6 =	sadd.s32 s22, s4  }
0x9e: {  	[timem:s8], [sflag:s23] =	dma.local [hbm:s6], s21  }
0x9f: {  	_ =	swait.ge [sflag:s23], s21  }
0xa0: {  	s5 =	ssub.s32 $0x0, s21;
	[sflag:s23] =	ssyncset.done $0x0  }
0xa1: {  	[sflag:s23] =	ssyncadd.s32 s5;
	_ =	sdelay $0x1  }
0xa2: {  	s24 =	simm.s32 $0x1B8B  }
0xa3: {  	_ =	swait.ge [sflag:s24], $0x1  }
0xa4: {  	[sflag:s24] =	ssyncset.done $0x0  }
0xa5: {  	s25 =	simm.s32 $0x1B8E;
	[sflag:s24] =	ssyncadd.s32 $0xFFFFFFFF  }
0xa6: {  	s26 =	simm.s32 $execute0_lowered;
	[smem:$0x3FD2] =	sst s25  }
0xa7: {  	s5 =	sshll.u32 s26, $0x1;
	_ =	strace $0x80000046;
	[dreg:$0x1] =	wrdreg $0xFFFFFFFF  }
0xa8: {  	s28 =	simm.s32 $_size_execute0_lowered;
	s4 =	sadd.s32 s4, s5;
	[dreg:$0x0] =	wrdreg $0x0  }
0xa9: {  	s5 =	sshll.u32 s28, $0x1;
	[dreg:$0x2] =	wrdreg s4  }
0xaa: {  	[dreg:$0x3] =	wrdreg s5  }
0xab: {  	[dreg:$0x4] =	wrdreg $0xC0  }
0xac: {  	_ =	task [dreg:s8], $0x5FFFF  }
0xad: {  	[dreg:$0x1] =	wrdreg $0xFFFFFFFF  }
0xae: {  	[dreg:$0x0] =	wrdreg $0x60  }
0xaf: {  	[dreg:$0x2] =	wrdreg s2  }
0xb0: {  	[dreg:$0x3] =	wrdreg s19  }
0xb1: {  	[dreg:$0x4] =	wrdreg $0x9  }
0xb2: {  	_ =	task.clear_ibuf [dreg:s8], $0x5FFFF;
	_ =	strace $0x90000046  }
0xb3: {  	s29 =	simm.s32 $0x9;
	_ =	strace $0x80000048  }
0xb4: {  	_ =	swait.ge [sflag:s29], $0x1  }
0xb5: {  	[sflag:s29] =	ssyncadd.s32 $0xFFFFFFFF  }
0xb6: {  	_ =	strace $0x90000048  }
0xb7: {  	_ =	sfence  }
0xb8: {  	s30 =	sld [smem:$0x0];
	_ =	sdelay $0x2  }
0xb9: {  	s31 =	sshll.u32 s1, $0xD;
	s1 =	sshrl.u32 s1, $0x2  }
0xba: {  	s3 =	sand.u32 $0x4000, s31;
	s1 =	sadd.s32 s1, s30  }
0xbb: {  	s0 =	sor.u32 s3, s0;
	s1 =	sshll.u32 s1, $0x11  }
0xbc: {  	s0 =	sor.u32 s1, s0  }
0xbd: {  	s0 =	sadd.s32 $0x8F2B, s0  }
0xbe: {  	[sflag:s0] =	ssyncadd.remote.s32 $0x1  }
0xbf: {  	_ =	sfence.sel $0xFFFF  }
0xc0: {  	[dreg:$0x0] =	wrdreg $0xFFFFFFFF;
	(pc) =	sbr.abs _section_cstart, $3  }
0xc1: {  	[dreg:$0x1] =	wrdreg $0xFFFFFFFF  }
0xc2: {  	_ =	task.clear_ibuf [dreg:s8], $0x2FFFF;
	_ =	strace $0x9FFFFFFF  }
0xc3: {  	(tm) =	ssettm $0x7FFFFFFF  }
tec
execute0_lowered:
.L_overlay_start_1:
0x0: {  	(tag) =	ssettag $0x1  }
0x1: {  	s1 =	stileid.u32  }
0x2: {  	p0 =	sgt.u32 s1, $0x7  }
.Ltmp0:
0x3: {  	_ = 	snop;
	(pc) =	sbr.rel @p0 .LBB2_17-.Ltmp0, $4  }
0x4: {  	s4 =	rddreg [dreg:$0x0]  }
0x5: {  	s3 =	rddreg [dreg:$0x1];
	s2 =	simm.s32 $0x0  }
0x6: {  	[smem:$0x7FF] =	sst s2  }
0x7: {  	s0 =	rddreg [dreg:$0x2];
	_ =	strace $0x80000047  }
0x8: {  	s5 =	srdreg.scid;
	s6 =	sshll.u32 s1, $0xE  }
.Ltmp1:
0x9: {  	v0 =	vimm.s32 $0x0;
	s8 =	simm.s32 $0x10100;
	s5 =	sand.u32 $0x1, s5;
	(pc) =	sbr.rel .LBB2_2-.Ltmp1, $4  }
0xa: {  	v1 =	vimm.s32 $0x20;
	v2 =	vimm.s32 $0x40;
	v3 =	vimm.s32 $0x60;
	s9 =	simm.s32 $0x10200;
	s7 =	sshll.u32 s5, $0xD;
	s5 =	ssub.s32 $0x2, s5  }
0xb: {  	v4 =	vimm.s32 $0x80;
	v5 =	vimm.s32 $0xA0;
	v6 =	vlaneseq.u32;
	s10 =	simm.s32 $0x0;
	s6 =	sor.u32 s7, s6;
	s31 =	sshrl.u32 s5, $0x1  }
0xc: {  	v7 =	vimm.s32 $0xC0;
	v8 =	vimm.s32 $0xE0;
	v10 =	vimm.f32 $0.0e+00;
	s7 =	simm.s32 $0x10000;
	s3 =	sadd.s32 s3, s6;
	s5 =	ssub.s32 s5, s31  }
0xd: {  	v11 =	vimm.s32 $0xFF;
	v12 =	vimm.f32 $1.000000000e+00;
	v9 =	vor.u32 $0x80000000, v6;
	s4 =	sadd.s32 s4, s6;
	s6 =	simm.s32 $0x1;
	s5 =	smax.u32 s5, $0x1  }
.LBB2_15:
0xe: {  	s12 =	sor.u32 s15, s14;
	[tilespmem:s11+$0x460] =	vst v10  }
0xf: {  	[tilespmem:s12+$0x470] =	vst v10  }
0x10: {  	[tilespmem:s12+$0x0] =	vst v10  }
0x11: {  	[tilespmem:s12+$0x10] =	vst v10  }
0x12: {  	[tilespmem:s12+$0x20] =	vst v10  }
0x13: {  	[tilespmem:s12+$0x30] =	vst v10  }
0x14: {  	[tilespmem:s12+$0x40] =	vst v10  }
0x15: {  	[tilespmem:s12+$0x50] =	vst v10  }
0x16: {  	[tilespmem:s12+$0x60] =	vst v10  }
0x17: {  	[tilespmem:s12+$0x70] =	vst v10  }
0x18: {  	[tilespmem:s12+$0x400] =	vst v10  }
0x19: {  	[tilespmem:s12+$0x410] =	vst v10  }
0x1a: {  	[tilespmem:s12+$0x420] =	vst v10  }
0x1b: {  	[tilespmem:s12+$0x430] =	vst v10  }
0x1c: {  	[tilespmem:s12+$0x440] =	vst v10  }
0x1d: {  	[tilespmem:s12+$0x450] =	vst v10  }
0x1e: {  	[tilespmem:s12+$0x460] =	vst v10  }
.LBB2_16:
0x1f: {  	v13 =	vld [tilespmem:$0x10100]  }
0x20: {  	v14 =	vld [tilespmem:$0x10200];
	_ =	sdelay $0x4  }
0x21: {  	v15 =	vshll.u32 v13, $0x8;
	v16 =	vshll.u32 v14, $0x3  }
0x22: {  	v13 =	vshll.u32 v13, $0x7;
	v15 =	vand.u32 $0xFFFFF800, v15;
	v16 =	vand.u32 $0xFFFFFC00, v16  }
0x23: {  	v13 =	vand.u32 $0x380, v13;
	v15 =	vadd.s32 v15, v16  }
0x24: {  	v14 =	vand.u32 $0x7F, v14;
	v13 =	vor.u32 v13, v15  }
0x25: {  	v13 =	vor.u32 v14, v13;
	_ =	sdelay $0x4  }
0x26: {  	[tilespmem:v13+s2+$0x0] =	vst.idx.msk $0xffff, v12  }
0x27: {  	v13 =	vld [tilespmem:$0x10110]  }
0x28: {  	v14 =	vld [tilespmem:$0x10210];
	_ =	sdelay $0x4  }
0x29: {  	v15 =	vshll.u32 v13, $0x8;
	v49 =	vshll.u32 v14, $0x3  }
0x2a: {  	v13 =	vshll.u32 v13, $0x7;
	v15 =	vand.u32 $0xFFFFF800, v15;
	v16 =	vand.u32 $0xFFFFFC00, v49  }
0x2b: {  	v13 =	vand.u32 $0x380, v13;
	v15 =	vadd.s32 v15, v16  }
0x2c: {  	v14 =	vand.u32 $0x7F, v14;
	v13 =	vor.u32 v13, v15  }
0x2d: {  	v13 =	vor.u32 v14, v13;
	_ =	sdelay $0x4  }
0x2e: {  	[tilespmem:v13+s2+$0x0] =	vst.idx.msk $0xffff, v12  }
0x2f: {  	v13 =	vld [tilespmem:$0x10120]  }
0x30: {  	v14 =	vld [tilespmem:$0x10220];
	_ =	sdelay $0x4  }
0x31: {  	v15 =	vshll.u32 v13, $0x8;
	v50 =	vshll.u32 v14, $0x3  }
0x32: {  	v13 =	vshll.u32 v13, $0x7;
	v15 =	vand.u32 $0xFFFFF800, v15;
	v16 =	vand.u32 $0xFFFFFC00, v50  }
0x33: {  	v13 =	vand.u32 $0x380, v13;
	v15 =	vadd.s32 v15, v16  }
0x34: {  	v14 =	vand.u32 $0x7F, v14;
	v13 =	vor.u32 v13, v15  }
0x35: {  	v13 =	vor.u32 v14, v13;
	_ =	sdelay $0x4  }
0x36: {  	[tilespmem:v13+s2+$0x0] =	vst.idx.msk $0xffff, v12  }
0x37: {  	v13 =	vld [tilespmem:$0x10130]  }
0x38: {  	v14 =	vld [tilespmem:$0x10230];
	_ =	sdelay $0x4  }
0x39: {  	v15 =	vshll.u32 v13, $0x8;
	v51 =	vshll.u32 v14, $0x3  }
0x3a: {  	v13 =	vshll.u32 v13, $0x7;
	v15 =	vand.u32 $0xFFFFF800, v15;
	v16 =	vand.u32 $0xFFFFFC00, v51  }
0x3b: {  	v13 =	vand.u32 $0x380, v13;
	v15 =	vadd.s32 v15, v16  }
0x3c: {  	v14 =	vand.u32 $0x7F, v14;
	v13 =	vor.u32 v13, v15  }
0x3d: {  	v13 =	vor.u32 v14, v13;
	_ =	sdelay $0x4  }
0x3e: {  	[tilespmem:v13+s2+$0x0] =	vst.idx.msk $0xffff, v12  }
0x3f: {  	v13 =	vld [tilespmem:$0x10140]  }
0x40: {  	v14 =	vld [tilespmem:$0x10240];
	_ =	sdelay $0x4  }
0x41: {  	v15 =	vshll.u32 v13, $0x8;
	v52 =	vshll.u32 v14, $0x3  }
0x42: {  	v13 =	vshll.u32 v13, $0x7;
	v15 =	vand.u32 $0xFFFFF800, v15;
	v16 =	vand.u32 $0xFFFFFC00, v52  }
0x43: {  	v13 =	vand.u32 $0x380, v13;
	v15 =	vadd.s32 v15, v16  }
0x44: {  	v14 =	vand.u32 $0x7F, v14;
	v13 =	vor.u32 v13, v15  }
0x45: {  	v13 =	vor.u32 v14, v13;
	_ =	sdelay $0x4  }
0x46: {  	[tilespmem:v13+s2+$0x0] =	vst.idx.msk $0xffff, v12  }
0x47: {  	v13 =	vld [tilespmem:$0x10150]  }
0x48: {  	v14 =	vld [tilespmem:$0x10250];
	_ =	sdelay $0x4  }
0x49: {  	v15 =	vshll.u32 v13, $0x8;
	v53 =	vshll.u32 v14, $0x3  }
0x4a: {  	v13 =	vshll.u32 v13, $0x7;
	v15 =	vand.u32 $0xFFFFF800, v15;
	v16 =	vand.u32 $0xFFFFFC00, v53  }
0x4b: {  	v13 =	vand.u32 $0x380, v13;
	v15 =	vadd.s32 v15, v16  }
0x4c: {  	v14 =	vand.u32 $0x7F, v14;
	v13 =	vor.u32 v13, v15  }
0x4d: {  	v13 =	vor.u32 v14, v13;
	_ =	sdelay $0x4  }
0x4e: {  	[tilespmem:v13+s2+$0x0] =	vst.idx.msk $0xffff, v12  }
0x4f: {  	v13 =	vld [tilespmem:$0x10160]  }
0x50: {  	v14 =	vld [tilespmem:$0x10260];
	_ =	sdelay $0x4  }
0x51: {  	v15 =	vshll.u32 v13, $0x8;
	v54 =	vshll.u32 v14, $0x3  }
0x52: {  	v13 =	vshll.u32 v13, $0x7;
	v15 =	vand.u32 $0xFFFFF800, v15;
	v16 =	vand.u32 $0xFFFFFC00, v54  }
0x53: {  	v13 =	vand.u32 $0x380, v13;
	v15 =	vadd.s32 v15, v16  }
0x54: {  	v14 =	vand.u32 $0x7F, v14;
	v13 =	vor.u32 v13, v15  }
0x55: {  	v13 =	vor.u32 v14, v13;
	_ =	sdelay $0x4  }
0x56: {  	[tilespmem:v13+s2+$0x0] =	vst.idx.msk $0xffff, v12  }
0x57: {  	v13 =	vld [tilespmem:$0x10170]  }
0x58: {  	v14 =	vld [tilespmem:$0x10270];
	_ =	sdelay $0x4  }
0x59: {  	v15 =	vshll.u32 v13, $0x8;
	v55 =	vshll.u32 v14, $0x3  }
0x5a: {  	v13 =	vshll.u32 v13, $0x7;
	v15 =	vand.u32 $0xFFFFF800, v15;
	v16 =	vand.u32 $0xFFFFFC00, v55  }
0x5b: {  	v13 =	vand.u32 $0x380, v13;
	v15 =	vadd.s32 v15, v16  }
0x5c: {  	v14 =	vand.u32 $0x7F, v14;
	v13 =	vor.u32 v13, v15  }
0x5d: {  	v13 =	vor.u32 v14, v13;
	_ =	sdelay $0x4  }
0x5e: {  	[tilespmem:v13+s2+$0x0] =	vst.idx.msk $0xffff, v12  }
0x5f: {  	v13 =	vld [tilespmem:$0x10180]  }
0x60: {  	v14 =	vld [tilespmem:$0x10280];
	_ =	sdelay $0x4  }
0x61: {  	v15 =	vshll.u32 v13, $0x8;
	v56 =	vshll.u32 v14, $0x3  }
0x62: {  	v13 =	vshll.u32 v13, $0x7;
	v15 =	vand.u32 $0xFFFFF800, v15;
	v16 =	vand.u32 $0xFFFFFC00, v56  }
0x63: {  	v13 =	vand.u32 $0x380, v13;
	v15 =	vadd.s32 v15, v16  }
0x64: {  	v14 =	vand.u32 $0x7F, v14;
	v13 =	vor.u32 v13, v15  }
0x65: {  	v13 =	vor.u32 v14, v13;
	_ =	sdelay $0x4  }
0x66: {  	[tilespmem:v13+s2+$0x0] =	vst.idx.msk $0xffff, v12  }
0x67: {  	v13 =	vld [tilespmem:$0x10190]  }
0x68: {  	v14 =	vld [tilespmem:$0x10290];
	_ =	sdelay $0x4  }
0x69: {  	v15 =	vshll.u32 v13, $0x8;
	v57 =	vshll.u32 v14, $0x3  }
0x6a: {  	v13 =	vshll.u32 v13, $0x7;
	v15 =	vand.u32 $0xFFFFF800, v15;
	v16 =	vand.u32 $0xFFFFFC00, v57  }
0x6b: {  	v13 =	vand.u32 $0x380, v13;
	v15 =	vadd.s32 v15, v16  }
0x6c: {  	v14 =	vand.u32 $0x7F, v14;
	v13 =	vor.u32 v13, v15  }
0x6d: {  	v13 =	vor.u32 v14, v13;
	_ =	sdelay $0x4  }
0x6e: {  	[tilespmem:v13+s2+$0x0] =	vst.idx.msk $0xffff, v12  }
0x6f: {  	v13 =	vld [tilespmem:$0x101A0]  }
0x70: {  	v14 =	vld [tilespmem:$0x102A0];
	_ =	sdelay $0x4  }
0x71: {  	v15 =	vshll.u32 v13, $0x8;
	v58 =	vshll.u32 v14, $0x3  }
0x72: {  	v13 =	vshll.u32 v13, $0x7;
	v15 =	vand.u32 $0xFFFFF800, v15;
	v16 =	vand.u32 $0xFFFFFC00, v58  }
0x73: {  	v13 =	vand.u32 $0x380, v13;
	v15 =	vadd.s32 v15, v16  }
0x74: {  	v14 =	vand.u32 $0x7F, v14;
	v13 =	vor.u32 v13, v15  }
0x75: {  	v13 =	vor.u32 v14, v13;
	_ =	sdelay $0x4  }
0x76: {  	[tilespmem:v13+s2+$0x0] =	vst.idx.msk $0xffff, v12  }
0x77: {  	v13 =	vld [tilespmem:$0x101B0]  }
0x78: {  	v14 =	vld [tilespmem:$0x102B0];
	_ =	sdelay $0x4  }
0x79: {  	v15 =	vshll.u32 v13, $0x8;
	v59 =	vshll.u32 v14, $0x3  }
0x7a: {  	v13 =	vshll.u32 v13, $0x7;
	v15 =	vand.u32 $0xFFFFF800, v15;
	v16 =	vand.u32 $0xFFFFFC00, v59  }
0x7b: {  	v13 =	vand.u32 $0x380, v13;
	v15 =	vadd.s32 v15, v16  }
0x7c: {  	v14 =	vand.u32 $0x7F, v14;
	v13 =	vor.u32 v13, v15  }
0x7d: {  	v13 =	vor.u32 v14, v13;
	_ =	sdelay $0x4  }
0x7e: {  	[tilespmem:v13+s2+$0x0] =	vst.idx.msk $0xffff, v12  }
0x7f: {  	v13 =	vld [tilespmem:$0x101C0]  }
0x80: {  	v14 =	vld [tilespmem:$0x102C0];
	_ =	sdelay $0x4  }
0x81: {  	v15 =	vshll.u32 v13, $0x8;
	v60 =	vshll.u32 v14, $0x3  }
0x82: {  	v13 =	vshll.u32 v13, $0x7;
	v15 =	vand.u32 $0xFFFFF800, v15;
	v16 =	vand.u32 $0xFFFFFC00, v60  }
0x83: {  	v13 =	vand.u32 $0x380, v13;
	v15 =	vadd.s32 v15, v16  }
0x84: {  	v14 =	vand.u32 $0x7F, v14;
	v13 =	vor.u32 v13, v15  }
0x85: {  	v13 =	vor.u32 v14, v13;
	_ =	sdelay $0x4  }
0x86: {  	[tilespmem:v13+s2+$0x0] =	vst.idx.msk $0xffff, v12  }
0x87: {  	v13 =	vld [tilespmem:$0x101D0]  }
0x88: {  	v14 =	vld [tilespmem:$0x102D0];
	_ =	sdelay $0x4  }
0x89: {  	v15 =	vshll.u32 v13, $0x8;
	v61 =	vshll.u32 v14, $0x3  }
0x8a: {  	v13 =	vshll.u32 v13, $0x7;
	v15 =	vand.u32 $0xFFFFF800, v15;
	v16 =	vand.u32 $0xFFFFFC00, v61  }
0x8b: {  	v13 =	vand.u32 $0x380, v13;
	v15 =	vadd.s32 v15, v16  }
0x8c: {  	v14 =	vand.u32 $0x7F, v14;
	v13 =	vor.u32 v13, v15  }
0x8d: {  	v13 =	vor.u32 v14, v13;
	_ =	sdelay $0x4  }
0x8e: {  	[tilespmem:v13+s2+$0x0] =	vst.idx.msk $0xffff, v12  }
0x8f: {  	v13 =	vld [tilespmem:$0x101E0]  }
0x90: {  	v14 =	vld [tilespmem:$0x102E0];
	_ =	sdelay $0x4  }
0x91: {  	v15 =	vshll.u32 v13, $0x8;
	v62 =	vshll.u32 v14, $0x3  }
0x92: {  	v13 =	vshll.u32 v13, $0x7;
	v15 =	vand.u32 $0xFFFFF800, v15;
	v16 =	vand.u32 $0xFFFFFC00, v62  }
0x93: {  	v13 =	vand.u32 $0x380, v13;
	v15 =	vadd.s32 v15, v16  }
0x94: {  	v14 =	vand.u32 $0x7F, v14;
	v13 =	vor.u32 v13, v15  }
0x95: {  	v13 =	vor.u32 v14, v13;
	_ =	sdelay $0x4  }
0x96: {  	[tilespmem:v13+s2+$0x0] =	vst.idx.msk $0xffff, v12  }
0x97: {  	v13 =	vld [tilespmem:$0x101F0]  }
0x98: {  	v14 =	vld [tilespmem:$0x102F0];
	_ =	sdelay $0x4  }
0x99: {  	v15 =	vshll.u32 v13, $0x8;
	v63 =	vshll.u32 v14, $0x3  }
0x9a: {  	v13 =	vshll.u32 v13, $0x7;
	v15 =	vand.u32 $0xFFFFF800, v15;
	v16 =	vand.u32 $0xFFFFFC00, v63  }
0x9b: {  	v13 =	vand.u32 $0x380, v13;
	v15 =	vadd.s32 v15, v16  }
0x9c: {  	v14 =	vand.u32 $0x7F, v14;
	v13 =	vor.u32 v13, v15  }
0x9d: {  	v13 =	vor.u32 v14, v13;
	_ =	sdelay $0x2  }
0x9e: {  	s10 =	sadd.s32 $0x1, s10  }
0x9f: {  	p0 =	sne.s32 s10, s5  }
.Ltmp2:
0xa0: {  	[tilespmem:v13+s2+$0x0] =	vst.idx.msk $0xffff, v12;
	(pc) =	sbr.rel @!p0 .LBB2_17-.Ltmp2, $4  }
0xa1: {  	[hbm4b:s3+s2] =	stream.linear.scatter [tilespmem:s2], [sflag:$0x1], $0x10000, $0x38;
	[tilespmem:$0x10300] =	vst v63  }
0xa2: {  	_ =	swait.ge [sflag:s6], $0x10000  }
0xa3: {  	[sflag:s6] =	ssyncset.done $0x0  }
0xa4: {  	[sflag:s6] =	ssyncadd.s32 $0xFFFF0000  }
.LBB2_2:
0xa5: {  	s11 =	simm.s32 $0x0  }
0xa6: {  	[tilespmem:s11], [sflag:$0x1] =	stream.linear.gather [hbm4b:s4+s11], $0x10000, $0x38;
	[tilespmem:$0x10300] =	vst v63  }
0xa7: {  	s12 =	sand.u32 $0xF800, s11;
	s13 =	sand.u32 $0x380, s11;
	_ =	swait.ge [sflag:s6], $0x10000  }
0xa8: {  	s14 =	simm.s32 $0x0;
	s15 =	sor.u32 s13, s12;
	[sflag:s6] =	ssyncset.done $0x0  }
0xa9: {  	s12 =	simm.s32 $0x1;
	s13 =	simm.s32 $0x0;
	[sflag:s6] =	ssyncadd.s32 $0xFFFF0000  }
.LBB2_3:
0xaa: {  	p0 =	sne.s32 s12, $0xFF;
	v13 =	vld [tilespmem:s15+$0x10]  }
0xab: {  	v14 =	vld [tilespmem:s15+$0x0]  }
0xac: {  	v15 =	vld [tilespmem:s15+$0x20]  }
0xad: {  	v16 =	vld [tilespmem:s15+$0x30]  }
0xae: {  	v17 =	vld [tilespmem:s15+$0x40]  }
0xaf: {  	v18 =	vld [tilespmem:s15+$0x50]  }
0xb0: {  	v13 =	vmax.f32 v14, v13;
	v14 =	vld [tilespmem:s15+$0x60]  }
0xb1: {  	v13 =	vmax.f32 v13, v15;
	v15 =	vld [tilespmem:s15+$0x70]  }
0xb2: {  	v13 =	vmax.f32 v13, v16;
	v16 =	vld [tilespmem:s15+$0x400]  }
0xb3: {  	v13 =	vmax.f32 v13, v17;
	v17 =	vld [tilespmem:s15+$0x410]  }
0xb4: {  	v13 =	vmax.f32 v13, v18;
	v18 =	vld [tilespmem:s15+$0x420]  }
0xb5: {  	v13 =	vmax.f32 v13, v14;
	v14 =	vld [tilespmem:s15+$0x430]  }
0xb6: {  	v13 =	vmax.f32 v13, v15;
	v15 =	vld [tilespmem:s15+$0x440]  }
0xb7: {  	v13 =	vmax.f32 v13, v16;
	v16 =	vld [tilespmem:s15+$0x450]  }
0xb8: {  	v13 =	vmax.f32 v13, v17;
	v17 =	vld [tilespmem:s15+$0x460]  }
0xb9: {  	v13 =	vmax.f32 v13, v18;
	v18 =	vld [tilespmem:s15+$0x470]  }
0xba: {  	v13 =	vmax.f32 v13, v14  }
0xbb: {  	v13 =	vmax.f32 v13, v15  }
0xbc: {  	v13 =	vmax.f32 v13, v16  }
0xbd: {  	v13 =	vmax.f32 v13, v17  }
0xbe: {  	v13 =	vmax.f32 v13, v18  }
0xbf: {  	(xrf0) =	vmax.scan.msk.f32 $0xffff, v13;
	_ =	sdelay $0x3  }
0xc0: {  	v13 =	vmov s11;
	s11 =	smov.u32 s12  }
.Ltmp3:
0xc1: {  	(pc) =	sbr.rel @p0 .LBB2_3-.Ltmp3, $4  }
0xc2: {  	v14, _, _ =	vpop (xrf0)  }
0xc3: {  	s13 =	sadd.s32 $0x80, s13;
	s14 =	sadd.s32 $0x100, s14;
	v14 =	vbroadcast v14, $0xF  }
0xc4: {  	s16 =	sand.u32 $0x380, s13;
	s15 =	sand.u32 $0xF800, s14  }
0xc5: {  	s15 =	sor.u32 s16, s15;
	s12 =	sadd.s32 $0x1, s12;
	[tilespmem:v13+s7+$0x0] =	vst.idx.msk $0x1, v14  }
0xc6: {  	v13 =	vld [tilespmem:s15+$0x10]  }
0xc7: {  	v14 =	vld [tilespmem:s15+$0x0]  }
0xc8: {  	v15 =	vld [tilespmem:s15+$0x20]  }
0xc9: {  	v16 =	vld [tilespmem:s15+$0x30]  }
0xca: {  	v17 =	vld [tilespmem:s15+$0x40]  }
0xcb: {  	v18 =	vld [tilespmem:s15+$0x50]  }
0xcc: {  	v13 =	vmax.f32 v14, v13;
	v14 =	vld [tilespmem:s15+$0x60]  }
0xcd: {  	v13 =	vmax.f32 v13, v15;
	v15 =	vld [tilespmem:s15+$0x70]  }
0xce: {  	v13 =	vmax.f32 v13, v16;
	v16 =	vld [tilespmem:s15+$0x400]  }
0xcf: {  	v13 =	vmax.f32 v13, v17;
	v17 =	vld [tilespmem:s15+$0x410]  }
0xd0: {  	v13 =	vmax.f32 v13, v18;
	v18 =	vld [tilespmem:s15+$0x420]  }
0xd1: {  	v13 =	vmax.f32 v13, v14;
	v14 =	vld [tilespmem:s15+$0x430]  }
0xd2: {  	v13 =	vmax.f32 v13, v15;
	v15 =	vld [tilespmem:s15+$0x440]  }
0xd3: {  	v13 =	vmax.f32 v13, v16;
	v16 =	vld [tilespmem:s15+$0x450]  }
0xd4: {  	v13 =	vmax.f32 v13, v17;
	v17 =	vld [tilespmem:s15+$0x460]  }
0xd5: {  	v13 =	vmax.f32 v13, v18;
	v18 =	vld [tilespmem:s15+$0x470]  }
0xd6: {  	v13 =	vmax.f32 v13, v14  }
0xd7: {  	v13 =	vmax.f32 v13, v15  }
0xd8: {  	v13 =	vmax.f32 v13, v16  }
0xd9: {  	v13 =	vmax.f32 v13, v17  }
0xda: {  	v13 =	vmax.f32 v13, v18  }
0xdb: {  	(xrf0) =	vmax.scan.msk.f32 $0xffff, v13;
	_ =	sdelay $0x3  }
0xdc: {  	v13 =	vmov s11;
	_ =	sdelay $0x1  }
0xdd: {  	v14, _, _ =	vpop (xrf0)  }
0xde: {  	v14 =	vbroadcast v14, $0xF;
	_ =	sdelay $0x1  }
0xdf: {  	[tilespmem:v13+s7+$0x0] =	vst.idx.msk $0x1, v14  }
0xe0: {  	v13 =	vld [tilespmem:$0x10000]  }
0xe1: {  	v14 =	vld [tilespmem:$0x10010]  }
0xe2: {  	v15 =	vld [tilespmem:$0x10020]  }
0xe3: {  	v16 =	vld [tilespmem:$0x10030]  }
0xe4: {  	v17 =	vld [tilespmem:$0x10040]  }
0xe5: {  	v18 =	vld [tilespmem:$0x10050]  }
0xe6: {  	v19 =	vld [tilespmem:$0x10060]  }
0xe7: {  	v20 =	vld [tilespmem:$0x10070]  }
0xe8: {  	v21 =	vld [tilespmem:$0x10080]  }
0xe9: {  	v22 =	vld [tilespmem:$0x10090]  }
0xea: {  	v23 =	vld [tilespmem:$0x100A0]  }
0xeb: {  	v24 =	vld [tilespmem:$0x100B0]  }
0xec: {  	v25 =	vld [tilespmem:$0x100C0]  }
0xed: {  	v26 =	vld [tilespmem:$0x100D0]  }
0xee: {  	v27 =	vld [tilespmem:$0x100E0]  }
0xef: {  	v28 =	vld [tilespmem:$0x100F0];
	_ =	sdelay $0x2  }
0xf0: {  	vm0 =	vgt.f32 v14, v13;
	vm1 =	vgt.f32 v16, v15;
	vm2 =	vgt.f32 v18, v17  }
0xf1: {  	vm3 =	vgt.f32 v20, v19;
	vm4 =	vgt.f32 v22, v21;
	vm5 =	vgt.f32 v24, v23  }
0xf2: {  	vm6 =	vgt.f32 v26, v25;
	vm7 =	vgt.f32 v28, v27;
	v29 =	vsel vm0, v14, v13  }
0xf3: {  	v30 =	vsel vm1, v16, v15;
	v31 =	vsel vm2, v18, v17;
	v32 =	vsel vm3, v20, v19  }
0xf4: {  	v33 =	vsel vm4, v22, v21;
	v34 =	vsel vm5, v24, v23;
	v35 =	vsel vm6, v26, v25  }
0xf5: {  	v36 =	vsel vm7, v28, v27;
	vm8 =	vgt.f32 v30, v29;
	vm9 =	vgt.f32 v32, v31  }
0xf6: {  	vm10 =	vgt.f32 v34, v33;
	vm11 =	vgt.f32 v36, v35;
	v29 =	vsel vm8, v30, v29  }
0xf7: {  	v30 =	vsel vm9, v32, v31;
	v31 =	vsel vm10, v34, v33;
	v48 =	vsel vm11, v36, v35  }
0xf8: {  	vm12 =	vgt.f32 v30, v29;
	vm13 =	vgt.f32 v48, v31  }
0xf9: {  	v29 =	vsel vm12, v30, v29;
	v30 =	vsel vm13, v48, v31  }
0xfa: {  	vm14 =	vgt.f32 v30, v29  }
0xfb: {  	v29 =	vsel vm14, v30, v29  }
0xfc: {  	(xrf0) =	vmax.scan.msk.f32 $0xffff, v29;
	_ =	sdelay $0x2  }
0xfd: {  	v49 =	vsel vm2, $0x50, v2;
	v50 =	vsel vm3, $0x70, v3;
	v51 =	vsel vm4, $0x90, v4  }
0xfe: {  	v52 =	vsel vm5, $0xB0, v5;
	v53 =	vsel vm6, $0xD0, v7;
	v37 =	vsel vm7, $0xF0, v8  }
0xff: {  	v54 =	vsel vm10, v52, v51;
	v31 =	vsel vm1, $0x30, v1;
	v30 =	vsel vm0, $0x10, v0  }
0x100: {  	v55 =	vsel vm11, v37, v53;
	v30 =	vsel vm8, v31, v30;
	v31 =	vsel vm9, v50, v49;
	v56, _, _ =	vpop (xrf0)  }
0x101: {  	v30 =	vsel vm12, v31, v30;
	v31 =	vsel vm13, v55, v54;
	v57 =	vbroadcast v56, $0xF  }
0x102: {  	v30 =	vsel vm14, v31, v30  }
0x103: {  	vm14 =	veq.f32 v29, v57;
	v29 =	vor.u32 v9, v30  }
0x104: {  	v29 =	vnsel vm14, $0xC0000000, v29  }
0x105: {  	(xrf0) =	vmin.scan.msk.u32 $0xffff, v29;
	_ =	sdelay $0x5  }
0x106: {  	(v2sf) =	vpush v56, $0xF;
	v29, _, _ =	vpop (xrf0)  }
0x107: {  	(v2sf) =	vpush v29, $0xF;
	_ =	sdelay $0xd  }
0x108: {  	s12 =	spop (v2sf)  }
0x109: {  	s11 =	spop (v2sf)  }
0x10a: {  	s13 =	sshll.u32 s11, $0x8;
	s14 =	sshll.u32 s11, $0x7  }
0x10b: {  	s13 =	sand.u32 $0xFFFFF800, s13;
	s14 =	sand.u32 $0x380, s14  }
0x10c: {  	s13 =	sor.u32 s14, s13  }
0x10d: {  	v29 =	vld [tilespmem:s13+$0x0]  }
0x10e: {  	v30 =	vld [tilespmem:s13+$0x10]  }
0x10f: {  	v31 =	vld [tilespmem:s13+$0x20]  }
0x110: {  	v58 =	vld [tilespmem:s13+$0x30]  }
0x111: {  	v59 =	vld [tilespmem:s13+$0x40]  }
0x112: {  	v60 =	vld [tilespmem:s13+$0x50]  }
0x113: {  	v61 =	vld [tilespmem:s13+$0x60]  }
0x114: {  	v62 =	vld [tilespmem:s13+$0x70]  }
0x115: {  	v63 =	vld [tilespmem:s13+$0x400]  }
0x116: {  	v38 =	vld [tilespmem:s13+$0x410]  }
0x117: {  	v39 =	vld [tilespmem:s13+$0x420]  }
0x118: {  	v40 =	vld [tilespmem:s13+$0x430]  }
0x119: {  	v41 =	vld [tilespmem:s13+$0x440]  }
0x11a: {  	v42 =	vld [tilespmem:s13+$0x450]  }
0x11b: {  	v43 =	vld [tilespmem:s13+$0x460]  }
0x11c: {  	v44 =	vld [tilespmem:s13+$0x470];
	_ =	sdelay $0x2  }
0x11d: {  	vm0 =	vgt.f32 v30, v29;
	vm1 =	vgt.f32 v58, v31;
	vm2 =	vgt.f32 v60, v59  }
0x11e: {  	vm3 =	vgt.f32 v62, v61;
	vm4 =	vgt.f32 v38, v63;
	vm5 =	vgt.f32 v40, v39  }
0x11f: {  	vm6 =	vgt.f32 v42, v41;
	vm7 =	vgt.f32 v44, v43;
	v29 =	vsel vm0, v30, v29  }
0x120: {  	v30 =	vsel vm1, v58, v31;
	v31 =	vsel vm2, v60, v59;
	v48 =	vsel vm3, v62, v61  }
0x121: {  	v49 =	vsel vm4, v38, v63;
	v50 =	vsel vm5, v40, v39;
	v51 =	vsel vm6, v42, v41  }
0x122: {  	v52 =	vsel vm7, v44, v43;
	vm8 =	vgt.f32 v30, v29;
	vm9 =	vgt.f32 v48, v31  }
0x123: {  	vm10 =	vgt.f32 v50, v49;
	vm11 =	vgt.f32 v52, v51;
	v29 =	vsel vm8, v30, v29  }
0x124: {  	v30 =	vsel vm9, v48, v31;
	v31 =	vsel vm10, v50, v49;
	v53 =	vsel vm11, v52, v51  }
0x125: {  	vm12 =	vgt.f32 v30, v29;
	vm13 =	vgt.f32 v53, v31  }
0x126: {  	v29 =	vsel vm12, v30, v29;
	v30 =	vsel vm13, v53, v31  }
0x127: {  	vm14 =	vgt.f32 v30, v29  }
0x128: {  	v29 =	vsel vm14, v30, v29  }
0x129: {  	(xrf0) =	vmax.scan.msk.f32 $0xffff, v29;
	_ =	sdelay $0x2  }
0x12a: {  	v54 =	vsel vm2, $0x50, v2;
	v55 =	vsel vm3, $0x70, v3;
	v56 =	vsel vm4, $0x90, v4  }
0x12b: {  	v57 =	vsel vm5, $0xB0, v5;
	v58 =	vsel vm6, $0xD0, v7;
	v59 =	vsel vm7, $0xF0, v8  }
0x12c: {  	v60 =	vsel vm10, v57, v56;
	v31 =	vsel vm1, $0x30, v1;
	v30 =	vsel vm0, $0x10, v0  }
0x12d: {  	v61 =	vsel vm11, v59, v58;
	v30 =	vsel vm8, v31, v30;
	v31 =	vsel vm9, v55, v54;
	v62, _, _ =	vpop (xrf0)  }
0x12e: {  	v30 =	vsel vm12, v31, v30;
	v31 =	vsel vm13, v61, v60;
	v63 =	vbroadcast v62, $0xF  }
0x12f: {  	v30 =	vsel vm14, v31, v30  }
0x130: {  	(v2sf) =	vpush v62, $0xF;
	vm15 =	veq.f32 v29, v63;
	v29 =	vor.u32 v9, v30  }
0x131: {  	v29 =	vnsel vm15, $0xC0000000, v29  }
0x132: {  	(xrf0) =	vmin.scan.msk.u32 $0xffff, v29;
	_ =	sdelay $0x5  }
0x133: {  	v29, _, _ =	vpop (xrf0)  }
0x134: {  	(v2sf) =	vpush v29, $0xF;
	_ =	sdelay $0x5  }
0x135: {  	s13 =	spop (v2sf)  }
0x136: {  	p0 =	slt.f32 s12, s13;
	p1 =	sgt.f32 s12, s13  }
0x137: {  	_ = 	snop  }
0x138: {  	p0 =	por p1, p0  }
0x139: {  	p0 =	por !p0, !p0  }
.Ltmp4:
0x13a: {  	_ = 	snop;
	(pc) =	sbr.rel @p0 .LBB2_7-.Ltmp4, $2  }
0x13b: {  	_ =	sdelay $0x2  }
0x13c: {  	s16 =	sxor.u32 $0x80000000, s11;
	s15 =	spop (v2sf)  }
.LBB2_5:
0x13d: {  	v29 =	vmov s16;
	s12 =	sadd.s32 $0x7FFFFFF0, s11  }
0x13e: {  	s25 =	sadd.s32 $0x7FFFFF50, s11;
	s14 =	sadd.s32 $0x7FFFFF40, s11;
	vm0 =	veq.s32 v29, v6;
	v29 =	vmov s12  }
0x13f: {  	s16 =	sadd.s32 $0x7FFFFFE0, s11;
	v30 =	vmov s25;
	v31 =	vmov s14;
	v13 =	vsel vm0, s13, v13  }
0x140: {  	s28 =	sadd.s32 $0x7FFFFF20, s11;
	s29 =	sadd.s32 $0x7FFFFF10, s11;
	vm0 =	veq.s32 v29, v6;
	v29 =	vmov s16;
	vm1 =	veq.s32 v30, v6  }
0x141: {  	s17 =	sadd.s32 $0x7FFFFFD0, s11;
	vm2 =	veq.s32 v31, v6;
	v30 =	vmov s28;
	v31 =	vmov s29  }
0x142: {  	v14 =	vsel vm0, s13, v14;
	vm0 =	veq.s32 v29, v6;
	v29 =	vmov s17  }
0x143: {  	v24 =	vsel vm1, s13, v24;
	v25 =	vsel vm2, s13, v25;
	vm1 =	veq.s32 v30, v6  }
0x144: {  	s18 =	sadd.s32 $0x7FFFFFC0, s11;
	vm2 =	veq.s32 v31, v6;
	v15 =	vsel vm0, s13, v15;
	vm0 =	veq.s32 v29, v6  }
0x145: {  	s19 =	sadd.s32 $0x7FFFFFB0, s11;
	v29 =	vmov s18;
	v27 =	vsel vm1, s13, v27;
	v28 =	vsel vm2, s13, v28  }
0x146: {  	v16 =	vsel vm0, s13, v16;
	vm0 =	veq.s32 v29, v6;
	v29 =	vmov s19  }
0x147: {  	s20 =	sadd.s32 $0x7FFFFFA0, s11;
	vm7 =	vgt.f32 v28, v27;
	v17 =	vsel vm0, s13, v17;
	vm0 =	veq.s32 v29, v6  }
0x148: {  	s21 =	sadd.s32 $0x7FFFFF90, s11;
	v29 =	vmov s20;
	vm1 =	vgt.f32 v16, v15;
	v36 =	vsel vm7, v28, v27  }
0x149: {  	v18 =	vsel vm0, s13, v18;
	vm0 =	veq.s32 v29, v6;
	v29 =	vmov s21  }
0x14a: {  	s22 =	sadd.s32 $0x7FFFFF80, s11;
	v30 =	vsel vm1, v16, v15;
	v19 =	vsel vm0, s13, v19;
	vm0 =	veq.s32 v29, v6  }
0x14b: {  	s23 =	sadd.s32 $0x7FFFFF70, s11;
	v29 =	vmov s22;
	vm2 =	vgt.f32 v18, v17;
	v20 =	vsel vm0, s13, v20  }
0x14c: {  	s24 =	sadd.s32 $0x7FFFFF60, s11;
	vm0 =	veq.s32 v29, v6;
	v29 =	vmov s23;
	v31 =	vsel vm2, v18, v17  }
0x14d: {  	v21 =	vsel vm0, s13, v21;
	vm0 =	veq.s32 v29, v6;
	v29 =	vmov s24  }
0x14e: {  	s26 =	sadd.s32 $0x7FFFFF30, s11;
	vm3 =	vgt.f32 v20, v19;
	v22 =	vsel vm0, s13, v22;
	vm0 =	veq.s32 v29, v6  }
0x14f: {  	v29 =	vmov s26;
	v32 =	vsel vm3, v20, v19;
	v23 =	vsel vm0, s13, v23  }
0x150: {  	vm0 =	veq.s32 v29, v6;
	vm4 =	vgt.f32 v22, v21;
	vm9 =	vgt.f32 v32, v31  }
0x151: {  	v26 =	vsel vm0, s13, v26;
	vm0 =	vgt.f32 v14, v13;
	vm5 =	vgt.f32 v24, v23  }
0x152: {  	v33 =	vsel vm4, v22, v21;
	v29 =	vsel vm0, v14, v13;
	vm6 =	vgt.f32 v26, v25  }
0x153: {  	v34 =	vsel vm5, v24, v23;
	vm8 =	vgt.f32 v30, v29;
	v35 =	vsel vm6, v26, v25  }
0x154: {  	vm10 =	vgt.f32 v34, v33;
	v29 =	vsel vm8, v30, v29;
	vm11 =	vgt.f32 v36, v35  }
0x155: {  	v30 =	vsel vm9, v32, v31;
	v31 =	vsel vm10, v34, v33;
	v42 =	vsel vm11, v36, v35  }
0x156: {  	vm12 =	vgt.f32 v30, v29;
	vm13 =	vgt.f32 v42, v31  }
0x157: {  	v29 =	vsel vm12, v30, v29;
	v30 =	vsel vm13, v42, v31  }
0x158: {  	vm14 =	vgt.f32 v30, v29  }
0x159: {  	v29 =	vsel vm14, v30, v29  }
0x15a: {  	(xrf0) =	vmax.scan.msk.f32 $0xffff, v29;
	_ =	sdelay $0x2  }
0x15b: {  	v37 =	vsel vm7, $0xF0, v8;
	v43 =	vsel vm2, $0x50, v2;
	v44 =	vsel vm3, $0x70, v3  }
0x15c: {  	v45 =	vsel vm4, $0x90, v4;
	v46 =	vsel vm5, $0xB0, v5;
	v47 =	vsel vm6, $0xD0, v7  }
0x15d: {  	v48 =	vsel vm10, v46, v45;
	v31 =	vsel vm1, $0x30, v1;
	v30 =	vsel vm0, $0x10, v0  }
0x15e: {  	v49 =	vsel vm11, v37, v47;
	v30 =	vsel vm8, v31, v30;
	v31 =	vsel vm9, v44, v43;
	v50, _, _ =	vpop (xrf0)  }
0x15f: {  	v30 =	vsel vm12, v31, v30;
	v31 =	vsel vm13, v49, v48;
	v51 =	vbroadcast v50, $0xF  }
0x160: {  	v30 =	vsel vm14, v31, v30  }
0x161: {  	vm0 =	veq.f32 v29, v51;
	v29 =	vor.u32 v9, v30  }
0x162: {  	v29 =	vnsel vm0, $0xC0000000, v29  }
0x163: {  	(xrf0) =	vmin.scan.msk.u32 $0xffff, v29;
	_ =	sdelay $0x5  }
0x164: {  	(v2sf) =	vpush v50, $0xF;
	v29, _, _ =	vpop (xrf0)  }
0x165: {  	(v2sf) =	vpush v29, $0xF;
	_ =	sdelay $0xd  }
0x166: {  	s12 =	spop (v2sf)  }
0x167: {  	s11 =	spop (v2sf)  }
0x168: {  	s30 =	sshll.u32 s11, $0x8;
	s31 =	sshll.u32 s11, $0x7  }
0x169: {  	s13 =	sand.u32 $0xFFFFF800, s30;
	s14 =	sand.u32 $0x380, s31  }
0x16a: {  	s13 =	sor.u32 s14, s13  }
0x16b: {  	v29 =	vld [tilespmem:s13+$0x0]  }
0x16c: {  	v30 =	vld [tilespmem:s13+$0x10]  }
0x16d: {  	v31 =	vld [tilespmem:s13+$0x20]  }
0x16e: {  	v52 =	vld [tilespmem:s13+$0x30]  }
0x16f: {  	v53 =	vld [tilespmem:s13+$0x40]  }
0x170: {  	v54 =	vld [tilespmem:s13+$0x50]  }
0x171: {  	v55 =	vld [tilespmem:s13+$0x60]  }
0x172: {  	v56 =	vld [tilespmem:s13+$0x70]  }
0x173: {  	v57 =	vld [tilespmem:s13+$0x400]  }
0x174: {  	v38 =	vld [tilespmem:s13+$0x410]  }
0x175: {  	v39 =	vld [tilespmem:s13+$0x420]  }
0x176: {  	v40 =	vld [tilespmem:s13+$0x430]  }
0x177: {  	v41 =	vld [tilespmem:s13+$0x440]  }
0x178: {  	v42 =	vld [tilespmem:s13+$0x450]  }
0x179: {  	v43 =	vld [tilespmem:s13+$0x460]  }
0x17a: {  	v44 =	vld [tilespmem:s13+$0x470];
	_ =	sdelay $0x2  }
0x17b: {  	vm0 =	vgt.f32 v30, v29;
	vm1 =	vgt.f32 v52, v31;
	vm2 =	vgt.f32 v54, v53  }
0x17c: {  	vm3 =	vgt.f32 v56, v55;
	vm4 =	vgt.f32 v38, v57;
	vm5 =	vgt.f32 v40, v39  }
0x17d: {  	vm6 =	vgt.f32 v42, v41;
	vm7 =	vgt.f32 v44, v43;
	v29 =	vsel vm0, v30, v29  }
0x17e: {  	v30 =	vsel vm1, v52, v31;
	v31 =	vsel vm2, v54, v53;
	v58 =	vsel vm3, v56, v55  }
0x17f: {  	v59 =	vsel vm4, v38, v57;
	v60 =	vsel vm5, v40, v39;
	v61 =	vsel vm6, v42, v41  }
0x180: {  	v62 =	vsel vm7, v44, v43;
	vm8 =	vgt.f32 v30, v29;
	vm9 =	vgt.f32 v58, v31  }
0x181: {  	vm10 =	vgt.f32 v60, v59;
	vm11 =	vgt.f32 v62, v61;
	v29 =	vsel vm8, v30, v29  }
0x182: {  	v30 =	vsel vm9, v58, v31;
	v31 =	vsel vm10, v60, v59;
	v63 =	vsel vm11, v62, v61  }
0x183: {  	vm12 =	vgt.f32 v30, v29;
	vm13 =	vgt.f32 v63, v31  }
0x184: {  	v29 =	vsel vm12, v30, v29;
	v30 =	vsel vm13, v63, v31  }
0x185: {  	vm14 =	vgt.f32 v30, v29  }
0x186: {  	v29 =	vsel vm14, v30, v29  }
0x187: {  	(xrf0) =	vmax.scan.msk.f32 $0xffff, v29;
	_ =	sdelay $0x5  }
0x188: {  	v30, _, _ =	vpop (xrf0)  }
0x189: {  	(v2sf) =	vpush v30, $0xF;
	_ =	sdelay $0xe  }
0x18a: {  	s13 =	spop (v2sf)  }
0x18b: {  	p0 =	slt.f32 s12, s13;
	p1 =	sgt.f32 s12, s13  }
0x18c: {  	_ = 	snop  }
0x18d: {  	p0 =	por p1, p0  }
.Ltmp5:
0x18e: {  	_ = 	snop;
	(pc) =	sbr.rel @p0 .LBB2_5-.Ltmp5, $2  }
0x18f: {  	_ =	sdelay $0x2  }
0x190: {  	s16 =	sxor.u32 $0x80000000, s11  }
0x191: {  	v31 =	vsel vm0, $0x10, v0;
	v32 =	vsel vm1, $0x30, v1;
	v33 =	vsel vm2, $0x50, v2  }
0x192: {  	v34 =	vsel vm3, $0x70, v3;
	v35 =	vsel vm4, $0x90, v4;
	v36 =	vsel vm5, $0xB0, v5  }
0x193: {  	v37 =	vsel vm6, $0xD0, v7;
	v38 =	vsel vm7, $0xF0, v8;
	v31 =	vsel vm8, v32, v31  }
0x194: {  	v60 =	vsel vm9, v34, v33;
	v61 =	vsel vm10, v36, v35;
	v62 =	vsel vm11, v38, v37  }
0x195: {  	v30 =	vbroadcast v30, $0xF;
	v31 =	vsel vm12, v60, v31;
	v63 =	vsel vm13, v62, v61  }
0x196: {  	v31 =	vsel vm14, v63, v31  }
0x197: {  	vm15 =	veq.f32 v29, v30;
	v29 =	vor.u32 v9, v31  }
0x198: {  	v29 =	vnsel vm15, $0xC0000000, v29  }
0x199: {  	(xrf0) =	vmin.scan.msk.u32 $0xffff, v29;
	_ =	sdelay $0x5  }
0x19a: {  	v29, _, _ =	vpop (xrf0)  }
0x19b: {  	(v2sf) =	vpush v29, $0xF;
	_ =	sdelay $0xe  }
0x19c: {  	s15 =	spop (v2sf)  }
.LBB2_7:
0x19d: {  	v29 =	vimm.f32 $1.000000000e+00  }
.Ltmp6:
0x19e: {  	v30 =	vimm.f32 $1.000000000e+00;
	v31 =	vimm.f32 $1.000000000e+00;
	v32 =	vimm.f32 $1.000000000e+00;
	(pc) =	sbr.rel .LBB2_8-.Ltmp6, $4  }
0x19f: {  	v33 =	vimm.f32 $1.000000000e+00;
	v34 =	vimm.f32 $1.000000000e+00;
	v35 =	vimm.f32 $1.000000000e+00  }
0x1a0: {  	p0 =	seq.f32 s12, $0.0e+00;
	v36 =	vimm.f32 $1.000000000e+00;
	v37 =	vimm.f32 $1.000000000e+00;
	v38 =	vimm.f32 $1.000000000e+00  }
0x1a1: {  	s11 =	simm.s32 $0x1;
	v39 =	vimm.f32 $1.000000000e+00;
	v40 =	vimm.f32 $1.000000000e+00;
	v41 =	vimm.f32 $1.000000000e+00  }
0x1a2: {  	s17 =	sxor.u32 $0x80000000, s15;
	s12 =	simm.s32 $0x1;
	v42 =	vimm.f32 $1.000000000e+00;
	v43 =	vimm.f32 $1.000000000e+00;
	v44 =	vimm.f32 $1.000000000e+00;
	s11 =	simm.s32 @!p0 $0x0  }
.LBB2_11:
0x1a3: {  	s12 =	sadd.s32 $0x1, s12  }
0x1a4: {  	p1 =	sne.s32 s12, $0x100  }
.Ltmp7:
0x1a5: {  	_ = 	snop;
	(pc) =	sbr.rel @!p1 .LBB2_12-.Ltmp7, $3  }
0x1a6: {  	_ = 	snop  }
0x1a7: {  	p0 =	seq.f32 s14, $0.0e+00;
	_ =	sdelay $0x1  }
0x1a8: {  	s17 =	sxor.u32 $0x80000000, s15;
	s11 =	simm.s32 @p0 $0x1  }
.LBB2_8:
0x1a9: {  	v45 =	vmov s16;
	s13 =	sadd.s32 $0xFFFFFFF0, s16  }
0x1aa: {  	s14 =	sadd.s32 $0xFFFFFFE0, s16;
	s18 =	sadd.s32 $0xFFFFFFD0, s16;
	s25 =	sadd.s32 $0xFFFFFFC0, s16;
	vm0 =	veq.s32 v45, v6;
	v46 =	vmov s13  }
0x1ab: {  	s26 =	sadd.s32 $0xFFFFFFB0, s16;
	s28 =	sadd.s32 $0xFFFFFFA0, s16;
	s29 =	sadd.s32 $0xFFFFFF90, s16;
	v47 =	vmov s14;
	v48 =	vmov s18;
	v61 =	vmov s25  }
0x1ac: {  	s30 =	sadd.s32 $0xFFFFFF80, s16;
	s31 =	sadd.s32 $0xFFFFFF70, s16;
	s19 =	sadd.s32 $0xFFFFFF40, s16;
	v62 =	vmov s26;
	v63 =	vmov s28;
	v52 =	vmov s29  }
0x1ad: {  	s20 =	sadd.s32 $0xFFFFFF30, s16;
	s21 =	sadd.s32 $0xFFFFFF20, s16;
	s22 =	sadd.s32 $0xFFFFFF10, s16;
	v53 =	vmov s30;
	v54 =	vmov s31;
	v57 =	vmov s19  }
0x1ae: {  	v58 =	vmov s20;
	v59 =	vmov s21;
	v60 =	vmov s22  }
0x1af: {  	v13 =	vsel vm0, $0x0, v13;
	vm9 =	veq.s32 v46, v6;
	vm1 =	veq.s32 v47, v6  }
0x1b0: {  	vm2 =	veq.s32 v48, v6;
	vm10 =	veq.s32 v61, v6;
	vm11 =	veq.s32 v62, v6  }
0x1b1: {  	s14 =	sadd.s32 $0xFFFFFF60, s16;
	s18 =	sadd.s32 $0xFFFFFF50, s16;
	vm12 =	veq.s32 v63, v6;
	vm13 =	veq.s32 v52, v6;
	vm14 =	veq.s32 v53, v6  }
0x1b2: {  	vm15 =	veq.s32 v54, v6;
	v55 =	vmov s14;
	v56 =	vmov s18  }
0x1b3: {  	vm6 =	veq.s32 v57, v6;
	vm7 =	veq.s32 v58, v6;
	vm8 =	veq.s32 v59, v6  }
0x1b4: {  	v14 =	vsel vm9, $0x0, v14;
	v15 =	vsel vm1, $0x0, v15;
	v16 =	vsel vm2, $0x0, v16  }
0x1b5: {  	v17 =	vsel vm10, $0x0, v17;
	v18 =	vsel vm11, $0x0, v18;
	v19 =	vsel vm12, $0x0, v19  }
0x1b6: {  	v20 =	vsel vm13, $0x0, v20;
	v21 =	vsel vm14, $0x0, v21;
	v22 =	vsel vm15, $0x0, v22  }
0x1b7: {  	vm4 =	veq.s32 v55, v6;
	vm5 =	veq.s32 v56, v6;
	v25 =	vsel vm6, $0x0, v25  }
0x1b8: {  	vm9 =	veq.s32 v60, v6;
	v26 =	vsel vm7, $0x0, v26;
	v27 =	vsel vm8, $0x0, v27  }
0x1b9: {  	v23 =	vsel vm4, $0x0, v23;
	v24 =	vsel vm5, $0x0, v24;
	v28 =	vsel vm9, $0x0, v28  }
0x1ba: {  	vm0 =	vgt.f32 v14, v13;
	vm1 =	vgt.f32 v16, v15;
	vm2 =	vgt.f32 v18, v17  }
0x1bb: {  	vm3 =	vgt.f32 v20, v19;
	vm4 =	vgt.f32 v22, v21;
	vm6 =	vgt.f32 v26, v25  }
0x1bc: {  	v61 =	vsel vm0, v14, v13;
	v62 =	vsel vm1, v16, v15;
	v63 =	vsel vm2, v18, v17  }
0x1bd: {  	vm5 =	vgt.f32 v24, v23;
	v49 =	vsel vm3, v20, v19;
	v50 =	vsel vm4, v22, v21  }
0x1be: {  	vm7 =	vgt.f32 v28, v27;
	v52 =	vsel vm6, v26, v25;
	v51 =	vsel vm5, v24, v23  }
0x1bf: {  	vm8 =	vgt.f32 v62, v61;
	v53 =	vsel vm7, v28, v27;
	vm9 =	vgt.f32 v49, v63  }
0x1c0: {  	v46 =	vsel vm8, v62, v61;
	vm10 =	vgt.f32 v51, v50;
	vm11 =	vgt.f32 v53, v52  }
0x1c1: {  	v55 =	vsel vm9, v49, v63;
	v56 =	vsel vm10, v51, v50;
	v57 =	vsel vm11, v53, v52  }
0x1c2: {  	vm12 =	vgt.f32 v55, v46;
	vm13 =	vgt.f32 v57, v56  }
0x1c3: {  	v46 =	vsel vm12, v55, v46;
	v58 =	vsel vm13, v57, v56  }
0x1c4: {  	vm14 =	vgt.f32 v58, v46  }
0x1c5: {  	v46 =	vsel vm14, v58, v46  }
0x1c6: {  	(xrf0) =	vmax.scan.msk.f32 $0xffff, v46;
	_ =	sdelay $0x2  }
0x1c7: {  	v59 =	vsel vm0, $0x10, v0;
	v60 =	vsel vm1, $0x30, v1;
	v62 =	vsel vm3, $0x70, v3  }
0x1c8: {  	v54 =	vsel vm7, $0xF0, v8;
	v61 =	vsel vm2, $0x50, v2;
	v63 =	vsel vm4, $0x90, v4  }
0x1c9: {  	v47 =	vsel vm8, v60, v59;
	v57 =	vsel vm5, $0xB0, v5;
	v58 =	vsel vm6, $0xD0, v7  }
0x1ca: {  	v59 =	vsel vm9, v62, v61;
	v60 =	vsel vm10, v57, v63;
	v61 =	vsel vm11, v54, v58;
	v62, _, _ =	vpop (xrf0)  }
0x1cb: {  	v47 =	vsel vm12, v59, v47;
	v63 =	vsel vm13, v61, v60;
	v52 =	vbroadcast v62, $0xF  }
0x1cc: {  	v47 =	vsel vm14, v63, v47  }
0x1cd: {  	v53 =	vor.u32 v9, v47;
	vm10 =	veq.f32 v46, v52  }
0x1ce: {  	v46 =	vnsel vm10, $0xC0000000, v53  }
0x1cf: {  	(xrf0) =	vmin.scan.msk.u32 $0xffff, v46;
	_ =	sdelay $0x4  }
0x1d0: {  	s23 =	sshll.u32 s16, $0x8;
	s24 =	sshll.u32 s16, $0x7  }
0x1d1: {  	s13 =	sand.u32 $0xFFFFF800, s23;
	s14 =	sand.u32 $0x380, s24;
	(v2sf) =	vpush v62, $0xF;
	v46, _, _ =	vpop (xrf0)  }
0x1d2: {  	s25 =	sor.u32 s14, s13;
	(v2sf) =	vpush v46, $0xF  }
0x1d3: {  	[tilespmem:s25+$0x0] =	vst v10  }
0x1d4: {  	[tilespmem:s25+$0x10] =	vst v10  }
0x1d5: {  	[tilespmem:s25+$0x20] =	vst v10  }
0x1d6: {  	[tilespmem:s25+$0x30] =	vst v10  }
0x1d7: {  	[tilespmem:s25+$0x40] =	vst v10  }
0x1d8: {  	[tilespmem:s25+$0x50] =	vst v10  }
0x1d9: {  	[tilespmem:s25+$0x60] =	vst v10  }
0x1da: {  	[tilespmem:s25+$0x70] =	vst v10  }
0x1db: {  	[tilespmem:s25+$0x400] =	vst v10  }
0x1dc: {  	[tilespmem:s25+$0x410] =	vst v10  }
0x1dd: {  	s26 =	sadd.s32 $0xFFFFFFFF, s12;
	[tilespmem:s25+$0x420] =	vst v10  }
0x1de: {  	[tilespmem:s25+$0x430] =	vst v10;
	v54 =	vmov s26  }
0x1df: {  	[tilespmem:s25+$0x440] =	vst v10  }
0x1e0: {  	[tilespmem:s25+$0x450] =	vst v10;
	s14 =	spop (v2sf)  }
0x1e1: {  	[tilespmem:s25+$0x460] =	vst v10;
	s13 =	spop (v2sf)  }
0x1e2: {  	s30 =	sadd.s32 $0x7FFFFFF0, s15;
	[tilespmem:s25+$0x470] =	vst v10;
	s28 =	sshll.u32 s13, $0x8;
	s29 =	sshll.u32 s13, $0x7  }
0x1e3: {  	s19 =	sadd.s32 $0x7FFFFFC0, s15;
	v55 =	vmov s17;
	[tilespmem:v54+s8+$0x0] =	vst.idx.msk $0x1, v45;
	s16 =	sand.u32 $0xFFFFF800, s28;
	s18 =	sand.u32 $0x380, s29  }
0x1e4: {  	v59 =	vmov s19;
	v56 =	vmov s30;
	[tilespmem:v54+s9+$0x0] =	vst.idx.msk $0x1, v55;
	s16 =	sor.u32 s18, s16  }
0x1e5: {  	s31 =	sadd.s32 $0x7FFFFFE0, s15;
	s23 =	sadd.s32 $0x7FFFFF80, s15;
	vm15 =	veq.s32 v59, v6;
	vm12 =	veq.s32 v56, v6;
	v46 =	vld [tilespmem:s16+$0x0]  }
0x1e6: {  	v57 =	vmov s31;
	v40 =	vsel vm15, $0x0, v40;
	v56 =	vmov s23;
	v45 =	vld [tilespmem:s16+$0x10]  }
0x1e7: {  	s20 =	sadd.s32 $0x7FFFFFB0, s15;
	v43 =	vsel vm12, $0x0, v43;
	vm7 =	veq.s32 v56, v6;
	vm11 =	veq.s32 v55, v6;
	v49 =	vld [tilespmem:s16+$0x20]  }
0x1e8: {  	s24 =	sadd.s32 $0x7FFFFF70, s15;
	v36 =	vsel vm7, $0x0, v36;
	s26 =	sadd.s32 $0x7FFFFF50, s15;
	v44 =	vsel vm11, $0x0, v44;
	vm13 =	veq.s32 v57, v6;
	v61 =	vld [tilespmem:s16+$0x30]  }
0x1e9: {  	s22 =	sadd.s32 $0x7FFFFF90, s15;
	v60 =	vmov s20;
	v57 =	vmov s24;
	v59 =	vmov s26;
	v47 =	vld [tilespmem:s16+$0x40]  }
0x1ea: {  	s30 =	sadd.s32 $0x7FFFFF20, s15;
	v42 =	vsel vm13, $0x0, v42;
	vm4 =	veq.s32 v60, v6;
	v63 =	vmov s22;
	v52 =	vld [tilespmem:s16+$0x50]  }
0x1eb: {  	s21 =	sadd.s32 $0x7FFFFFA0, s15;
	vm8 =	veq.s32 v57, v6;
	v60 =	vmov s30;
	v39 =	vsel vm4, $0x0, v39;
	v51 =	vld [tilespmem:s16+$0x60]  }
0x1ec: {  	vm6 =	veq.s32 v63, v6;
	v35 =	vsel vm8, $0x0, v35;
	v62 =	vmov s21;
	v50 =	vld [tilespmem:s16+$0x70]  }
0x1ed: {  	vm13 =	veq.s32 v60, v6;
	v37 =	vsel vm6, $0x0, v37;
	vm5 =	veq.s32 v62, v6;
	v55 =	vld [tilespmem:s16+$0x400]  }
0x1ee: {  	s31 =	sadd.s32 $0x7FFFFF10, s15;
	v30 =	vsel vm13, $0x0, v30;
	v38 =	vsel vm5, $0x0, v38;
	vm10 =	veq.s32 v59, v6;
	s29 =	sadd.s32 $0x7FFFFF30, s15;
	v54 =	vld [tilespmem:s16+$0x410]  }
0x1ef: {  	v59 =	vmov s31;
	v33 =	vsel vm10, $0x0, v33;
	s28 =	sadd.s32 $0x7FFFFF40, s15;
	s18 =	sadd.s32 $0x7FFFFFD0, s15;
	v57 =	vmov s29;
	v53 =	vld [tilespmem:s16+$0x420]  }
0x1f0: {  	s25 =	sadd.s32 $0x7FFFFF60, s15;
	v56 =	vmov s28;
	v58 =	vmov s18;
	vm12 =	veq.s32 v57, v6;
	v57 =	vld [tilespmem:s16+$0x440]  }
0x1f1: {  	vm11 =	veq.s32 v56, v6;
	v56 =	vld [tilespmem:s16+$0x450];
	vm14 =	veq.s32 v58, v6;
	v58 =	vmov s25  }
0x1f2: {  	v60 =	vld [tilespmem:s16+$0x460];
	v41 =	vsel vm14, $0x0, v41;
	v46 =	vmul.f32 v46, v44;
	v45 =	vmul.f32 v45, v43  }
0x1f3: {  	vm9 =	veq.s32 v58, v6;
	v58 =	vld [tilespmem:s16+$0x430];
	v49 =	vmul.f32 v49, v42;
	v48 =	vmul.f32 v61, v41  }
0x1f4: {  	vm14 =	veq.s32 v59, v6;
	v59 =	vld [tilespmem:s16+$0x470];
	v47 =	vmul.f32 v47, v40;
	v52 =	vmul.f32 v52, v39  }
0x1f5: {  	v32 =	vsel vm11, $0x0, v32;
	v51 =	vmul.f32 v51, v38;
	v50 =	vmul.f32 v50, v37  }
0x1f6: {  	v34 =	vsel vm9, $0x0, v34;
	v55 =	vmul.f32 v55, v36;
	v54 =	vmul.f32 v54, v35  }
0x1f7: {  	v31 =	vsel vm12, $0x0, v31;
	v53 =	vmul.f32 v53, v34;
	v57 =	vmul.f32 v57, v32  }
0x1f8: {  	v29 =	vsel vm14, $0x0, v29;
	v56 =	vmul.f32 v56, v31;
	v60 =	vmul.f32 v60, v30  }
0x1f9: {  	v58 =	vmul.f32 v58, v33;
	v59 =	vmul.f32 v59, v29  }
0x1fa: {  	vm0 =	vgt.f32 v45, v46;
	vm1 =	vgt.f32 v48, v49;
	vm2 =	vgt.f32 v52, v47  }
0x1fb: {  	vm3 =	vgt.f32 v50, v51;
	vm4 =	vgt.f32 v54, v55;
	vm6 =	vgt.f32 v56, v57  }
0x1fc: {  	v45 =	vsel vm0, v45, v46;
	v46 =	vsel vm1, v48, v49;
	v47 =	vsel vm2, v52, v47  }
0x1fd: {  	v48 =	vsel vm3, v50, v51;
	v49 =	vsel vm4, v54, v55;
	v62 =	vsel vm6, v56, v57  }
0x1fe: {  	vm5 =	vgt.f32 v58, v53;
	vm7 =	vgt.f32 v59, v60;
	vm8 =	vgt.f32 v46, v45  }
0x1ff: {  	vm9 =	vgt.f32 v48, v47;
	v61 =	vsel vm5, v58, v53;
	v63 =	vsel vm7, v59, v60  }
0x200: {  	v45 =	vsel vm8, v46, v45;
	vm10 =	vgt.f32 v61, v49;
	vm11 =	vgt.f32 v63, v62  }
0x201: {  	v53 =	vsel vm9, v48, v47;
	v54 =	vsel vm10, v61, v49;
	v55 =	vsel vm11, v63, v62  }
0x202: {  	vm12 =	vgt.f32 v53, v45;
	vm13 =	vgt.f32 v55, v54  }
0x203: {  	v45 =	vsel vm12, v53, v45;
	v56 =	vsel vm13, v55, v54  }
0x204: {  	vm14 =	vgt.f32 v56, v45  }
0x205: {  	v45 =	vsel vm14, v56, v45  }
0x206: {  	(xrf0) =	vmax.scan.msk.f32 $0xffff, v45;
	_ =	sdelay $0x2  }
0x207: {  	v57 =	vsel vm0, $0x10, v0;
	v58 =	vsel vm1, $0x30, v1;
	v60 =	vsel vm3, $0x70, v3  }
0x208: {  	v59 =	vsel vm2, $0x50, v2;
	v46 =	vsel vm8, v58, v57;
	v61 =	vsel vm4, $0x90, v4  }
0x209: {  	v62 =	vsel vm5, $0xB0, v5;
	v63 =	vsel vm6, $0xD0, v7;
	v56 =	vsel vm7, $0xF0, v8  }
0x20a: {  	v57 =	vsel vm9, v60, v59;
	v58 =	vsel vm10, v62, v61;
	v59 =	vsel vm11, v56, v63;
	v60, _, _ =	vpop (xrf0)  }
0x20b: {  	v46 =	vsel vm12, v57, v46;
	v61 =	vsel vm13, v59, v58;
	v62 =	vbroadcast v60, $0xF  }
0x20c: {  	v46 =	vsel vm14, v61, v46  }
0x20d: {  	v63 =	vor.u32 v9, v46;
	(v2sf) =	vpush v60, $0xF;
	vm15 =	veq.f32 v45, v62  }
0x20e: {  	v45 =	vnsel vm15, $0xC0000000, v63  }
0x20f: {  	(xrf0) =	vmin.scan.msk.u32 $0xffff, v45;
	_ =	sdelay $0x5  }
0x210: {  	v45, _, _ =	vpop (xrf0)  }
0x211: {  	(v2sf) =	vpush v45, $0xF;
	_ =	sdelay $0x5  }
0x212: {  	s17 =	spop (v2sf)  }
0x213: {  	p0 =	slt.f32 s14, s17;
	p1 =	sgt.f32 s14, s17  }
0x214: {  	_ = 	snop  }
0x215: {  	p0 =	por p1, p0  }
0x216: {  	p0 =	por !p0, !p0  }
.Ltmp8:
0x217: {  	_ = 	snop;
	(pc) =	sbr.rel @p0 .LBB2_11-.Ltmp8, $2  }
0x218: {  	_ =	sdelay $0x2  }
0x219: {  	s16 =	sxor.u32 $0x80000000, s13;
	s15 =	spop (v2sf)  }
.LBB2_9:
0x21a: {  	s14 =	sadd.s32 $0x7FFFFFF0, s13  }
0x21b: {  	v45 =	vmov s16;
	s15 =	sadd.s32 $0x7FFFFFE0, s13;
	s16 =	sadd.s32 $0x7FFFFFD0, s13  }
0x21c: {  	s18 =	sadd.s32 $0x7FFFFFC0, s13;
	s19 =	sadd.s32 $0x7FFFFFB0, s13  }
0x21d: {  	s20 =	sadd.s32 $0x7FFFFFA0, s13;
	s21 =	sadd.s32 $0x7FFFFF90, s13;
	vm0 =	veq.s32 v45, v6;
	v48 =	vmov s14  }
0x21e: {  	s22 =	sadd.s32 $0x7FFFFF80, s13;
	s23 =	sadd.s32 $0x7FFFFF70, s13;
	v49 =	vmov s15;
	v50 =	vmov s16;
	v51 =	vmov s18  }
0x21f: {  	s24 =	sadd.s32 $0x7FFFFF60, s13;
	s25 =	sadd.s32 $0x7FFFFF50, s13;
	v52 =	vmov s19;
	v53 =	vmov s20;
	v54 =	vmov s21  }
0x220: {  	s26 =	sadd.s32 $0x7FFFFF30, s13;
	s28 =	sadd.s32 $0x7FFFFF20, s13;
	v55 =	vmov s22;
	v56 =	vmov s23;
	v57 =	vmov s24  }
0x221: {  	s29 =	sadd.s32 $0x7FFFFF10, s13;
	v46 =	vmov s25;
	v58 =	vmov s26;
	v59 =	vmov s28  }
0x222: {  	s15 =	sadd.s32 $0x7FFFFF40, s13;
	v60 =	vmov s29;
	v13 =	vsel vm0, s17, v13;
	vm0 =	veq.s32 v48, v6  }
0x223: {  	v47 =	vmov s15;
	vm1 =	veq.s32 v46, v6;
	v14 =	vsel vm0, s17, v14  }
0x224: {  	vm0 =	veq.s32 v49, v6;
	vm2 =	veq.s32 v47, v6;
	v24 =	vsel vm1, s17, v24  }
0x225: {  	vm1 =	veq.s32 v59, v6;
	v15 =	vsel vm0, s17, v15;
	vm0 =	veq.s32 v50, v6  }
0x226: {  	v25 =	vsel vm2, s17, v25;
	vm2 =	veq.s32 v60, v6;
	v27 =	vsel vm1, s17, v27  }
0x227: {  	v16 =	vsel vm0, s17, v16;
	vm0 =	veq.s32 v51, v6;
	v28 =	vsel vm2, s17, v28  }
0x228: {  	v17 =	vsel vm0, s17, v17;
	vm0 =	veq.s32 v52, v6;
	vm1 =	vgt.f32 v16, v15  }
0x229: {  	vm7 =	vgt.f32 v28, v27;
	v18 =	vsel vm0, s17, v18;
	vm0 =	veq.s32 v53, v6  }
0x22a: {  	v62 =	vsel vm1, v16, v15;
	v19 =	vsel vm0, s17, v19;
	vm0 =	veq.s32 v54, v6  }
0x22b: {  	v52 =	vsel vm7, v28, v27;
	v20 =	vsel vm0, s17, v20;
	vm0 =	veq.s32 v55, v6  }
0x22c: {  	vm2 =	vgt.f32 v18, v17;
	v21 =	vsel vm0, s17, v21;
	vm0 =	veq.s32 v56, v6  }
0x22d: {  	vm3 =	vgt.f32 v20, v19;
	v22 =	vsel vm0, s17, v22;
	vm0 =	veq.s32 v57, v6  }
0x22e: {  	v63 =	vsel vm2, v18, v17;
	v48 =	vsel vm3, v20, v19;
	v23 =	vsel vm0, s17, v23  }
0x22f: {  	vm0 =	veq.s32 v58, v6;
	vm4 =	vgt.f32 v22, v21;
	vm9 =	vgt.f32 v48, v63  }
0x230: {  	v26 =	vsel vm0, s17, v26;
	vm0 =	vgt.f32 v14, v13;
	vm5 =	vgt.f32 v24, v23  }
0x231: {  	v49 =	vsel vm4, v22, v21;
	v53 =	vsel vm9, v48, v63;
	vm6 =	vgt.f32 v26, v25  }
0x232: {  	v61 =	vsel vm0, v14, v13;
	v50 =	vsel vm5, v24, v23;
	v51 =	vsel vm6, v26, v25  }
0x233: {  	vm8 =	vgt.f32 v62, v61;
	vm10 =	vgt.f32 v50, v49;
	vm11 =	vgt.f32 v52, v51  }
0x234: {  	v45 =	vsel vm8, v62, v61;
	v54 =	vsel vm10, v50, v49;
	v55 =	vsel vm11, v52, v51  }
0x235: {  	vm12 =	vgt.f32 v53, v45;
	vm13 =	vgt.f32 v55, v54  }
0x236: {  	v45 =	vsel vm12, v53, v45;
	v56 =	vsel vm13, v55, v54  }
0x237: {  	vm14 =	vgt.f32 v56, v45  }
0x238: {  	v45 =	vsel vm14, v56, v45  }
0x239: {  	(xrf0) =	vmax.scan.msk.f32 $0xffff, v45;
	_ =	sdelay $0x2  }
0x23a: {  	v59 =	vsel vm2, $0x50, v2;
	v60 =	vsel vm3, $0x70, v3;
	v57 =	vsel vm0, $0x10, v0  }
0x23b: {  	v58 =	vsel vm1, $0x30, v1;
	v63 =	vsel vm6, $0xD0, v7;
	v61 =	vsel vm4, $0x90, v4  }
0x23c: {  	v62 =	vsel vm5, $0xB0, v5;
	v46 =	vsel vm8, v58, v57;
	v53 =	vsel vm7, $0xF0, v8  }
0x23d: {  	v54 =	vsel vm9, v60, v59;
	v55 =	vsel vm10, v62, v61;
	v56 =	vsel vm11, v53, v63;
	v57, _, _ =	vpop (xrf0)  }
0x23e: {  	v46 =	vsel vm12, v54, v46;
	v58 =	vsel vm13, v56, v55;
	v59 =	vbroadcast v57, $0xF  }
0x23f: {  	v46 =	vsel vm14, v58, v46  }
0x240: {  	v60 =	vor.u32 v9, v46;
	vm0 =	veq.f32 v45, v59  }
0x241: {  	v45 =	vnsel vm0, $0xC0000000, v60  }
0x242: {  	(xrf0) =	vmin.scan.msk.u32 $0xffff, v45;
	_ =	sdelay $0x5  }
0x243: {  	(v2sf) =	vpush v57, $0xF;
	v45, _, _ =	vpop (xrf0)  }
0x244: {  	(v2sf) =	vpush v45, $0xF;
	_ =	sdelay $0xd  }
0x245: {  	s14 =	spop (v2sf)  }
0x246: {  	s13 =	spop (v2sf)  }
0x247: {  	s30 =	sshll.u32 s13, $0x8;
	s31 =	sshll.u32 s13, $0x7  }
0x248: {  	s15 =	sand.u32 $0xFFFFF800, s30;
	s16 =	sand.u32 $0x380, s31  }
0x249: {  	s15 =	sor.u32 s16, s15  }
0x24a: {  	v45 =	vld [tilespmem:s15+$0x0]  }
0x24b: {  	v46 =	vld [tilespmem:s15+$0x10]  }
0x24c: {  	v61 =	vld [tilespmem:s15+$0x20]  }
0x24d: {  	v62 =	vld [tilespmem:s15+$0x30]  }
0x24e: {  	v63 =	vld [tilespmem:s15+$0x40]  }
0x24f: {  	v60 =	vld [tilespmem:s15+$0x50]  }
0x250: {  	v51 =	vld [tilespmem:s15+$0x60]  }
0x251: {  	v52 =	vld [tilespmem:s15+$0x70]  }
0x252: {  	v53 =	vld [tilespmem:s15+$0x400]  }
0x253: {  	v54 =	vld [tilespmem:s15+$0x410]  }
0x254: {  	v55 =	vld [tilespmem:s15+$0x420]  }
0x255: {  	v56 =	vld [tilespmem:s15+$0x430]  }
0x256: {  	v57 =	vld [tilespmem:s15+$0x440];
	v45 =	vmul.f32 v45, v44  }
0x257: {  	v58 =	vld [tilespmem:s15+$0x450];
	v46 =	vmul.f32 v46, v43;
	v47 =	vmul.f32 v61, v42  }
0x258: {  	v59 =	vld [tilespmem:s15+$0x460];
	v48 =	vmul.f32 v62, v41;
	v49 =	vmul.f32 v63, v40  }
0x259: {  	v50 =	vmul.f32 v60, v39;
	v51 =	vmul.f32 v51, v38  }
0x25a: {  	v52 =	vmul.f32 v52, v37;
	v53 =	vmul.f32 v53, v36  }
0x25b: {  	v60 =	vld [tilespmem:s15+$0x470];
	v54 =	vmul.f32 v54, v35;
	v55 =	vmul.f32 v55, v34  }
0x25c: {  	v56 =	vmul.f32 v56, v33;
	v57 =	vmul.f32 v57, v32  }
0x25d: {  	v58 =	vmul.f32 v58, v31;
	v59 =	vmul.f32 v59, v30;
	vm0 =	vgt.f32 v46, v45  }
0x25e: {  	vm1 =	vgt.f32 v48, v47;
	vm2 =	vgt.f32 v50, v49;
	vm3 =	vgt.f32 v52, v51  }
0x25f: {  	vm4 =	vgt.f32 v54, v53;
	vm5 =	vgt.f32 v56, v55;
	vm6 =	vgt.f32 v58, v57  }
0x260: {  	v45 =	vsel vm0, v46, v45;
	v46 =	vsel vm1, v48, v47;
	v60 =	vmul.f32 v60, v29  }
0x261: {  	v61 =	vsel vm2, v50, v49;
	v62 =	vsel vm3, v52, v51;
	v63 =	vsel vm4, v54, v53  }
0x262: {  	v56 =	vsel vm5, v56, v55;
	v58 =	vsel vm6, v58, v57;
	vm7 =	vgt.f32 v60, v59  }
0x263: {  	vm8 =	vgt.f32 v46, v45;
	vm9 =	vgt.f32 v62, v61;
	v59 =	vsel vm7, v60, v59  }
0x264: {  	vm10 =	vgt.f32 v56, v63;
	v45 =	vsel vm8, v46, v45;
	vm11 =	vgt.f32 v59, v58  }
0x265: {  	v60 =	vsel vm9, v62, v61;
	v61 =	vsel vm10, v56, v63;
	v62 =	vsel vm11, v59, v58  }
0x266: {  	vm12 =	vgt.f32 v60, v45;
	vm13 =	vgt.f32 v62, v61  }
0x267: {  	v45 =	vsel vm12, v60, v45;
	v63 =	vsel vm13, v62, v61  }
0x268: {  	vm14 =	vgt.f32 v63, v45  }
0x269: {  	v45 =	vsel vm14, v63, v45  }
0x26a: {  	(xrf0) =	vmax.scan.msk.f32 $0xffff, v45;
	_ =	sdelay $0x5  }
0x26b: {  	v46, _, _ =	vpop (xrf0)  }
0x26c: {  	(v2sf) =	vpush v46, $0xF;
	_ =	sdelay $0xe  }
0x26d: {  	s17 =	spop (v2sf)  }
0x26e: {  	p0 =	slt.f32 s14, s17;
	p1 =	sgt.f32 s14, s17  }
0x26f: {  	_ = 	snop  }
0x270: {  	p0 =	por p1, p0  }
.Ltmp9:
0x271: {  	_ = 	snop;
	(pc) =	sbr.rel @p0 .LBB2_9-.Ltmp9, $2  }
0x272: {  	_ =	sdelay $0x2  }
0x273: {  	s16 =	sxor.u32 $0x80000000, s13  }
0x274: {  	v47 =	vsel vm0, $0x10, v0;
	v48 =	vsel vm1, $0x30, v1;
	v49 =	vsel vm2, $0x50, v2  }
0x275: {  	v50 =	vsel vm3, $0x70, v3;
	v51 =	vsel vm4, $0x90, v4;
	v52 =	vsel vm5, $0xB0, v5  }
0x276: {  	v53 =	vsel vm6, $0xD0, v7;
	v54 =	vsel vm7, $0xF0, v8;
	v47 =	vsel vm8, v48, v47  }
0x277: {  	v59 =	vsel vm9, v50, v49;
	v60 =	vsel vm10, v52, v51;
	v61 =	vsel vm11, v54, v53  }
0x278: {  	v46 =	vbroadcast v46, $0xF;
	v47 =	vsel vm12, v59, v47;
	v62 =	vsel vm13, v61, v60  }
0x279: {  	v47 =	vsel vm14, v62, v47  }
0x27a: {  	vm15 =	veq.f32 v45, v46;
	v63 =	vor.u32 v9, v47  }
0x27b: {  	v45 =	vnsel vm15, $0xC0000000, v63  }
0x27c: {  	(xrf0) =	vmin.scan.msk.u32 $0xffff, v45;
	_ =	sdelay $0x5  }
0x27d: {  	v45, _, _ =	vpop (xrf0)  }
0x27e: {  	(v2sf) =	vpush v45, $0xF;
	_ =	sdelay $0xa  }
.Ltmp10:
0x27f: {  	_ = 	snop;
	(pc) =	sbr.rel .LBB2_11-.Ltmp10, $2  }
0x280: {  	_ =	sdelay $0x2  }
0x281: {  	s15 =	spop (v2sf)  }
.LBB2_12:
0x282: {  	s12 =	sshll.u32 s16, $0x8;
	s13 =	sshll.u32 s16, $0x7  }
0x283: {  	s12 =	sand.u32 $0xFFFFF800, s12;
	s13 =	sand.u32 $0x380, s13  }
0x284: {  	s12 =	sor.u32 s13, s12  }
0x285: {  	[tilespmem:s12+$0x0] =	vst v10  }
0x286: {  	[tilespmem:s12+$0x10] =	vst v10  }
0x287: {  	[tilespmem:s12+$0x20] =	vst v10  }
0x288: {  	[tilespmem:s12+$0x30] =	vst v10  }
0x289: {  	[tilespmem:s12+$0x40] =	vst v10  }
0x28a: {  	[tilespmem:s12+$0x50] =	vst v10  }
0x28b: {  	[tilespmem:s12+$0x60] =	vst v10  }
0x28c: {  	[tilespmem:s12+$0x70] =	vst v10  }
0x28d: {  	[tilespmem:s12+$0x400] =	vst v10  }
0x28e: {  	[tilespmem:s12+$0x410] =	vst v10  }
0x28f: {  	[tilespmem:s12+$0x420] =	vst v10  }
0x290: {  	[tilespmem:s12+$0x430] =	vst v10  }
0x291: {  	p0 =	seq.s32 s11, $0x0;
	[tilespmem:s12+$0x440] =	vst v10  }
.Ltmp11:
0x292: {  	[tilespmem:s12+$0x450] =	vst v10;
	(pc) =	sbr.rel @p0 .LBB2_16-.Ltmp11, $4  }
0x293: {  	[tilespmem:s12+$0x460] =	vst v10  }
0x294: {  	v13 =	vmov s16;
	[tilespmem:s12+$0x470] =	vst v10  }
0x295: {  	[tilespmem:v11+s8+$0x0] =	vst.idx.msk $0x1, v13;
	v13 =	vmov s17  }
0x296: {  	s12 =	simm.s32 $0x0;
	[tilespmem:v11+s9+$0x0] =	vst.idx.msk $0x1, v13  }
0x297: {  	s11 =	sand.u32 $0xF800, s12;
	s13 =	sand.u32 $0x380, s12  }
0x298: {  	s11 =	sor.u32 s13, s11  }
0x299: {  	[tilespmem:s11+$0x470] =	vst v10  }
0x29a: {  	[tilespmem:s11+$0x0] =	vst v10  }
0x29b: {  	[tilespmem:s11+$0x10] =	vst v10  }
0x29c: {  	[tilespmem:s11+$0x20] =	vst v10  }
0x29d: {  	[tilespmem:s11+$0x30] =	vst v10  }
0x29e: {  	[tilespmem:s11+$0x40] =	vst v10  }
0x29f: {  	[tilespmem:s11+$0x50] =	vst v10  }
0x2a0: {  	[tilespmem:s11+$0x60] =	vst v10  }
0x2a1: {  	[tilespmem:s11+$0x70] =	vst v10  }
0x2a2: {  	[tilespmem:s11+$0x400] =	vst v10  }
0x2a3: {  	[tilespmem:s11+$0x410] =	vst v10  }
0x2a4: {  	[tilespmem:s11+$0x420] =	vst v10  }
0x2a5: {  	[tilespmem:s11+$0x430] =	vst v10  }
0x2a6: {  	s31 =	sadd.s32 $0x100, s12;
	s12 =	sadd.s32 $0x80, s12;
	[tilespmem:s11+$0x440] =	vst v10  }
0x2a7: {  	s14 =	sand.u32 $0xF800, s31;
	s15 =	sand.u32 $0x380, s12;
	s13 =	sadd.s32 $0x100, s31;
	[tilespmem:s11+$0x450] =	vst v10  }
.LBB2_14:
0x2a8: {  	p0 =	sne.s32 s13, $0xFF00;
	[tilespmem:s11+$0x460] =	vst v10;
	s11 =	sor.u32 s15, s14  }
0x2a9: {  	[tilespmem:s11+$0x470] =	vst v10  }
0x2aa: {  	[tilespmem:s11+$0x0] =	vst v10  }
0x2ab: {  	[tilespmem:s11+$0x10] =	vst v10  }
0x2ac: {  	[tilespmem:s11+$0x20] =	vst v10  }
0x2ad: {  	[tilespmem:s11+$0x30] =	vst v10  }
0x2ae: {  	[tilespmem:s11+$0x40] =	vst v10  }
0x2af: {  	[tilespmem:s11+$0x50] =	vst v10  }
0x2b0: {  	[tilespmem:s11+$0x60] =	vst v10  }
0x2b1: {  	[tilespmem:s11+$0x70] =	vst v10  }
0x2b2: {  	[tilespmem:s11+$0x400] =	vst v10  }
.Ltmp12:
0x2b3: {  	[tilespmem:s11+$0x410] =	vst v10;
	(pc) =	sbr.rel @p0 .LBB2_14-.Ltmp12, $4  }
0x2b4: {  	[tilespmem:s11+$0x420] =	vst v10  }
0x2b5: {  	[tilespmem:s11+$0x430] =	vst v10  }
0x2b6: {  	s12 =	sadd.s32 $0x80, s12;
	[tilespmem:s11+$0x440] =	vst v10  }
0x2b7: {  	s14 =	sand.u32 $0xF800, s13;
	s13 =	sadd.s32 $0x100, s13;
	s15 =	sand.u32 $0x380, s12;
	[tilespmem:s11+$0x450] =	vst v10  }
.Ltmp13:
0x2b8: {  	_ = 	snop;
	(pc) =	sbr.rel .LBB2_15-.Ltmp13, $1  }
0x2b9: {  	_ =	sdelay $0x3  }
.LBB2_17:
0x2ba: {  	_ =	sfence.sel $0x180000  }
0x2bb: {  	[bflag:$0x0] =	sbarrier.arrive $0xFFFF  }
0x2bc: {  	p0 =	sne.s32 s1, $0x0;
	_ =	strace $0x90000047  }
0x2bd: {  	s0 =	sadd.s32 @!p0 $0x100000, s0;
	[bflag:$0x2] =	sbarrier.arrive $0xFFFF  }
0x2be: {  	[sflag:s0] =	ssyncadd.tile.s32 @!p0 $0x1;
	_ =	shalt  }
.Lfunc_end2:
_tile_overlayer_lowered:
.L_overlay_start_2:
0x2bf: {  	(tag) =	ssettag $0x2  }
0x2c0: {  	s0 =	rddreg [dreg:$0x0];
	s2 =	stileid.u32  }
0x2c1: {  	s1 =	rddreg [dreg:$0x1];
	p0 =	sne.s32 s2, $0x0  }
0x2c2: {  	s3 =	rddreg [dreg:$0x2];
	[bflag:$0x3] =	sbarrier.arrive $0xFFFF;
	s2 =	simm.s32 @!p0 $0x1C01  }
0x2c3: {  	[timem:s3], [sflag:s2] =	dma.local @!p0 [hbm:s0], s1  }
0x2c4: {  	s0 =	simm.s32 @!p0 $0x1  }
0x2c5: {  	_ =	swait.ge @!p0 [sflag:s0], s1  }
0x2c6: {  	s1 =	ssub.s32 @!p0 $0x0, s1;
	[sflag:s0] =	ssyncset.done @!p0 $0x0  }
0x2c7: {  	[sflag:s0] =	ssyncadd.s32 @!p0 s1  }
0x2c8: {  	[bflag:$0x3] =	sbarrier.arrive $0xFFFF  }
0x2c9: {  	_ =	shalt  }

</sc_bundles>
